<compile_context>
chip_gen: v7x
topology: tpu7x:2x2x1
jax: 0.10.2.dev20260603
libtpu: 0.0.44.dev20260713+nightly
codegen_flags: <defaults>
</compile_context>

<pallas_src>
import functools

import jax
import jax.numpy as jnp
from jax import lax
from jax.experimental import pallas as pl
from jax.experimental.pallas import tpu as pltpu
from jax.experimental.pallas import tpu_sc as plsc

GS = 7
WPAD = 72


def _integral_body(f_ref, out_ref):
    h = f_ref.shape[2]
    ri = lax.broadcasted_iota(jnp.int32, (h, h), 0)
    ci = lax.broadcasted_iota(jnp.int32, (h, h), 1)
    ltri = (ri >= ci).astype(jnp.float32)
    utri = (ri <= ci).astype(jnp.float32)

    out_ref[...] = jnp.zeros(out_ref.shape, jnp.float32)

    def per_channel(i, carry):
        x = f_ref[0, i, :, :]
        cw = jnp.dot(x, utri, preferred_element_type=jnp.float32,
                     precision=lax.Precision.HIGHEST)
        chw = jnp.dot(ltri, cw, preferred_element_type=jnp.float32,
                      precision=lax.Precision.HIGHEST)
        out_ref[0, i, 0, pl.ds(1, h), pl.ds(1, h)] = chw
        return carry

    lax.fori_loop(0, f_ref.shape[1], per_channel, 0)


def _integral_image(features, od):
    b, c, h, w = features.shape
    return pl.pallas_call(
        _integral_body,
        grid=(b, od),
        in_specs=[pl.BlockSpec((1, GS * GS, h, w), lambda bi, oi: (bi, oi, 0, 0))],
        out_specs=pl.BlockSpec((1, GS * GS, 1, h + 1, WPAD),
                               lambda bi, oi: (oi, 0, bi, 0, 0)),
        out_shape=jax.ShapeDtypeStruct((od, GS * GS, b, h + 1, WPAD), jnp.float32),
    )(features)


def _psroi_sc(rois_flat, iview, n, npad, od, hdim):
    og = od // GS
    ntask = GS * GS * og
    nw = 32
    kmax = -(-ntask // nw)
    nchunk = npad // 16
    rpad = -(-(n * 5) // 16) * 16 + 16
    mesh = plsc.VectorSubcoreMesh(core_axis_name="c", subcore_axis_name="s")
    hlim = float(hdim)

    @functools.partial(
        pl.kernel,
        mesh=mesh,
        compiler_params=pltpu.CompilerParams(
            needs_layout_passes=False, use_tc_tiling_on_sc=False),
        out_type=jax.ShapeDtypeStruct((ntask, npad, GS), jnp.float32),
        scratch_types=[
            pltpu.VMEM((rpad,), jnp.float32),
            pltpu.VMEM((GS, 2, hdim + 1, WPAD), jnp.float32),
            pltpu.VMEM((npad, GS), jnp.float32),
        ],
    )
    def body(rois_hbm, iview_hbm, out_hbm, rois_v, table_v, out_v):
        wid = lax.axis_index("s") * 2 + lax.axis_index("c")

        def zero(i, carry):
            rois_v[pl.ds(i * 16, 16)] = jnp.zeros((16,), jnp.float32)
            return carry

        lax.fori_loop(0, rpad // 16, zero, 0)
        pltpu.sync_copy(rois_hbm, rois_v.at[pl.ds(0, n * 5)])

        def run_task(t):
            p = t // og
            g = t - p * og
            gh = p // GS
            gw = p - gh * GS
            pltpu.sync_copy(iview_hbm.at[pl.ds(g * GS, GS), p], table_v)

            ghf = gh.astype(jnp.float32)
            gwf = gw.astype(jnp.float32)

            def chunk(ci, carry):
                base = ci * 16
                nvec = base + lax.broadcasted_iota(jnp.int32, (16,), 0)
                f0 = nvec * 5
                bf = plsc.load_gather(rois_v, [f0])
                rsw = plsc.load_gather(rois_v, [f0 + 1])
                rsh = plsc.load_gather(rois_v, [f0 + 2])
                rew = plsc.load_gather(rois_v, [f0 + 3])
                reh = plsc.load_gather(rois_v, [f0 + 4])
                bi = jnp.clip(bf.astype(jnp.int32), 0, 1)
                binw = jnp.maximum(rew - rsw, 0.1) / GS
                binh = jnp.maximum(reh - rsh, 0.1) / GS
                hsf = jnp.clip(ghf * binh + rsh, 0.0, hlim)
                wsf = jnp.clip(gwf * binw + rsw, 0.0, hlim)
                hef = jnp.clip((ghf + 1.0) * binh + rsh, 0.0, hlim)
                wef = jnp.clip((gwf + 1.0) * binw + rsw, 0.0, hlim)
                hs = hsf.astype(jnp.int32)
                ws = wsf.astype(jnp.int32)
                he = hef.astype(jnp.int32)
                he = he + (he.astype(jnp.float32) < hef).astype(jnp.int32)
                we = wef.astype(jnp.int32)
                we = we + (we.astype(jnp.float32) < wef).astype(jnp.int32)
                area = (he - hs) * (we - ws)
                inv = 1.0 / jnp.maximum(area, 1).astype(jnp.float32)
                pos = area > 0
                for ol in range(GS):
                    ov = jnp.full((16,), ol, jnp.int32)
                    s = (plsc.load_gather(table_v, [ov, bi, he, we])
                         - plsc.load_gather(table_v, [ov, bi, hs, we])
                         - plsc.load_gather(table_v, [ov, bi, he, ws])
                         + plsc.load_gather(table_v, [ov, bi, hs, ws]))
                    val = jnp.where(pos, s * inv, jnp.float32(0.0))
                    plsc.store_scatter(out_v, [nvec, ov], val)
                return carry

            lax.fori_loop(0, nchunk, chunk, 0)
            pltpu.sync_copy(out_v, out_hbm.at[t])

        for k in range(kmax):
            t = wid + k * nw
            if (k + 1) * nw > ntask:
                @pl.when(t < ntask)
                def _():
                    run_task(t)
            else:
                run_task(t)

    return body(rois_flat, iview)


def kernel(rois, features, stride):
    b, c, h, w = features.shape
    n = rois.shape[0]
    od = c // (GS * GS)
    npad = -(-n // 16) * 16
    og = od // GS
    scale = 1.0 / jnp.asarray(stride, jnp.float32)
    r = rois[:, :5].astype(jnp.float32)
    rois_flat = jnp.stack(
        [r[:, 0],
         jnp.round(r[:, 1]) * scale,
         jnp.round(r[:, 2]) * scale,
         jnp.round(r[:, 3] + 1.0) * scale,
         jnp.round(r[:, 4] + 1.0) * scale],
        axis=1).reshape(-1)
    iview = _integral_image(features.astype(jnp.float32), od)
    blocks = _psroi_sc(rois_flat, iview, n, npad, od, h)
    out = blocks.reshape(GS * GS, og, npad, GS)
    out = jnp.transpose(out, (2, 1, 3, 0)).reshape(npad, od, GS * GS)
    return out[:n].reshape(n, od, GS, GS)

# --- scband reference (transcript-rebuilt; emitter-appended) ---
"""Pipeline reference for scband-psro-ipool-82394652606918 (READ-ONLY COPY).

The authoritative reference and input builder live on the scoring server;
editing this copy changes nothing except your own understanding.
"""

import jax, jax.numpy as jnp
import numpy as np

GROUP_SIZE = 7

def setup_inputs(seed: int = 0) -> dict:
    key = jax.random.key(seed)
    k1, k2, k3, k4 = jax.random.split(key, 4)
    B, C, H, W = 2, 1029, 64, 64
    N = 5000
    stride = 16
    img_h, img_w = H * stride, W * stride
    features = jax.random.normal(k1, (B, C, H, W), dtype=jnp.float32)
    batch_idx = jax.random.randint(k2, (N,), 0, B).astype(jnp.float32)
    xy1 = jax.random.uniform(k3, (N, 2), dtype=jnp.float32) * jnp.array([img_w * 0.5, img_h * 0.5], dtype=jnp.float32)
    wh = jax.random.uniform(k4, (N, 2), dtype=jnp.float32) * jnp.array([img_w * 0.5, img_h * 0.5], dtype=jnp.float32) + 16.0
    x1 = xy1[:, 0]; y1 = xy1[:, 1]
    x2 = jnp.minimum(x1 + wh[:, 0], img_w - 1.0)
    y2 = jnp.minimum(y1 + wh[:, 1], img_h - 1.0)
    rois = jnp.stack([batch_idx, x1, y1, x2, y2], axis=1)
    return {"rois": rois, "features": features, "stride": stride}


def psroi_pool(features, rois, group_size, spatial_scale, output_dim):
    # Position-sensitive RoI average pooling (R-FCN), exact via integral image.
    B, C, H, W = features.shape
    gs = group_size
    b = rois[:, 0].astype(jnp.int32)
    roi_start_w = jnp.round(rois[:, 1]) * spatial_scale
    roi_start_h = jnp.round(rois[:, 2]) * spatial_scale
    roi_end_w = jnp.round(rois[:, 3] + 1.0) * spatial_scale
    roi_end_h = jnp.round(rois[:, 4] + 1.0) * spatial_scale
    roi_w = jnp.maximum(roi_end_w - roi_start_w, 0.1)
    roi_h = jnp.maximum(roi_end_h - roi_start_h, 0.1)
    bin_w = roi_w / gs
    bin_h = roi_h / gs
    g = jnp.arange(gs, dtype=jnp.float32)
    hstart = jnp.floor(g[None, :] * bin_h[:, None] + roi_start_h[:, None])
    hend = jnp.ceil((g[None, :] + 1.0) * bin_h[:, None] + roi_start_h[:, None])
    wstart = jnp.floor(g[None, :] * bin_w[:, None] + roi_start_w[:, None])
    wend = jnp.ceil((g[None, :] + 1.0) * bin_w[:, None] + roi_start_w[:, None])
    hstart = jnp.clip(hstart, 0, H).astype(jnp.int32)
    hend = jnp.clip(hend, 0, H).astype(jnp.int32)
    wstart = jnp.clip(wstart, 0, W).astype(jnp.int32)
    wend = jnp.clip(wend, 0, W).astype(jnp.int32)
    # integral image, padded with a leading zero row/col
    I = jnp.pad(jnp.cumsum(jnp.cumsum(features, axis=2), axis=3), ((0, 0), (0, 0), (1, 0), (1, 0)))
    c = jnp.arange(output_dim)
    chan = (c[:, None, None] * gs + jnp.arange(gs)[None, :, None]) * gs + jnp.arange(gs)[None, None, :]  # [Od,gs,gs]
    bidx = b[:, None, None, None]            # [N,1,1,1]
    ch = chan[None]                          # [1,Od,gs,gs]
    he = hend[:, None, :, None]; hs = hstart[:, None, :, None]   # [N,1,gs,1]
    we = wend[:, None, None, :]; ws = wstart[:, None, None, :]   # [N,1,1,gs]
    S = I[bidx, ch, he, we] - I[bidx, ch, hs, we] - I[bidx, ch, he, ws] + I[bidx, ch, hs, ws]
    area = (hend - hstart)[:, None, :, None] * (wend - wstart)[:, None, None, :]
    out = jnp.where(area > 0, S / jnp.maximum(area, 1).astype(features.dtype), jnp.zeros((), features.dtype))
    return out


def reference(rois, features, stride):
    group_size = GROUP_SIZE
    rois = rois[:, :5].astype(features.dtype)
    spatial_scale = 1.0 / stride
    output_dim = features.shape[1] // (group_size ** 2)
    assert group_size ** 2 * output_dim == features.shape[1]
    return psroi_pool(features, rois, group_size, spatial_scale, output_dim)

if __name__ == "__main__":
    import jax
    _d = setup_inputs()
    print(jax.jit(kernel)(*tuple(_d.values())))

</pallas_src>

<mosaic_0001>
#map = affine_map<(d0, d1) -> (0)>
#map1 = affine_map<(d0, d1) -> (0, 0, 0, 0, 0)>
#map2 = affine_map<(d0, d1) -> (0, 0, 0)>
module attributes {stable_mosaic.version = 14 : i64} {
  func.func @body(%arg0: i32, %arg1: i32, %arg2: memref<25000xf32, #tpu.memory_space<hbm>>, %arg3: memref<21x49x2x65x72xf32, #tpu.memory_space<hbm>>, %arg4: memref<147x5008x7xf32, #tpu.memory_space<hbm>>, %arg5: memref<25024xf32, #tpu.memory_space<vmem>>, %arg6: memref<7x2x65x72xf32, #tpu.memory_space<vmem>>, %arg7: memref<5008x7xf32, #tpu.memory_space<vmem>>) attributes {dimension_semantics = [#tpu.dimension_semantics<core_parallel>, #tpu.dimension_semantics<subcore_parallel>], iteration_bounds = array<i64: 2, 16>, scalar_prefetch = 0 : i64, scratch_operands = 3 : i64, tpu.core_type = #tpu.core_type<sc_vector_subcore>, window_params = [{transform_indices = #map}, {transform_indices = #map1}, {transform_indices = #map2}]} {
    %mul3A = arith.constant 2 : i32
    %mul3A_0 = arith.muli %arg1, %mul3A : i32
    %add3A = arith.addi %mul3A_0, %arg0 : i32
    %scan3A = arith.constant 0 : i32
    %scan3A_1 = arith.constant 0 : i32
    %scan3A_2 = arith.constant 1564 : i32
    %scan3A_3 = arith.addi %scan3A_1, %scan3A_2 : i32
    %scan3A_4 = arith.constant 1 : i32
    scf.for %scan3A_266 = %scan3A_1 to %scan3A_3 step %scan3A_4  : i32 {
      %broadcast_in_dim3A = arith.constant 0.000000e+00 : f32
      %broadcast_in_dim3A_267 = vector.broadcast %broadcast_in_dim3A : f32 to vector<16xf32>
      %mul3A_268 = arith.constant 16 : i32
      %mul3A_269 = arith.muli %scan3A_266, %mul3A_268 : i32
      %swap3A = arith.index_cast %mul3A_269 : i32 to index
      %swap3A_270 = tpu.vector_load %arg5[%swap3A] {strides = array<i32>} : memref<25024xf32, #tpu.memory_space<vmem>>, vector<16xf32>,
      tpu.vector_store %arg5[%swap3A], %broadcast_in_dim3A_267 {strides = array<i32>} : memref<25024xf32, #tpu.memory_space<vmem>>, vector<16xf32>,
    }
    %scan3A_5 = arith.constant 1564 : i32
    "tpu.region"() ({
      %run_scoped3A = tpu.sem_alloc : memref<!tpu.dma_semaphore, #tpu.memory_space<semaphore_mem>>
      %dma_start3A = arith.constant 0 : i32
      %dma_start3A_266 = tpu.memref_slice %arg5[%dma_start3A] : memref<25024xf32, #tpu.memory_space<vmem>> -> memref<25000xf32, #tpu.memory_space<vmem>>
      %dma_start3A_267 = arith.constant 0 : i32
      %dma_start3A_268 = tpu.memref_slice %arg5[%dma_start3A_267] : memref<25024xf32, #tpu.memory_space<vmem>> -> memref<25000xf32, #tpu.memory_space<vmem>>
      tpu.enqueue_dma source(%arg2 : memref<25000xf32, #tpu.memory_space<hbm>>) target(%dma_start3A_268 : memref<25000xf32, #tpu.memory_space<vmem>>) target_semaphore(%run_scoped3A : memref<!tpu.dma_semaphore, #tpu.memory_space<semaphore_mem>>)
      %dma_wait3A = arith.constant 0 : i32
      %dma_wait3A_269 = tpu.memref_slice %arg5[%dma_wait3A] : memref<25024xf32, #tpu.memory_space<vmem>> -> memref<25000xf32, #tpu.memory_space<vmem>>
      %dma_wait3A_270 = arith.constant 0 : i32
      %dma_wait3A_271 = tpu.memref_slice %arg5[%dma_wait3A_270] : memref<25024xf32, #tpu.memory_space<vmem>> -> memref<25000xf32, #tpu.memory_space<vmem>>
      tpu.wait_dma2 semaphore(%run_scoped3A : memref<!tpu.dma_semaphore, #tpu.memory_space<semaphore_mem>>) src(%arg2 : memref<25000xf32, #tpu.memory_space<hbm>>) dst(%dma_wait3A_271 : memref<25000xf32, #tpu.memory_space<vmem>>)
      tpu.yield
    }) : () -> ()
    %add3A_6 = arith.constant 0 : i32
    %add3A_7 = arith.addi %add3A, %add3A_6 : i32
    %jit3A = arith.constant 3 : i32
    %div3A = arith.divsi %add3A_7, %jit3A : i32
    %sign3A = arith.constant 0 : i32
    %sign3A_8 = arith.cmpi sgt, %add3A_7, %sign3A : i32
    %sign3A_9 = arith.extui %sign3A_8 : i1 to i32
    %sign3A_10 = arith.constant 0 : i32
    %sign3A_11 = arith.cmpi slt, %add3A_7, %sign3A_10 : i32
    %sign3A_12 = arith.extui %sign3A_11 : i1 to i32
    %sign3A_13 = arith.subi %sign3A_9, %sign3A_12 : i32
    %sign3A_14 = arith.constant 0 : i32
    %sign3A_15 = arith.cmpi sgt, %jit3A, %sign3A_14 : i32
    %sign3A_16 = arith.extui %sign3A_15 : i1 to i32
    %sign3A_17 = arith.constant 0 : i32
    %sign3A_18 = arith.cmpi slt, %jit3A, %sign3A_17 : i32
    %sign3A_19 = arith.extui %sign3A_18 : i1 to i32
    %sign3A_20 = arith.subi %sign3A_16, %sign3A_19 : i32
    %ne3A = arith.cmpi ne, %sign3A_13, %sign3A_20 : i32
    %rem3A = arith.remsi %add3A_7, %jit3A : i32
    %ne3A_21 = arith.constant 0 : i32
    %ne3A_22 = arith.cmpi ne, %rem3A, %ne3A_21 : i32
    %and3A = arith.andi %ne3A, %ne3A_22 : i1
    %sub3A = arith.constant 1 : i32
    %sub3A_23 = arith.subi %div3A, %sub3A : i32
    %select_n3A = arith.select %and3A, %sub3A_23, %div3A : i32
    %mul3A_24 = arith.constant 3 : i32
    %mul3A_25 = arith.muli %select_n3A, %mul3A_24 : i32
    %sub3A_26 = arith.subi %add3A_7, %mul3A_25 : i32
    %jit3A_27 = arith.constant 7 : i32
    %div3A_28 = arith.divsi %select_n3A, %jit3A_27 : i32
    %sign3A_29 = arith.constant 0 : i32
    %sign3A_30 = arith.cmpi sgt, %select_n3A, %sign3A_29 : i32
    %sign3A_31 = arith.extui %sign3A_30 : i1 to i32
    %sign3A_32 = arith.constant 0 : i32
    %sign3A_33 = arith.cmpi slt, %select_n3A, %sign3A_32 : i32
    %sign3A_34 = arith.extui %sign3A_33 : i1 to i32
    %sign3A_35 = arith.subi %sign3A_31, %sign3A_34 : i32
    %sign3A_36 = arith.constant 0 : i32
    %sign3A_37 = arith.cmpi sgt, %jit3A_27, %sign3A_36 : i32
    %sign3A_38 = arith.extui %sign3A_37 : i1 to i32
    %sign3A_39 = arith.constant 0 : i32
    %sign3A_40 = arith.cmpi slt, %jit3A_27, %sign3A_39 : i32
    %sign3A_41 = arith.extui %sign3A_40 : i1 to i32
    %sign3A_42 = arith.subi %sign3A_38, %sign3A_41 : i32
    %ne3A_43 = arith.cmpi ne, %sign3A_35, %sign3A_42 : i32
    %rem3A_44 = arith.remsi %select_n3A, %jit3A_27 : i32
    %ne3A_45 = arith.constant 0 : i32
    %ne3A_46 = arith.cmpi ne, %rem3A_44, %ne3A_45 : i32
    %and3A_47 = arith.andi %ne3A_43, %ne3A_46 : i1
    %sub3A_48 = arith.constant 1 : i32
    %sub3A_49 = arith.subi %div3A_28, %sub3A_48 : i32
    %select_n3A_50 = arith.select %and3A_47, %sub3A_49, %div3A_28 : i32
    %mul3A_51 = arith.constant 7 : i32
    %mul3A_52 = arith.muli %select_n3A_50, %mul3A_51 : i32
    %sub3A_53 = arith.subi %select_n3A, %mul3A_52 : i32
    %mul3A_54 = arith.constant 7 : i32
    %mul3A_55 = arith.muli %sub3A_26, %mul3A_54 : i32
    "tpu.region"() ({
      %run_scoped3A = tpu.sem_alloc : memref<!tpu.dma_semaphore, #tpu.memory_space<semaphore_mem>>
      %dma_start3A = arith.constant 0 : i32
      %dma_start3A_266 = arith.constant 0 : i32
      %dma_start3A_267 = arith.constant 0 : i32
      %dma_start3A_268 = tpu.memref_slice %arg3[%mul3A_55, %select_n3A, %dma_start3A, %dma_start3A_266, %dma_start3A_267] : memref<21x49x2x65x72xf32, #tpu.memory_space<hbm>> -> memref<7x1x2x65x72xf32, #tpu.memory_space<hbm>>
      %dma_start3A_269 = tpu.memref_squeeze %dma_start3A_268 : memref<7x1x2x65x72xf32, #tpu.memory_space<hbm>> -> memref<7x2x65x72xf32, #tpu.memory_space<hbm>>
      %dma_start3A_270 = arith.constant 0 : i32
      %dma_start3A_271 = arith.constant 0 : i32
      %dma_start3A_272 = arith.constant 0 : i32
      %dma_start3A_273 = tpu.memref_slice %arg3[%mul3A_55, %select_n3A, %dma_start3A_270, %dma_start3A_271, %dma_start3A_272] : memref<21x49x2x65x72xf32, #tpu.memory_space<hbm>> -> memref<7x1x2x65x72xf32, #tpu.memory_space<hbm>>
      %dma_start3A_274 = tpu.memref_squeeze %dma_start3A_273 : memref<7x1x2x65x72xf32, #tpu.memory_space<hbm>> -> memref<7x2x65x72xf32, #tpu.memory_space<hbm>>
      tpu.enqueue_dma source(%dma_start3A_274 : memref<7x2x65x72xf32, #tpu.memory_space<hbm>>) target(%arg6 : memref<7x2x65x72xf32, #tpu.memory_space<vmem>>) target_semaphore(%run_scoped3A : memref<!tpu.dma_semaphore, #tpu.memory_space<semaphore_mem>>)
      %dma_wait3A = arith.constant 0 : i32
      %dma_wait3A_275 = arith.constant 0 : i32
      %dma_wait3A_276 = arith.constant 0 : i32
      %dma_wait3A_277 = tpu.memref_slice %arg3[%mul3A_55, %select_n3A, %dma_wait3A, %dma_wait3A_275, %dma_wait3A_276] : memref<21x49x2x65x72xf32, #tpu.memory_space<hbm>> -> memref<7x1x2x65x72xf32, #tpu.memory_space<hbm>>
      %dma_wait3A_278 = tpu.memref_squeeze %dma_wait3A_277 : memref<7x1x2x65x72xf32, #tpu.memory_space<hbm>> -> memref<7x2x65x72xf32, #tpu.memory_space<hbm>>
      %dma_wait3A_279 = arith.constant 0 : i32
      %dma_wait3A_280 = arith.constant 0 : i32
      %dma_wait3A_281 = arith.constant 0 : i32
      %dma_wait3A_282 = tpu.memref_slice %arg3[%mul3A_55, %select_n3A, %dma_wait3A_279, %dma_wait3A_280, %dma_wait3A_281] : memref<21x49x2x65x72xf32, #tpu.memory_space<hbm>> -> memref<7x1x2x65x72xf32, #tpu.memory_space<hbm>>
      %dma_wait3A_283 = tpu.memref_squeeze %dma_wait3A_282 : memref<7x1x2x65x72xf32, #tpu.memory_space<hbm>> -> memref<7x2x65x72xf32, #tpu.memory_space<hbm>>
      tpu.wait_dma2 semaphore(%run_scoped3A : memref<!tpu.dma_semaphore, #tpu.memory_space<semaphore_mem>>) src(%dma_wait3A_283 : memref<7x2x65x72xf32, #tpu.memory_space<hbm>>) dst(%arg6 : memref<7x2x65x72xf32, #tpu.memory_space<vmem>>)
      tpu.yield
    }) : () -> ()
    %convert_element_type3A = arith.sitofp %select_n3A_50 : i32 to f32
    %convert_element_type3A_56 = arith.sitofp %sub3A_53 : i32 to f32
    %scan3A_57 = arith.constant 0 : i32
    %scan3A_58 = arith.constant 0 : i32
    %scan3A_59 = arith.constant 313 : i32
    %scan3A_60 = arith.addi %scan3A_58, %scan3A_59 : i32
    %scan3A_61 = arith.constant 1 : i32
    scf.for %scan3A_266 = %scan3A_58 to %scan3A_60 step %scan3A_61  : i32 {
      %mul3A_267 = arith.constant 16 : i32
      %mul3A_268 = arith.muli %scan3A_266, %mul3A_267 : i32
      %iota3A = tpu.iota {dimensions = array<i32: 0>} : vector<16xi32>
      %add3A_269 = vector.broadcast %mul3A_268 : i32 to vector<16xi32>
      %add3A_270 = arith.addi %add3A_269, %iota3A : vector<16xi32>
      %mul3A_271 = arith.constant 5 : i32
      %mul3A_272 = vector.broadcast %mul3A_271 : i32 to vector<16xi32>
      %mul3A_273 = arith.muli %add3A_270, %mul3A_272 : vector<16xi32>
      %gather3A = tpu.vector_load_idx %arg5[%mul3A_273] : memref<25024xf32, #tpu.memory_space<vmem>>[vector<16xi32>], vector<16xf32>,
      %add3A_274 = arith.constant 1 : i32
      %add3A_275 = vector.broadcast %add3A_274 : i32 to vector<16xi32>
      %add3A_276 = arith.addi %mul3A_273, %add3A_275 : vector<16xi32>
      %gather3A_277 = tpu.vector_load_idx %arg5[%add3A_276] : memref<25024xf32, #tpu.memory_space<vmem>>[vector<16xi32>], vector<16xf32>,
      %add3A_278 = arith.constant 2 : i32
      %add3A_279 = vector.broadcast %add3A_278 : i32 to vector<16xi32>
      %add3A_280 = arith.addi %mul3A_273, %add3A_279 : vector<16xi32>
      %gather3A_281 = tpu.vector_load_idx %arg5[%add3A_280] : memref<25024xf32, #tpu.memory_space<vmem>>[vector<16xi32>], vector<16xf32>,
      %add3A_282 = arith.constant 3 : i32
      %add3A_283 = vector.broadcast %add3A_282 : i32 to vector<16xi32>
      %add3A_284 = arith.addi %mul3A_273, %add3A_283 : vector<16xi32>
      %gather3A_285 = tpu.vector_load_idx %arg5[%add3A_284] : memref<25024xf32, #tpu.memory_space<vmem>>[vector<16xi32>], vector<16xf32>,
      %add3A_286 = arith.constant 4 : i32
      %add3A_287 = vector.broadcast %add3A_286 : i32 to vector<16xi32>
      %add3A_288 = arith.addi %mul3A_273, %add3A_287 : vector<16xi32>
      %gather3A_289 = tpu.vector_load_idx %arg5[%add3A_288] : memref<25024xf32, #tpu.memory_space<vmem>>[vector<16xi32>], vector<16xf32>,
      %convert_element_type3A_290 = arith.fptosi %gather3A : vector<16xf32> to vector<16xi32>
      %jit3A_291 = arith.constant 0 : i32
      %jit3A_292 = arith.constant 1 : i32
      %max3A = vector.broadcast %jit3A_291 : i32 to vector<16xi32>
      %max3A_293 = arith.maxsi %max3A, %convert_element_type3A_290 : vector<16xi32>
      %min3A = vector.broadcast %jit3A_292 : i32 to vector<16xi32>
      %min3A_294 = arith.minsi %min3A, %max3A_293 : vector<16xi32>
      %sub3A_295 = arith.subf %gather3A_285, %gather3A_277 : vector<16xf32>
      %max3A_296 = arith.constant 1.000000e-01 : f32
      %max3A_297 = vector.broadcast %max3A_296 : f32 to vector<16xf32>
      %max3A_298 = arith.maximumf %sub3A_295, %max3A_297 : vector<16xf32>
      %div3A_299 = arith.constant 7.000000e+00 : f32
      %div3A_300 = vector.broadcast %div3A_299 : f32 to vector<16xf32>
      %div3A_301 = arith.divf %max3A_298, %div3A_300 : vector<16xf32>
      %sub3A_302 = arith.subf %gather3A_289, %gather3A_281 : vector<16xf32>
      %max3A_303 = arith.constant 1.000000e-01 : f32
      %max3A_304 = vector.broadcast %max3A_303 : f32 to vector<16xf32>
      %max3A_305 = arith.maximumf %sub3A_302, %max3A_304 : vector<16xf32>
      %div3A_306 = arith.constant 7.000000e+00 : f32
      %div3A_307 = vector.broadcast %div3A_306 : f32 to vector<16xf32>
      %div3A_308 = arith.divf %max3A_305, %div3A_307 : vector<16xf32>
      %mul3A_309 = vector.broadcast %convert_element_type3A : f32 to vector<16xf32>
      %mul3A_310 = arith.mulf %mul3A_309, %div3A_308 : vector<16xf32>
      %add3A_311 = arith.addf %mul3A_310, %gather3A_281 : vector<16xf32>
      %jit3A_312 = arith.constant 0.000000e+00 : f32
      %jit3A_313 = arith.constant 6.400000e+01 : f32
      %max3A_314 = vector.broadcast %jit3A_312 : f32 to vector<16xf32>
      %max3A_315 = arith.maximumf %max3A_314, %add3A_311 : vector<16xf32>
      %min3A_316 = vector.broadcast %jit3A_313 : f32 to vector<16xf32>
      %min3A_317 = arith.minimumf %min3A_316, %max3A_315 : vector<16xf32>
      %mul3A_318 = vector.broadcast %convert_element_type3A_56 : f32 to vector<16xf32>
      %mul3A_319 = arith.mulf %mul3A_318, %div3A_301 : vector<16xf32>
      %add3A_320 = arith.addf %mul3A_319, %gather3A_277 : vector<16xf32>
      %jit3A_321 = arith.constant 0.000000e+00 : f32
      %jit3A_322 = arith.constant 6.400000e+01 : f32
      %max3A_323 = vector.broadcast %jit3A_321 : f32 to vector<16xf32>
      %max3A_324 = arith.maximumf %max3A_323, %add3A_320 : vector<16xf32>
      %min3A_325 = vector.broadcast %jit3A_322 : f32 to vector<16xf32>
      %min3A_326 = arith.minimumf %min3A_325, %max3A_324 : vector<16xf32>
      %add3A_327 = arith.constant 1.000000e+00 : f32
      %add3A_328 = arith.addf %convert_element_type3A, %add3A_327 : f32
      %mul3A_329 = vector.broadcast %add3A_328 : f32 to vector<16xf32>
      %mul3A_330 = arith.mulf %mul3A_329, %div3A_308 : vector<16xf32>
      %add3A_331 = arith.addf %mul3A_330, %gather3A_281 : vector<16xf32>
      %jit3A_332 = arith.constant 0.000000e+00 : f32
      %jit3A_333 = arith.constant 6.400000e+01 : f32
      %max3A_334 = vector.broadcast %jit3A_332 : f32 to vector<16xf32>
      %max3A_335 = arith.maximumf %max3A_334, %add3A_331 : vector<16xf32>
      %min3A_336 = vector.broadcast %jit3A_333 : f32 to vector<16xf32>
      %min3A_337 = arith.minimumf %min3A_336, %max3A_335 : vector<16xf32>
      %add3A_338 = arith.constant 1.000000e+00 : f32
      %add3A_339 = arith.addf %convert_element_type3A_56, %add3A_338 : f32
      %mul3A_340 = vector.broadcast %add3A_339 : f32 to vector<16xf32>
      %mul3A_341 = arith.mulf %mul3A_340, %div3A_301 : vector<16xf32>
      %add3A_342 = arith.addf %mul3A_341, %gather3A_277 : vector<16xf32>
      %jit3A_343 = arith.constant 0.000000e+00 : f32
      %jit3A_344 = arith.constant 6.400000e+01 : f32
      %max3A_345 = vector.broadcast %jit3A_343 : f32 to vector<16xf32>
      %max3A_346 = arith.maximumf %max3A_345, %add3A_342 : vector<16xf32>
      %min3A_347 = vector.broadcast %jit3A_344 : f32 to vector<16xf32>
      %min3A_348 = arith.minimumf %min3A_347, %max3A_346 : vector<16xf32>
      %convert_element_type3A_349 = arith.fptosi %min3A_317 : vector<16xf32> to vector<16xi32>
      %convert_element_type3A_350 = arith.fptosi %min3A_326 : vector<16xf32> to vector<16xi32>
      %convert_element_type3A_351 = arith.fptosi %min3A_337 : vector<16xf32> to vector<16xi32>
      %convert_element_type3A_352 = arith.sitofp %convert_element_type3A_351 : vector<16xi32> to vector<16xf32>
      %lt3A_353 = arith.cmpf olt, %convert_element_type3A_352, %min3A_337 : vector<16xf32>
      %convert_element_type3A_354 = arith.extui %lt3A_353 : vector<16xi1> to vector<16xi32>
      %add3A_355 = arith.addi %convert_element_type3A_351, %convert_element_type3A_354 : vector<16xi32>
      %convert_element_type3A_356 = arith.fptosi %min3A_348 : vector<16xf32> to vector<16xi32>
      %convert_element_type3A_357 = arith.sitofp %convert_element_type3A_356 : vector<16xi32> to vector<16xf32>
      %lt3A_358 = arith.cmpf olt, %convert_element_type3A_357, %min3A_348 : vector<16xf32>
      %convert_element_type3A_359 = arith.extui %lt3A_358 : vector<16xi1> to vector<16xi32>
      %add3A_360 = arith.addi %convert_element_type3A_356, %convert_element_type3A_359 : vector<16xi32>
      %sub3A_361 = arith.subi %add3A_355, %convert_element_type3A_349 : vector<16xi32>
      %sub3A_362 = arith.subi %add3A_360, %convert_element_type3A_350 : vector<16xi32>
      %mul3A_363 = arith.muli %sub3A_361, %sub3A_362 : vector<16xi32>
      %max3A_364 = arith.constant 1 : i32
      %max3A_365 = vector.broadcast %max3A_364 : i32 to vector<16xi32>
      %max3A_366 = arith.maxsi %mul3A_363, %max3A_365 : vector<16xi32>
      %convert_element_type3A_367 = arith.sitofp %max3A_366 : vector<16xi32> to vector<16xf32>
      %div3A_368 = arith.constant 1.000000e+00 : f32
      %div3A_369 = vector.broadcast %div3A_368 : f32 to vector<16xf32>
      %div3A_370 = arith.divf %div3A_369, %convert_element_type3A_367 : vector<16xf32>
      %gt3A = arith.constant 0 : i32
      %gt3A_371 = vector.broadcast %gt3A : i32 to vector<16xi32>
      %gt3A_372 = arith.cmpi sgt, %mul3A_363, %gt3A_371 : vector<16xi32>
      %broadcast_in_dim3A = arith.constant 0 : i32
      %broadcast_in_dim3A_373 = vector.broadcast %broadcast_in_dim3A : i32 to vector<16xi32>
      %gather3A_374 = tpu.vector_load_idx %arg6[%broadcast_in_dim3A_373, %min3A_294, %add3A_355, %add3A_360] : memref<7x2x65x72xf32, #tpu.memory_space<vmem>>[vector<16xi32>, vector<16xi32>, vector<16xi32>, vector<16xi32>], vector<16xf32>,
      %gather3A_375 = tpu.vector_load_idx %arg6[%broadcast_in_dim3A_373, %min3A_294, %convert_element_type3A_349, %add3A_360] : memref<7x2x65x72xf32, #tpu.memory_space<vmem>>[vector<16xi32>, vector<16xi32>, vector<16xi32>, vector<16xi32>], vector<16xf32>,
      %sub3A_376 = arith.subf %gather3A_374, %gather3A_375 : vector<16xf32>
      %gather3A_377 = tpu.vector_load_idx %arg6[%broadcast_in_dim3A_373, %min3A_294, %add3A_355, %convert_element_type3A_350] : memref<7x2x65x72xf32, #tpu.memory_space<vmem>>[vector<16xi32>, vector<16xi32>, vector<16xi32>, vector<16xi32>], vector<16xf32>,
      %sub3A_378 = arith.subf %sub3A_376, %gather3A_377 : vector<16xf32>
      %gather3A_379 = tpu.vector_load_idx %arg6[%broadcast_in_dim3A_373, %min3A_294, %convert_element_type3A_349, %convert_element_type3A_350] : memref<7x2x65x72xf32, #tpu.memory_space<vmem>>[vector<16xi32>, vector<16xi32>, vector<16xi32>, vector<16xi32>], vector<16xf32>,
      %add3A_380 = arith.addf %sub3A_378, %gather3A_379 : vector<16xf32>
      %mul3A_381 = arith.mulf %add3A_380, %div3A_370 : vector<16xf32>
      %jit3A_382 = arith.constant 0.000000e+00 : f32
      %broadcast_in_dim3A_383 = vector.broadcast %jit3A_382 : f32 to vector<16xf32>
      %select_n3A_384 = arith.select %gt3A_372, %mul3A_381, %broadcast_in_dim3A_383 : vector<16xi1>, vector<16xf32>
      tpu.vector_store_idx %arg7[%add3A_270, %broadcast_in_dim3A_373], %select_n3A_384 : memref<5008x7xf32, #tpu.memory_space<vmem>>[vector<16xi32>, vector<16xi32>], vector<16xf32>,
      %broadcast_in_dim3A_385 = arith.constant 1 : i32
      %broadcast_in_dim3A_386 = vector.broadcast %broadcast_in_dim3A_385 : i32 to vector<16xi32>
      %gather3A_387 = tpu.vector_load_idx %arg6[%broadcast_in_dim3A_386, %min3A_294, %add3A_355, %add3A_360] : memref<7x2x65x72xf32, #tpu.memory_space<vmem>>[vector<16xi32>, vector<16xi32>, vector<16xi32>, vector<16xi32>], vector<16xf32>,
      %gather3A_388 = tpu.vector_load_idx %arg6[%broadcast_in_dim3A_386, %min3A_294, %convert_element_type3A_349, %add3A_360] : memref<7x2x65x72xf32, #tpu.memory_space<vmem>>[vector<16xi32>, vector<16xi32>, vector<16xi32>, vector<16xi32>], vector<16xf32>,
      %sub3A_389 = arith.subf %gather3A_387, %gather3A_388 : vector<16xf32>
      %gather3A_390 = tpu.vector_load_idx %arg6[%broadcast_in_dim3A_386, %min3A_294, %add3A_355, %convert_element_type3A_350] : memref<7x2x65x72xf32, #tpu.memory_space<vmem>>[vector<16xi32>, vector<16xi32>, vector<16xi32>, vector<16xi32>], vector<16xf32>,
      %sub3A_391 = arith.subf %sub3A_389, %gather3A_390 : vector<16xf32>
      %gather3A_392 = tpu.vector_load_idx %arg6[%broadcast_in_dim3A_386, %min3A_294, %convert_element_type3A_349, %convert_element_type3A_350] : memref<7x2x65x72xf32, #tpu.memory_space<vmem>>[vector<16xi32>, vector<16xi32>, vector<16xi32>, vector<16xi32>], vector<16xf32>,
      %add3A_393 = arith.addf %sub3A_391, %gather3A_392 : vector<16xf32>
      %mul3A_394 = arith.mulf %add3A_393, %div3A_370 : vector<16xf32>
      %jit3A_395 = arith.constant 0.000000e+00 : f32
      %broadcast_in_dim3A_396 = vector.broadcast %jit3A_395 : f32 to vector<16xf32>
      %select_n3A_397 = arith.select %gt3A_372, %mul3A_394, %broadcast_in_dim3A_396 : vector<16xi1>, vector<16xf32>
      tpu.vector_store_idx %arg7[%add3A_270, %broadcast_in_dim3A_386], %select_n3A_397 : memref<5008x7xf32, #tpu.memory_space<vmem>>[vector<16xi32>, vector<16xi32>], vector<16xf32>,
      %broadcast_in_dim3A_398 = arith.constant 2 : i32
      %broadcast_in_dim3A_399 = vector.broadcast %broadcast_in_dim3A_398 : i32 to vector<16xi32>
      %gather3A_400 = tpu.vector_load_idx %arg6[%broadcast_in_dim3A_399, %min3A_294, %add3A_355, %add3A_360] : memref<7x2x65x72xf32, #tpu.memory_space<vmem>>[vector<16xi32>, vector<16xi32>, vector<16xi32>, vector<16xi32>], vector<16xf32>,
      %gather3A_401 = tpu.vector_load_idx %arg6[%broadcast_in_dim3A_399, %min3A_294, %convert_element_type3A_349, %add3A_360] : memref<7x2x65x72xf32, #tpu.memory_space<vmem>>[vector<16xi32>, vector<16xi32>, vector<16xi32>, vector<16xi32>], vector<16xf32>,
      %sub3A_402 = arith.subf %gather3A_400, %gather3A_401 : vector<16xf32>
      %gather3A_403 = tpu.vector_load_idx %arg6[%broadcast_in_dim3A_399, %min3A_294, %add3A_355, %convert_element_type3A_350] : memref<7x2x65x72xf32, #tpu.memory_space<vmem>>[vector<16xi32>, vector<16xi32>, vector<16xi32>, vector<16xi32>], vector<16xf32>,
      %sub3A_404 = arith.subf %sub3A_402, %gather3A_403 : vector<16xf32>
      %gather3A_405 = tpu.vector_load_idx %arg6[%broadcast_in_dim3A_399, %min3A_294, %convert_element_type3A_349, %convert_element_type3A_350] : memref<7x2x65x72xf32, #tpu.memory_space<vmem>>[vector<16xi32>, vector<16xi32>, vector<16xi32>, vector<16xi32>], vector<16xf32>,
      %add3A_406 = arith.addf %sub3A_404, %gather3A_405 : vector<16xf32>
      %mul3A_407 = arith.mulf %add3A_406, %div3A_370 : vector<16xf32>
      %jit3A_408 = arith.constant 0.000000e+00 : f32
      %broadcast_in_dim3A_409 = vector.broadcast %jit3A_408 : f32 to vector<16xf32>
      %select_n3A_410 = arith.select %gt3A_372, %mul3A_407, %broadcast_in_dim3A_409 : vector<16xi1>, vector<16xf32>
      tpu.vector_store_idx %arg7[%add3A_270, %broadcast_in_dim3A_399], %select_n3A_410 : memref<5008x7xf32, #tpu.memory_space<vmem>>[vector<16xi32>, vector<16xi32>], vector<16xf32>,
      %broadcast_in_dim3A_411 = arith.constant 3 : i32
      %broadcast_in_dim3A_412 = vector.broadcast %broadcast_in_dim3A_411 : i32 to vector<16xi32>
      %gather3A_413 = tpu.vector_load_idx %arg6[%broadcast_in_dim3A_412, %min3A_294, %add3A_355, %add3A_360] : memref<7x2x65x72xf32, #tpu.memory_space<vmem>>[vector<16xi32>, vector<16xi32>, vector<16xi32>, vector<16xi32>], vector<16xf32>,
      %gather3A_414 = tpu.vector_load_idx %arg6[%broadcast_in_dim3A_412, %min3A_294, %convert_element_type3A_349, %add3A_360] : memref<7x2x65x72xf32, #tpu.memory_space<vmem>>[vector<16xi32>, vector<16xi32>, vector<16xi32>, vector<16xi32>], vector<16xf32>,
      %sub3A_415 = arith.subf %gather3A_413, %gather3A_414 : vector<16xf32>
      %gather3A_416 = tpu.vector_load_idx %arg6[%broadcast_in_dim3A_412, %min3A_294, %add3A_355, %convert_element_type3A_350] : memref<7x2x65x72xf32, #tpu.memory_space<vmem>>[vector<16xi32>, vector<16xi32>, vector<16xi32>, vector<16xi32>], vector<16xf32>,
      %sub3A_417 = arith.subf %sub3A_415, %gather3A_416 : vector<16xf32>
      %gather3A_418 = tpu.vector_load_idx %arg6[%broadcast_in_dim3A_412, %min3A_294, %convert_element_type3A_349, %convert_element_type3A_350] : memref<7x2x65x72xf32, #tpu.memory_space<vmem>>[vector<16xi32>, vector<16xi32>, vector<16xi32>, vector<16xi32>], vector<16xf32>,
      %add3A_419 = arith.addf %sub3A_417, %gather3A_418 : vector<16xf32>
      %mul3A_420 = arith.mulf %add3A_419, %div3A_370 : vector<16xf32>
      %jit3A_421 = arith.constant 0.000000e+00 : f32
      %broadcast_in_dim3A_422 = vector.broadcast %jit3A_421 : f32 to vector<16xf32>
      %select_n3A_423 = arith.select %gt3A_372, %mul3A_420, %broadcast_in_dim3A_422 : vector<16xi1>, vector<16xf32>
      tpu.vector_store_idx %arg7[%add3A_270, %broadcast_in_dim3A_412], %select_n3A_423 : memref<5008x7xf32, #tpu.memory_space<vmem>>[vector<16xi32>, vector<16xi32>], vector<16xf32>,
      %broadcast_in_dim3A_424 = arith.constant 4 : i32
      %broadcast_in_dim3A_425 = vector.broadcast %broadcast_in_dim3A_424 : i32 to vector<16xi32>
      %gather3A_426 = tpu.vector_load_idx %arg6[%broadcast_in_dim3A_425, %min3A_294, %add3A_355, %add3A_360] : memref<7x2x65x72xf32, #tpu.memory_space<vmem>>[vector<16xi32>, vector<16xi32>, vector<16xi32>, vector<16xi32>], vector<16xf32>,
      %gather3A_427 = tpu.vector_load_idx %arg6[%broadcast_in_dim3A_425, %min3A_294, %convert_element_type3A_349, %add3A_360] : memref<7x2x65x72xf32, #tpu.memory_space<vmem>>[vector<16xi32>, vector<16xi32>, vector<16xi32>, vector<16xi32>], vector<16xf32>,
      %sub3A_428 = arith.subf %gather3A_426, %gather3A_427 : vector<16xf32>
      %gather3A_429 = tpu.vector_load_idx %arg6[%broadcast_in_dim3A_425, %min3A_294, %add3A_355, %convert_element_type3A_350] : memref<7x2x65x72xf32, #tpu.memory_space<vmem>>[vector<16xi32>, vector<16xi32>, vector<16xi32>, vector<16xi32>], vector<16xf32>,
      %sub3A_430 = arith.subf %sub3A_428, %gather3A_429 : vector<16xf32>
      %gather3A_431 = tpu.vector_load_idx %arg6[%broadcast_in_dim3A_425, %min3A_294, %convert_element_type3A_349, %convert_element_type3A_350] : memref<7x2x65x72xf32, #tpu.memory_space<vmem>>[vector<16xi32>, vector<16xi32>, vector<16xi32>, vector<16xi32>], vector<16xf32>,
      %add3A_432 = arith.addf %sub3A_430, %gather3A_431 : vector<16xf32>
      %mul3A_433 = arith.mulf %add3A_432, %div3A_370 : vector<16xf32>
      %jit3A_434 = arith.constant 0.000000e+00 : f32
      %broadcast_in_dim3A_435 = vector.broadcast %jit3A_434 : f32 to vector<16xf32>
      %select_n3A_436 = arith.select %gt3A_372, %mul3A_433, %broadcast_in_dim3A_435 : vector<16xi1>, vector<16xf32>
      tpu.vector_store_idx %arg7[%add3A_270, %broadcast_in_dim3A_425], %select_n3A_436 : memref<5008x7xf32, #tpu.memory_space<vmem>>[vector<16xi32>, vector<16xi32>], vector<16xf32>,
      %broadcast_in_dim3A_437 = arith.constant 5 : i32
      %broadcast_in_dim3A_438 = vector.broadcast %broadcast_in_dim3A_437 : i32 to vector<16xi32>
      %gather3A_439 = tpu.vector_load_idx %arg6[%broadcast_in_dim3A_438, %min3A_294, %add3A_355, %add3A_360] : memref<7x2x65x72xf32, #tpu.memory_space<vmem>>[vector<16xi32>, vector<16xi32>, vector<16xi32>, vector<16xi32>], vector<16xf32>,
      %gather3A_440 = tpu.vector_load_idx %arg6[%broadcast_in_dim3A_438, %min3A_294, %convert_element_type3A_349, %add3A_360] : memref<7x2x65x72xf32, #tpu.memory_space<vmem>>[vector<16xi32>, vector<16xi32>, vector<16xi32>, vector<16xi32>], vector<16xf32>,
      %sub3A_441 = arith.subf %gather3A_439, %gather3A_440 : vector<16xf32>
      %gather3A_442 = tpu.vector_load_idx %arg6[%broadcast_in_dim3A_438, %min3A_294, %add3A_355, %convert_element_type3A_350] : memref<7x2x65x72xf32, #tpu.memory_space<vmem>>[vector<16xi32>, vector<16xi32>, vector<16xi32>, vector<16xi32>], vector<16xf32>,
      %sub3A_443 = arith.subf %sub3A_441, %gather3A_442 : vector<16xf32>
      %gather3A_444 = tpu.vector_load_idx %arg6[%broadcast_in_dim3A_438, %min3A_294, %convert_element_type3A_349, %convert_element_type3A_350] : memref<7x2x65x72xf32, #tpu.memory_space<vmem>>[vector<16xi32>, vector<16xi32>, vector<16xi32>, vector<16xi32>], vector<16xf32>,
      %add3A_445 = arith.addf %sub3A_443, %gather3A_444 : vector<16xf32>
      %mul3A_446 = arith.mulf %add3A_445, %div3A_370 : vector<16xf32>
      %jit3A_447 = arith.constant 0.000000e+00 : f32
      %broadcast_in_dim3A_448 = vector.broadcast %jit3A_447 : f32 to vector<16xf32>
      %select_n3A_449 = arith.select %gt3A_372, %mul3A_446, %broadcast_in_dim3A_448 : vector<16xi1>, vector<16xf32>
      tpu.vector_store_idx %arg7[%add3A_270, %broadcast_in_dim3A_438], %select_n3A_449 : memref<5008x7xf32, #tpu.memory_space<vmem>>[vector<16xi32>, vector<16xi32>], vector<16xf32>,
      %broadcast_in_dim3A_450 = arith.constant 6 : i32
      %broadcast_in_dim3A_451 = vector.broadcast %broadcast_in_dim3A_450 : i32 to vector<16xi32>
      %gather3A_452 = tpu.vector_load_idx %arg6[%broadcast_in_dim3A_451, %min3A_294, %add3A_355, %add3A_360] : memref<7x2x65x72xf32, #tpu.memory_space<vmem>>[vector<16xi32>, vector<16xi32>, vector<16xi32>, vector<16xi32>], vector<16xf32>,
      %gather3A_453 = tpu.vector_load_idx %arg6[%broadcast_in_dim3A_451, %min3A_294, %convert_element_type3A_349, %add3A_360] : memref<7x2x65x72xf32, #tpu.memory_space<vmem>>[vector<16xi32>, vector<16xi32>, vector<16xi32>, vector<16xi32>], vector<16xf32>,
      %sub3A_454 = arith.subf %gather3A_452, %gather3A_453 : vector<16xf32>
      %gather3A_455 = tpu.vector_load_idx %arg6[%broadcast_in_dim3A_451, %min3A_294, %add3A_355, %convert_element_type3A_350] : memref<7x2x65x72xf32, #tpu.memory_space<vmem>>[vector<16xi32>, vector<16xi32>, vector<16xi32>, vector<16xi32>], vector<16xf32>,
      %sub3A_456 = arith.subf %sub3A_454, %gather3A_455 : vector<16xf32>
      %gather3A_457 = tpu.vector_load_idx %arg6[%broadcast_in_dim3A_451, %min3A_294, %convert_element_type3A_349, %convert_element_type3A_350] : memref<7x2x65x72xf32, #tpu.memory_space<vmem>>[vector<16xi32>, vector<16xi32>, vector<16xi32>, vector<16xi32>], vector<16xf32>,
      %add3A_458 = arith.addf %sub3A_456, %gather3A_457 : vector<16xf32>
      %mul3A_459 = arith.mulf %add3A_458, %div3A_370 : vector<16xf32>
      %jit3A_460 = arith.constant 0.000000e+00 : f32
      %broadcast_in_dim3A_461 = vector.broadcast %jit3A_460 : f32 to vector<16xf32>
      %select_n3A_462 = arith.select %gt3A_372, %mul3A_459, %broadcast_in_dim3A_461 : vector<16xi1>, vector<16xf32>
      tpu.vector_store_idx %arg7[%add3A_270, %broadcast_in_dim3A_451], %select_n3A_462 : memref<5008x7xf32, #tpu.memory_space<vmem>>[vector<16xi32>, vector<16xi32>], vector<16xf32>,
    }
    %scan3A_62 = arith.constant 313 : i32
    "tpu.region"() ({
      %run_scoped3A = tpu.sem_alloc : memref<!tpu.dma_semaphore, #tpu.memory_space<semaphore_mem>>
      %dma_start3A = arith.constant 0 : i32
      %dma_start3A_266 = arith.constant 0 : i32
      %dma_start3A_267 = tpu.memref_slice %arg4[%add3A_7, %dma_start3A, %dma_start3A_266] : memref<147x5008x7xf32, #tpu.memory_space<hbm>> -> memref<1x5008x7xf32, #tpu.memory_space<hbm>>
      %dma_start3A_268 = tpu.memref_squeeze %dma_start3A_267 : memref<1x5008x7xf32, #tpu.memory_space<hbm>> -> memref<5008x7xf32, #tpu.memory_space<hbm>>
      %dma_start3A_269 = arith.constant 0 : i32
      %dma_start3A_270 = arith.constant 0 : i32
      %dma_start3A_271 = tpu.memref_slice %arg4[%add3A_7, %dma_start3A_269, %dma_start3A_270] : memref<147x5008x7xf32, #tpu.memory_space<hbm>> -> memref<1x5008x7xf32, #tpu.memory_space<hbm>>
      %dma_start3A_272 = tpu.memref_squeeze %dma_start3A_271 : memref<1x5008x7xf32, #tpu.memory_space<hbm>> -> memref<5008x7xf32, #tpu.memory_space<hbm>>
      tpu.enqueue_dma source(%arg7 : memref<5008x7xf32, #tpu.memory_space<vmem>>) target(%dma_start3A_272 : memref<5008x7xf32, #tpu.memory_space<hbm>>) target_semaphore(%run_scoped3A : memref<!tpu.dma_semaphore, #tpu.memory_space<semaphore_mem>>)
      %dma_wait3A = arith.constant 0 : i32
      %dma_wait3A_273 = arith.constant 0 : i32
      %dma_wait3A_274 = tpu.memref_slice %arg4[%add3A_7, %dma_wait3A, %dma_wait3A_273] : memref<147x5008x7xf32, #tpu.memory_space<hbm>> -> memref<1x5008x7xf32, #tpu.memory_space<hbm>>
      %dma_wait3A_275 = tpu.memref_squeeze %dma_wait3A_274 : memref<1x5008x7xf32, #tpu.memory_space<hbm>> -> memref<5008x7xf32, #tpu.memory_space<hbm>>
      %dma_wait3A_276 = arith.constant 0 : i32
      %dma_wait3A_277 = arith.constant 0 : i32
      %dma_wait3A_278 = tpu.memref_slice %arg4[%add3A_7, %dma_wait3A_276, %dma_wait3A_277] : memref<147x5008x7xf32, #tpu.memory_space<hbm>> -> memref<1x5008x7xf32, #tpu.memory_space<hbm>>
      %dma_wait3A_279 = tpu.memref_squeeze %dma_wait3A_278 : memref<1x5008x7xf32, #tpu.memory_space<hbm>> -> memref<5008x7xf32, #tpu.memory_space<hbm>>
      tpu.wait_dma2 semaphore(%run_scoped3A : memref<!tpu.dma_semaphore, #tpu.memory_space<semaphore_mem>>) src(%arg7 : memref<5008x7xf32, #tpu.memory_space<vmem>>) dst(%dma_wait3A_279 : memref<5008x7xf32, #tpu.memory_space<hbm>>)
      tpu.yield
    }) : () -> ()
    %add3A_63 = arith.constant 32 : i32
    %add3A_64 = arith.addi %add3A, %add3A_63 : i32
    %jit3A_65 = arith.constant 3 : i32
    %div3A_66 = arith.divsi %add3A_64, %jit3A_65 : i32
    %sign3A_67 = arith.constant 0 : i32
    %sign3A_68 = arith.cmpi sgt, %add3A_64, %sign3A_67 : i32
    %sign3A_69 = arith.extui %sign3A_68 : i1 to i32
    %sign3A_70 = arith.constant 0 : i32
    %sign3A_71 = arith.cmpi slt, %add3A_64, %sign3A_70 : i32
    %sign3A_72 = arith.extui %sign3A_71 : i1 to i32
    %sign3A_73 = arith.subi %sign3A_69, %sign3A_72 : i32
    %sign3A_74 = arith.constant 0 : i32
    %sign3A_75 = arith.cmpi sgt, %jit3A_65, %sign3A_74 : i32
    %sign3A_76 = arith.extui %sign3A_75 : i1 to i32
    %sign3A_77 = arith.constant 0 : i32
    %sign3A_78 = arith.cmpi slt, %jit3A_65, %sign3A_77 : i32
    %sign3A_79 = arith.extui %sign3A_78 : i1 to i32
    %sign3A_80 = arith.subi %sign3A_76, %sign3A_79 : i32
    %ne3A_81 = arith.cmpi ne, %sign3A_73, %sign3A_80 : i32
    %rem3A_82 = arith.remsi %add3A_64, %jit3A_65 : i32
    %ne3A_83 = arith.constant 0 : i32
    %ne3A_84 = arith.cmpi ne, %rem3A_82, %ne3A_83 : i32
    %and3A_85 = arith.andi %ne3A_81, %ne3A_84 : i1
    %sub3A_86 = arith.constant 1 : i32
    %sub3A_87 = arith.subi %div3A_66, %sub3A_86 : i32
    %select_n3A_88 = arith.select %and3A_85, %sub3A_87, %div3A_66 : i32
    %mul3A_89 = arith.constant 3 : i32
    %mul3A_90 = arith.muli %select_n3A_88, %mul3A_89 : i32
    %sub3A_91 = arith.subi %add3A_64, %mul3A_90 : i32
    %jit3A_92 = arith.constant 7 : i32
    %div3A_93 = arith.divsi %select_n3A_88, %jit3A_92 : i32
    %sign3A_94 = arith.constant 0 : i32
    %sign3A_95 = arith.cmpi sgt, %select_n3A_88, %sign3A_94 : i32
    %sign3A_96 = arith.extui %sign3A_95 : i1 to i32
    %sign3A_97 = arith.constant 0 : i32
    %sign3A_98 = arith.cmpi slt, %select_n3A_88, %sign3A_97 : i32
    %sign3A_99 = arith.extui %sign3A_98 : i1 to i32
    %sign3A_100 = arith.subi %sign3A_96, %sign3A_99 : i32
    %sign3A_101 = arith.constant 0 : i32
    %sign3A_102 = arith.cmpi sgt, %jit3A_92, %sign3A_101 : i32
    %sign3A_103 = arith.extui %sign3A_102 : i1 to i32
    %sign3A_104 = arith.constant 0 : i32
    %sign3A_105 = arith.cmpi slt, %jit3A_92, %sign3A_104 : i32
    %sign3A_106 = arith.extui %sign3A_105 : i1 to i32
    %sign3A_107 = arith.subi %sign3A_103, %sign3A_106 : i32
    %ne3A_108 = arith.cmpi ne, %sign3A_100, %sign3A_107 : i32
    %rem3A_109 = arith.remsi %select_n3A_88, %jit3A_92 : i32
    %ne3A_110 = arith.constant 0 : i32
    %ne3A_111 = arith.cmpi ne, %rem3A_109, %ne3A_110 : i32
    %and3A_112 = arith.andi %ne3A_108, %ne3A_111 : i1
    %sub3A_113 = arith.constant 1 : i32
    %sub3A_114 = arith.subi %div3A_93, %sub3A_113 : i32
    %select_n3A_115 = arith.select %and3A_112, %sub3A_114, %div3A_93 : i32
    %mul3A_116 = arith.constant 7 : i32
    %mul3A_117 = arith.muli %select_n3A_115, %mul3A_116 : i32
    %sub3A_118 = arith.subi %select_n3A_88, %mul3A_117 : i32
    %mul3A_119 = arith.constant 7 : i32
    %mul3A_120 = arith.muli %sub3A_91, %mul3A_119 : i32
    "tpu.region"() ({
      %run_scoped3A = tpu.sem_alloc : memref<!tpu.dma_semaphore, #tpu.memory_space<semaphore_mem>>
      %dma_start3A = arith.constant 0 : i32
      %dma_start3A_266 = arith.constant 0 : i32
      %dma_start3A_267 = arith.constant 0 : i32
      %dma_start3A_268 = tpu.memref_slice %arg3[%mul3A_120, %select_n3A_88, %dma_start3A, %dma_start3A_266, %dma_start3A_267] : memref<21x49x2x65x72xf32, #tpu.memory_space<hbm>> -> memref<7x1x2x65x72xf32, #tpu.memory_space<hbm>>
      %dma_start3A_269 = tpu.memref_squeeze %dma_start3A_268 : memref<7x1x2x65x72xf32, #tpu.memory_space<hbm>> -> memref<7x2x65x72xf32, #tpu.memory_space<hbm>>
      %dma_start3A_270 = arith.constant 0 : i32
      %dma_start3A_271 = arith.constant 0 : i32
      %dma_start3A_272 = arith.constant 0 : i32
      %dma_start3A_273 = tpu.memref_slice %arg3[%mul3A_120, %select_n3A_88, %dma_start3A_270, %dma_start3A_271, %dma_start3A_272] : memref<21x49x2x65x72xf32, #tpu.memory_space<hbm>> -> memref<7x1x2x65x72xf32, #tpu.memory_space<hbm>>
      %dma_start3A_274 = tpu.memref_squeeze %dma_start3A_273 : memref<7x1x2x65x72xf32, #tpu.memory_space<hbm>> -> memref<7x2x65x72xf32, #tpu.memory_space<hbm>>
      tpu.enqueue_dma source(%dma_start3A_274 : memref<7x2x65x72xf32, #tpu.memory_space<hbm>>) target(%arg6 : memref<7x2x65x72xf32, #tpu.memory_space<vmem>>) target_semaphore(%run_scoped3A : memref<!tpu.dma_semaphore, #tpu.memory_space<semaphore_mem>>)
      %dma_wait3A = arith.constant 0 : i32
      %dma_wait3A_275 = arith.constant 0 : i32
      %dma_wait3A_276 = arith.constant 0 : i32
      %dma_wait3A_277 = tpu.memref_slice %arg3[%mul3A_120, %select_n3A_88, %dma_wait3A, %dma_wait3A_275, %dma_wait3A_276] : memref<21x49x2x65x72xf32, #tpu.memory_space<hbm>> -> memref<7x1x2x65x72xf32, #tpu.memory_space<hbm>>
      %dma_wait3A_278 = tpu.memref_squeeze %dma_wait3A_277 : memref<7x1x2x65x72xf32, #tpu.memory_space<hbm>> -> memref<7x2x65x72xf32, #tpu.memory_space<hbm>>
      %dma_wait3A_279 = arith.constant 0 : i32
      %dma_wait3A_280 = arith.constant 0 : i32
      %dma_wait3A_281 = arith.constant 0 : i32
      %dma_wait3A_282 = tpu.memref_slice %arg3[%mul3A_120, %select_n3A_88, %dma_wait3A_279, %dma_wait3A_280, %dma_wait3A_281] : memref<21x49x2x65x72xf32, #tpu.memory_space<hbm>> -> memref<7x1x2x65x72xf32, #tpu.memory_space<hbm>>
      %dma_wait3A_283 = tpu.memref_squeeze %dma_wait3A_282 : memref<7x1x2x65x72xf32, #tpu.memory_space<hbm>> -> memref<7x2x65x72xf32, #tpu.memory_space<hbm>>
      tpu.wait_dma2 semaphore(%run_scoped3A : memref<!tpu.dma_semaphore, #tpu.memory_space<semaphore_mem>>) src(%dma_wait3A_283 : memref<7x2x65x72xf32, #tpu.memory_space<hbm>>) dst(%arg6 : memref<7x2x65x72xf32, #tpu.memory_space<vmem>>)
      tpu.yield
    }) : () -> ()
    %convert_element_type3A_121 = arith.sitofp %select_n3A_115 : i32 to f32
    %convert_element_type3A_122 = arith.sitofp %sub3A_118 : i32 to f32
    %scan3A_123 = arith.constant 0 : i32
    %scan3A_124 = arith.constant 0 : i32
    %scan3A_125 = arith.constant 313 : i32
    %scan3A_126 = arith.addi %scan3A_124, %scan3A_125 : i32
    %scan3A_127 = arith.constant 1 : i32
    scf.for %scan3A_266 = %scan3A_124 to %scan3A_126 step %scan3A_127  : i32 {
      %mul3A_267 = arith.constant 16 : i32
      %mul3A_268 = arith.muli %scan3A_266, %mul3A_267 : i32
      %iota3A = tpu.iota {dimensions = array<i32: 0>} : vector<16xi32>
      %add3A_269 = vector.broadcast %mul3A_268 : i32 to vector<16xi32>
      %add3A_270 = arith.addi %add3A_269, %iota3A : vector<16xi32>
      %mul3A_271 = arith.constant 5 : i32
      %mul3A_272 = vector.broadcast %mul3A_271 : i32 to vector<16xi32>
      %mul3A_273 = arith.muli %add3A_270, %mul3A_272 : vector<16xi32>
      %gather3A = tpu.vector_load_idx %arg5[%mul3A_273] : memref<25024xf32, #tpu.memory_space<vmem>>[vector<16xi32>], vector<16xf32>,
      %add3A_274 = arith.constant 1 : i32
      %add3A_275 = vector.broadcast %add3A_274 : i32 to vector<16xi32>
      %add3A_276 = arith.addi %mul3A_273, %add3A_275 : vector<16xi32>
      %gather3A_277 = tpu.vector_load_idx %arg5[%add3A_276] : memref<25024xf32, #tpu.memory_space<vmem>>[vector<16xi32>], vector<16xf32>,
      %add3A_278 = arith.constant 2 : i32
      %add3A_279 = vector.broadcast %add3A_278 : i32 to vector<16xi32>
      %add3A_280 = arith.addi %mul3A_273, %add3A_279 : vector<16xi32>
      %gather3A_281 = tpu.vector_load_idx %arg5[%add3A_280] : memref<25024xf32, #tpu.memory_space<vmem>>[vector<16xi32>], vector<16xf32>,
      %add3A_282 = arith.constant 3 : i32
      %add3A_283 = vector.broadcast %add3A_282 : i32 to vector<16xi32>
      %add3A_284 = arith.addi %mul3A_273, %add3A_283 : vector<16xi32>
      %gather3A_285 = tpu.vector_load_idx %arg5[%add3A_284] : memref<25024xf32, #tpu.memory_space<vmem>>[vector<16xi32>], vector<16xf32>,
      %add3A_286 = arith.constant 4 : i32
      %add3A_287 = vector.broadcast %add3A_286 : i32 to vector<16xi32>
      %add3A_288 = arith.addi %mul3A_273, %add3A_287 : vector<16xi32>
      %gather3A_289 = tpu.vector_load_idx %arg5[%add3A_288] : memref<25024xf32, #tpu.memory_space<vmem>>[vector<16xi32>], vector<16xf32>,
      %convert_element_type3A_290 = arith.fptosi %gather3A : vector<16xf32> to vector<16xi32>
      %jit3A_291 = arith.constant 0 : i32
      %jit3A_292 = arith.constant 1 : i32
      %max3A = vector.broadcast %jit3A_291 : i32 to vector<16xi32>
      %max3A_293 = arith.maxsi %max3A, %convert_element_type3A_290 : vector<16xi32>
      %min3A = vector.broadcast %jit3A_292 : i32 to vector<16xi32>
      %min3A_294 = arith.minsi %min3A, %max3A_293 : vector<16xi32>
      %sub3A_295 = arith.subf %gather3A_285, %gather3A_277 : vector<16xf32>
      %max3A_296 = arith.constant 1.000000e-01 : f32
      %max3A_297 = vector.broadcast %max3A_296 : f32 to vector<16xf32>
      %max3A_298 = arith.maximumf %sub3A_295, %max3A_297 : vector<16xf32>
      %div3A_299 = arith.constant 7.000000e+00 : f32
      %div3A_300 = vector.broadcast %div3A_299 : f32 to vector<16xf32>
      %div3A_301 = arith.divf %max3A_298, %div3A_300 : vector<16xf32>
      %sub3A_302 = arith.subf %gather3A_289, %gather3A_281 : vector<16xf32>
      %max3A_303 = arith.constant 1.000000e-01 : f32
      %max3A_304 = vector.broadcast %max3A_303 : f32 to vector<16xf32>
      %max3A_305 = arith.maximumf %sub3A_302, %max3A_304 : vector<16xf32>
      %div3A_306 = arith.constant 7.000000e+00 : f32
      %div3A_307 = vector.broadcast %div3A_306 : f32 to vector<16xf32>
      %div3A_308 = arith.divf %max3A_305, %div3A_307 : vector<16xf32>
      %mul3A_309 = vector.broadcast %convert_element_type3A_121 : f32 to vector<16xf32>
      %mul3A_310 = arith.mulf %mul3A_309, %div3A_308 : vector<16xf32>
      %add3A_311 = arith.addf %mul3A_310, %gather3A_281 : vector<16xf32>
      %jit3A_312 = arith.constant 0.000000e+00 : f32
      %jit3A_313 = arith.constant 6.400000e+01 : f32
      %max3A_314 = vector.broadcast %jit3A_312 : f32 to vector<16xf32>
      %max3A_315 = arith.maximumf %max3A_314, %add3A_311 : vector<16xf32>
      %min3A_316 = vector.broadcast %jit3A_313 : f32 to vector<16xf32>
      %min3A_317 = arith.minimumf %min3A_316, %max3A_315 : vector<16xf32>
      %mul3A_318 = vector.broadcast %convert_element_type3A_122 : f32 to vector<16xf32>
      %mul3A_319 = arith.mulf %mul3A_318, %div3A_301 : vector<16xf32>
      %add3A_320 = arith.addf %mul3A_319, %gather3A_277 : vector<16xf32>
      %jit3A_321 = arith.constant 0.000000e+00 : f32
      %jit3A_322 = arith.constant 6.400000e+01 : f32
      %max3A_323 = vector.broadcast %jit3A_321 : f32 to vector<16xf32>
      %max3A_324 = arith.maximumf %max3A_323, %add3A_320 : vector<16xf32>
      %min3A_325 = vector.broadcast %jit3A_322 : f32 to vector<16xf32>
      %min3A_326 = arith.minimumf %min3A_325, %max3A_324 : vector<16xf32>
      %add3A_327 = arith.constant 1.000000e+00 : f32
      %add3A_328 = arith.addf %convert_element_type3A_121, %add3A_327 : f32
      %mul3A_329 = vector.broadcast %add3A_328 : f32 to vector<16xf32>
      %mul3A_330 = arith.mulf %mul3A_329, %div3A_308 : vector<16xf32>
      %add3A_331 = arith.addf %mul3A_330, %gather3A_281 : vector<16xf32>
      %jit3A_332 = arith.constant 0.000000e+00 : f32
      %jit3A_333 = arith.constant 6.400000e+01 : f32
      %max3A_334 = vector.broadcast %jit3A_332 : f32 to vector<16xf32>
      %max3A_335 = arith.maximumf %max3A_334, %add3A_331 : vector<16xf32>
      %min3A_336 = vector.broadcast %jit3A_333 : f32 to vector<16xf32>
      %min3A_337 = arith.minimumf %min3A_336, %max3A_335 : vector<16xf32>
      %add3A_338 = arith.constant 1.000000e+00 : f32
      %add3A_339 = arith.addf %convert_element_type3A_122, %add3A_338 : f32
      %mul3A_340 = vector.broadcast %add3A_339 : f32 to vector<16xf32>
      %mul3A_341 = arith.mulf %mul3A_340, %div3A_301 : vector<16xf32>
      %add3A_342 = arith.addf %mul3A_341, %gather3A_277 : vector<16xf32>
      %jit3A_343 = arith.constant 0.000000e+00 : f32
      %jit3A_344 = arith.constant 6.400000e+01 : f32
      %max3A_345 = vector.broadcast %jit3A_343 : f32 to vector<16xf32>
      %max3A_346 = arith.maximumf %max3A_345, %add3A_342 : vector<16xf32>
      %min3A_347 = vector.broadcast %jit3A_344 : f32 to vector<16xf32>
      %min3A_348 = arith.minimumf %min3A_347, %max3A_346 : vector<16xf32>
      %convert_element_type3A_349 = arith.fptosi %min3A_317 : vector<16xf32> to vector<16xi32>
      %convert_element_type3A_350 = arith.fptosi %min3A_326 : vector<16xf32> to vector<16xi32>
      %convert_element_type3A_351 = arith.fptosi %min3A_337 : vector<16xf32> to vector<16xi32>
      %convert_element_type3A_352 = arith.sitofp %convert_element_type3A_351 : vector<16xi32> to vector<16xf32>
      %lt3A_353 = arith.cmpf olt, %convert_element_type3A_352, %min3A_337 : vector<16xf32>
      %convert_element_type3A_354 = arith.extui %lt3A_353 : vector<16xi1> to vector<16xi32>
      %add3A_355 = arith.addi %convert_element_type3A_351, %convert_element_type3A_354 : vector<16xi32>
      %convert_element_type3A_356 = arith.fptosi %min3A_348 : vector<16xf32> to vector<16xi32>
      %convert_element_type3A_357 = arith.sitofp %convert_element_type3A_356 : vector<16xi32> to vector<16xf32>
      %lt3A_358 = arith.cmpf olt, %convert_element_type3A_357, %min3A_348 : vector<16xf32>
      %convert_element_type3A_359 = arith.extui %lt3A_358 : vector<16xi1> to vector<16xi32>
      %add3A_360 = arith.addi %convert_element_type3A_356, %convert_element_type3A_359 : vector<16xi32>
      %sub3A_361 = arith.subi %add3A_355, %convert_element_type3A_349 : vector<16xi32>
      %sub3A_362 = arith.subi %add3A_360, %convert_element_type3A_350 : vector<16xi32>
      %mul3A_363 = arith.muli %sub3A_361, %sub3A_362 : vector<16xi32>
      %max3A_364 = arith.constant 1 : i32
      %max3A_365 = vector.broadcast %max3A_364 : i32 to vector<16xi32>
      %max3A_366 = arith.maxsi %mul3A_363, %max3A_365 : vector<16xi32>
      %convert_element_type3A_367 = arith.sitofp %max3A_366 : vector<16xi32> to vector<16xf32>
      %div3A_368 = arith.constant 1.000000e+00 : f32
      %div3A_369 = vector.broadcast %div3A_368 : f32 to vector<16xf32>
      %div3A_370 = arith.divf %div3A_369, %convert_element_type3A_367 : vector<16xf32>
      %gt3A = arith.constant 0 : i32
      %gt3A_371 = vector.broadcast %gt3A : i32 to vector<16xi32>
      %gt3A_372 = arith.cmpi sgt, %mul3A_363, %gt3A_371 : vector<16xi32>
      %broadcast_in_dim3A = arith.constant 0 : i32
      %broadcast_in_dim3A_373 = vector.broadcast %broadcast_in_dim3A : i32 to vector<16xi32>
      %gather3A_374 = tpu.vector_load_idx %arg6[%broadcast_in_dim3A_373, %min3A_294, %add3A_355, %add3A_360] : memref<7x2x65x72xf32, #tpu.memory_space<vmem>>[vector<16xi32>, vector<16xi32>, vector<16xi32>, vector<16xi32>], vector<16xf32>,
      %gather3A_375 = tpu.vector_load_idx %arg6[%broadcast_in_dim3A_373, %min3A_294, %convert_element_type3A_349, %add3A_360] : memref<7x2x65x72xf32, #tpu.memory_space<vmem>>[vector<16xi32>, vector<16xi32>, vector<16xi32>, vector<16xi32>], vector<16xf32>,
      %sub3A_376 = arith.subf %gather3A_374, %gather3A_375 : vector<16xf32>
      %gather3A_377 = tpu.vector_load_idx %arg6[%broadcast_in_dim3A_373, %min3A_294, %add3A_355, %convert_element_type3A_350] : memref<7x2x65x72xf32, #tpu.memory_space<vmem>>[vector<16xi32>, vector<16xi32>, vector<16xi32>, vector<16xi32>], vector<16xf32>,
      %sub3A_378 = arith.subf %sub3A_376, %gather3A_377 : vector<16xf32>
      %gather3A_379 = tpu.vector_load_idx %arg6[%broadcast_in_dim3A_373, %min3A_294, %convert_element_type3A_349, %convert_element_type3A_350] : memref<7x2x65x72xf32, #tpu.memory_space<vmem>>[vector<16xi32>, vector<16xi32>, vector<16xi32>, vector<16xi32>], vector<16xf32>,
      %add3A_380 = arith.addf %sub3A_378, %gather3A_379 : vector<16xf32>
      %mul3A_381 = arith.mulf %add3A_380, %div3A_370 : vector<16xf32>
      %jit3A_382 = arith.constant 0.000000e+00 : f32
      %broadcast_in_dim3A_383 = vector.broadcast %jit3A_382 : f32 to vector<16xf32>
      %select_n3A_384 = arith.select %gt3A_372, %mul3A_381, %broadcast_in_dim3A_383 : vector<16xi1>, vector<16xf32>
      tpu.vector_store_idx %arg7[%add3A_270, %broadcast_in_dim3A_373], %select_n3A_384 : memref<5008x7xf32, #tpu.memory_space<vmem>>[vector<16xi32>, vector<16xi32>], vector<16xf32>,
      %broadcast_in_dim3A_385 = arith.constant 1 : i32
      %broadcast_in_dim3A_386 = vector.broadcast %broadcast_in_dim3A_385 : i32 to vector<16xi32>
      %gather3A_387 = tpu.vector_load_idx %arg6[%broadcast_in_dim3A_386, %min3A_294, %add3A_355, %add3A_360] : memref<7x2x65x72xf32, #tpu.memory_space<vmem>>[vector<16xi32>, vector<16xi32>, vector<16xi32>, vector<16xi32>], vector<16xf32>,
      %gather3A_388 = tpu.vector_load_idx %arg6[%broadcast_in_dim3A_386, %min3A_294, %convert_element_type3A_349, %add3A_360] : memref<7x2x65x72xf32, #tpu.memory_space<vmem>>[vector<16xi32>, vector<16xi32>, vector<16xi32>, vector<16xi32>], vector<16xf32>,
      %sub3A_389 = arith.subf %gather3A_387, %gather3A_388 : vector<16xf32>
      %gather3A_390 = tpu.vector_load_idx %arg6[%broadcast_in_dim3A_386, %min3A_294, %add3A_355, %convert_element_type3A_350] : memref<7x2x65x72xf32, #tpu.memory_space<vmem>>[vector<16xi32>, vector<16xi32>, vector<16xi32>, vector<16xi32>], vector<16xf32>,
      %sub3A_391 = arith.subf %sub3A_389, %gather3A_390 : vector<16xf32>
      %gather3A_392 = tpu.vector_load_idx %arg6[%broadcast_in_dim3A_386, %min3A_294, %convert_element_type3A_349, %convert_element_type3A_350] : memref<7x2x65x72xf32, #tpu.memory_space<vmem>>[vector<16xi32>, vector<16xi32>, vector<16xi32>, vector<16xi32>], vector<16xf32>,
      %add3A_393 = arith.addf %sub3A_391, %gather3A_392 : vector<16xf32>
      %mul3A_394 = arith.mulf %add3A_393, %div3A_370 : vector<16xf32>
      %jit3A_395 = arith.constant 0.000000e+00 : f32
      %broadcast_in_dim3A_396 = vector.broadcast %jit3A_395 : f32 to vector<16xf32>
      %select_n3A_397 = arith.select %gt3A_372, %mul3A_394, %broadcast_in_dim3A_396 : vector<16xi1>, vector<16xf32>
      tpu.vector_store_idx %arg7[%add3A_270, %broadcast_in_dim3A_386], %select_n3A_397 : memref<5008x7xf32, #tpu.memory_space<vmem>>[vector<16xi32>, vector<16xi32>], vector<16xf32>,
      %broadcast_in_dim3A_398 = arith.constant 2 : i32
      %broadcast_in_dim3A_399 = vector.broadcast %broadcast_in_dim3A_398 : i32 to vector<16xi32>
      %gather3A_400 = tpu.vector_load_idx %arg6[%broadcast_in_dim3A_399, %min3A_294, %add3A_355, %add3A_360] : memref<7x2x65x72xf32, #tpu.memory_space<vmem>>[vector<16xi32>, vector<16xi32>, vector<16xi32>, vector<16xi32>], vector<16xf32>,
      %gather3A_401 = tpu.vector_load_idx %arg6[%broadcast_in_dim3A_399, %min3A_294, %convert_element_type3A_349, %add3A_360] : memref<7x2x65x72xf32, #tpu.memory_space<vmem>>[vector<16xi32>, vector<16xi32>, vector<16xi32>, vector<16xi32>], vector<16xf32>,
      %sub3A_402 = arith.subf %gather3A_400, %gather3A_401 : vector<16xf32>
      %gather3A_403 = tpu.vector_load_idx %arg6[%broadcast_in_dim3A_399, %min3A_294, %add3A_355, %convert_element_type3A_350] : memref<7x2x65x72xf32, #tpu.memory_space<vmem>>[vector<16xi32>, vector<16xi32>, vector<16xi32>, vector<16xi32>], vector<16xf32>,
      %sub3A_404 = arith.subf %sub3A_402, %gather3A_403 : vector<16xf32>
      %gather3A_405 = tpu.vector_load_idx %arg6[%broadcast_in_dim3A_399, %min3A_294, %convert_element_type3A_349, %convert_element_type3A_350] : memref<7x2x65x72xf32, #tpu.memory_space<vmem>>[vector<16xi32>, vector<16xi32>, vector<16xi32>, vector<16xi32>], vector<16xf32>,
      %add3A_406 = arith.addf %sub3A_404, %gather3A_405 : vector<16xf32>
      %mul3A_407 = arith.mulf %add3A_406, %div3A_370 : vector<16xf32>
      %jit3A_408 = arith.constant 0.000000e+00 : f32
      %broadcast_in_dim3A_409 = vector.broadcast %jit3A_408 : f32 to vector<16xf32>
      %select_n3A_410 = arith.select %gt3A_372, %mul3A_407, %broadcast_in_dim3A_409 : vector<16xi1>, vector<16xf32>
      tpu.vector_store_idx %arg7[%add3A_270, %broadcast_in_dim3A_399], %select_n3A_410 : memref<5008x7xf32, #tpu.memory_space<vmem>>[vector<16xi32>, vector<16xi32>], vector<16xf32>,
      %broadcast_in_dim3A_411 = arith.constant 3 : i32
      %broadcast_in_dim3A_412 = vector.broadcast %broadcast_in_dim3A_411 : i32 to vector<16xi32>
      %gather3A_413 = tpu.vector_load_idx %arg6[%broadcast_in_dim3A_412, %min3A_294, %add3A_355, %add3A_360] : memref<7x2x65x72xf32, #tpu.memory_space<vmem>>[vector<16xi32>, vector<16xi32>, vector<16xi32>, vector<16xi32>], vector<16xf32>,
      %gather3A_414 = tpu.vector_load_idx %arg6[%broadcast_in_dim3A_412, %min3A_294, %convert_element_type3A_349, %add3A_360] : memref<7x2x65x72xf32, #tpu.memory_space<vmem>>[vector<16xi32>, vector<16xi32>, vector<16xi32>, vector<16xi32>], vector<16xf32>,
      %sub3A_415 = arith.subf %gather3A_413, %gather3A_414 : vector<16xf32>
      %gather3A_416 = tpu.vector_load_idx %arg6[%broadcast_in_dim3A_412, %min3A_294, %add3A_355, %convert_element_type3A_350] : memref<7x2x65x72xf32, #tpu.memory_space<vmem>>[vector<16xi32>, vector<16xi32>, vector<16xi32>, vector<16xi32>], vector<16xf32>,
      %sub3A_417 = arith.subf %sub3A_415, %gather3A_416 : vector<16xf32>
      %gather3A_418 = tpu.vector_load_idx %arg6[%broadcast_in_dim3A_412, %min3A_294, %convert_element_type3A_349, %convert_element_type3A_350] : memref<7x2x65x72xf32, #tpu.memory_space<vmem>>[vector<16xi32>, vector<16xi32>, vector<16xi32>, vector<16xi32>], vector<16xf32>,
      %add3A_419 = arith.addf %sub3A_417, %gather3A_418 : vector<16xf32>
      %mul3A_420 = arith.mulf %add3A_419, %div3A_370 : vector<16xf32>
      %jit3A_421 = arith.constant 0.000000e+00 : f32
      %broadcast_in_dim3A_422 = vector.broadcast %jit3A_421 : f32 to vector<16xf32>
      %select_n3A_423 = arith.select %gt3A_372, %mul3A_420, %broadcast_in_dim3A_422 : vector<16xi1>, vector<16xf32>
      tpu.vector_store_idx %arg7[%add3A_270, %broadcast_in_dim3A_412], %select_n3A_423 : memref<5008x7xf32, #tpu.memory_space<vmem>>[vector<16xi32>, vector<16xi32>], vector<16xf32>,
      %broadcast_in_dim3A_424 = arith.constant 4 : i32
      %broadcast_in_dim3A_425 = vector.broadcast %broadcast_in_dim3A_424 : i32 to vector<16xi32>
      %gather3A_426 = tpu.vector_load_idx %arg6[%broadcast_in_dim3A_425, %min3A_294, %add3A_355, %add3A_360] : memref<7x2x65x72xf32, #tpu.memory_space<vmem>>[vector<16xi32>, vector<16xi32>, vector<16xi32>, vector<16xi32>], vector<16xf32>,
      %gather3A_427 = tpu.vector_load_idx %arg6[%broadcast_in_dim3A_425, %min3A_294, %convert_element_type3A_349, %add3A_360] : memref<7x2x65x72xf32, #tpu.memory_space<vmem>>[vector<16xi32>, vector<16xi32>, vector<16xi32>, vector<16xi32>], vector<16xf32>,
      %sub3A_428 = arith.subf %gather3A_426, %gather3A_427 : vector<16xf32>
      %gather3A_429 = tpu.vector_load_idx %arg6[%broadcast_in_dim3A_425, %min3A_294, %add3A_355, %convert_element_type3A_350] : memref<7x2x65x72xf32, #tpu.memory_space<vmem>>[vector<16xi32>, vector<16xi32>, vector<16xi32>, vector<16xi32>], vector<16xf32>,
      %sub3A_430 = arith.subf %sub3A_428, %gather3A_429 : vector<16xf32>
      %gather3A_431 = tpu.vector_load_idx %arg6[%broadcast_in_dim3A_425, %min3A_294, %convert_element_type3A_349, %convert_element_type3A_350] : memref<7x2x65x72xf32, #tpu.memory_space<vmem>>[vector<16xi32>, vector<16xi32>, vector<16xi32>, vector<16xi32>], vector<16xf32>,
      %add3A_432 = arith.addf %sub3A_430, %gather3A_431 : vector<16xf32>
      %mul3A_433 = arith.mulf %add3A_432, %div3A_370 : vector<16xf32>
      %jit3A_434 = arith.constant 0.000000e+00 : f32
      %broadcast_in_dim3A_435 = vector.broadcast %jit3A_434 : f32 to vector<16xf32>
      %select_n3A_436 = arith.select %gt3A_372, %mul3A_433, %broadcast_in_dim3A_435 : vector<16xi1>, vector<16xf32>
      tpu.vector_store_idx %arg7[%add3A_270, %broadcast_in_dim3A_425], %select_n3A_436 : memref<5008x7xf32, #tpu.memory_space<vmem>>[vector<16xi32>, vector<16xi32>], vector<16xf32>,
      %broadcast_in_dim3A_437 = arith.constant 5 : i32
      %broadcast_in_dim3A_438 = vector.broadcast %broadcast_in_dim3A_437 : i32 to vector<16xi32>
      %gather3A_439 = tpu.vector_load_idx %arg6[%broadcast_in_dim3A_438, %min3A_294, %add3A_355, %add3A_360] : memref<7x2x65x72xf32, #tpu.memory_space<vmem>>[vector<16xi32>, vector<16xi32>, vector<16xi32>, vector<16xi32>], vector<16xf32>,
      %gather3A_440 = tpu.vector_load_idx %arg6[%broadcast_in_dim3A_438, %min3A_294, %convert_element_type3A_349, %add3A_360] : memref<7x2x65x72xf32, #tpu.memory_space<vmem>>[vector<16xi32>, vector<16xi32>, vector<16xi32>, vector<16xi32>], vector<16xf32>,
      %sub3A_441 = arith.subf %gather3A_439, %gather3A_440 : vector<16xf32>
      %gather3A_442 = tpu.vector_load_idx %arg6[%broadcast_in_dim3A_438, %min3A_294, %add3A_355, %convert_element_type3A_350] : memref<7x2x65x72xf32, #tpu.memory_space<vmem>>[vector<16xi32>, vector<16xi32>, vector<16xi32>, vector<16xi32>], vector<16xf32>,
      %sub3A_443 = arith.subf %sub3A_441, %gather3A_442 : vector<16xf32>
      %gather3A_444 = tpu.vector_load_idx %arg6[%broadcast_in_dim3A_438, %min3A_294, %convert_element_type3A_349, %convert_element_type3A_350] : memref<7x2x65x72xf32, #tpu.memory_space<vmem>>[vector<16xi32>, vector<16xi32>, vector<16xi32>, vector<16xi32>], vector<16xf32>,
      %add3A_445 = arith.addf %sub3A_443, %gather3A_444 : vector<16xf32>
      %mul3A_446 = arith.mulf %add3A_445, %div3A_370 : vector<16xf32>
      %jit3A_447 = arith.constant 0.000000e+00 : f32
      %broadcast_in_dim3A_448 = vector.broadcast %jit3A_447 : f32 to vector<16xf32>
      %select_n3A_449 = arith.select %gt3A_372, %mul3A_446, %broadcast_in_dim3A_448 : vector<16xi1>, vector<16xf32>
      tpu.vector_store_idx %arg7[%add3A_270, %broadcast_in_dim3A_438], %select_n3A_449 : memref<5008x7xf32, #tpu.memory_space<vmem>>[vector<16xi32>, vector<16xi32>], vector<16xf32>,
      %broadcast_in_dim3A_450 = arith.constant 6 : i32
      %broadcast_in_dim3A_451 = vector.broadcast %broadcast_in_dim3A_450 : i32 to vector<16xi32>
      %gather3A_452 = tpu.vector_load_idx %arg6[%broadcast_in_dim3A_451, %min3A_294, %add3A_355, %add3A_360] : memref<7x2x65x72xf32, #tpu.memory_space<vmem>>[vector<16xi32>, vector<16xi32>, vector<16xi32>, vector<16xi32>], vector<16xf32>,
      %gather3A_453 = tpu.vector_load_idx %arg6[%broadcast_in_dim3A_451, %min3A_294, %convert_element_type3A_349, %add3A_360] : memref<7x2x65x72xf32, #tpu.memory_space<vmem>>[vector<16xi32>, vector<16xi32>, vector<16xi32>, vector<16xi32>], vector<16xf32>,
      %sub3A_454 = arith.subf %gather3A_452, %gather3A_453 : vector<16xf32>
      %gather3A_455 = tpu.vector_load_idx %arg6[%broadcast_in_dim3A_451, %min3A_294, %add3A_355, %convert_element_type3A_350] : memref<7x2x65x72xf32, #tpu.memory_space<vmem>>[vector<16xi32>, vector<16xi32>, vector<16xi32>, vector<16xi32>], vector<16xf32>,
      %sub3A_456 = arith.subf %sub3A_454, %gather3A_455 : vector<16xf32>
      %gather3A_457 = tpu.vector_load_idx %arg6[%broadcast_in_dim3A_451, %min3A_294, %convert_element_type3A_349, %convert_element_type3A_350] : memref<7x2x65x72xf32, #tpu.memory_space<vmem>>[vector<16xi32>, vector<16xi32>, vector<16xi32>, vector<16xi32>], vector<16xf32>,
      %add3A_458 = arith.addf %sub3A_456, %gather3A_457 : vector<16xf32>
      %mul3A_459 = arith.mulf %add3A_458, %div3A_370 : vector<16xf32>
      %jit3A_460 = arith.constant 0.000000e+00 : f32
      %broadcast_in_dim3A_461 = vector.broadcast %jit3A_460 : f32 to vector<16xf32>
      %select_n3A_462 = arith.select %gt3A_372, %mul3A_459, %broadcast_in_dim3A_461 : vector<16xi1>, vector<16xf32>
      tpu.vector_store_idx %arg7[%add3A_270, %broadcast_in_dim3A_451], %select_n3A_462 : memref<5008x7xf32, #tpu.memory_space<vmem>>[vector<16xi32>, vector<16xi32>], vector<16xf32>,
    }
    %scan3A_128 = arith.constant 313 : i32
    "tpu.region"() ({
      %run_scoped3A = tpu.sem_alloc : memref<!tpu.dma_semaphore, #tpu.memory_space<semaphore_mem>>
      %dma_start3A = arith.constant 0 : i32
      %dma_start3A_266 = arith.constant 0 : i32
      %dma_start3A_267 = tpu.memref_slice %arg4[%add3A_64, %dma_start3A, %dma_start3A_266] : memref<147x5008x7xf32, #tpu.memory_space<hbm>> -> memref<1x5008x7xf32, #tpu.memory_space<hbm>>
      %dma_start3A_268 = tpu.memref_squeeze %dma_start3A_267 : memref<1x5008x7xf32, #tpu.memory_space<hbm>> -> memref<5008x7xf32, #tpu.memory_space<hbm>>
      %dma_start3A_269 = arith.constant 0 : i32
      %dma_start3A_270 = arith.constant 0 : i32
      %dma_start3A_271 = tpu.memref_slice %arg4[%add3A_64, %dma_start3A_269, %dma_start3A_270] : memref<147x5008x7xf32, #tpu.memory_space<hbm>> -> memref<1x5008x7xf32, #tpu.memory_space<hbm>>
      %dma_start3A_272 = tpu.memref_squeeze %dma_start3A_271 : memref<1x5008x7xf32, #tpu.memory_space<hbm>> -> memref<5008x7xf32, #tpu.memory_space<hbm>>
      tpu.enqueue_dma source(%arg7 : memref<5008x7xf32, #tpu.memory_space<vmem>>) target(%dma_start3A_272 : memref<5008x7xf32, #tpu.memory_space<hbm>>) target_semaphore(%run_scoped3A : memref<!tpu.dma_semaphore, #tpu.memory_space<semaphore_mem>>)
      %dma_wait3A = arith.constant 0 : i32
      %dma_wait3A_273 = arith.constant 0 : i32
      %dma_wait3A_274 = tpu.memref_slice %arg4[%add3A_64, %dma_wait3A, %dma_wait3A_273] : memref<147x5008x7xf32, #tpu.memory_space<hbm>> -> memref<1x5008x7xf32, #tpu.memory_space<hbm>>
      %dma_wait3A_275 = tpu.memref_squeeze %dma_wait3A_274 : memref<1x5008x7xf32, #tpu.memory_space<hbm>> -> memref<5008x7xf32, #tpu.memory_space<hbm>>
      %dma_wait3A_276 = arith.constant 0 : i32
      %dma_wait3A_277 = arith.constant 0 : i32
      %dma_wait3A_278 = tpu.memref_slice %arg4[%add3A_64, %dma_wait3A_276, %dma_wait3A_277] : memref<147x5008x7xf32, #tpu.memory_space<hbm>> -> memref<1x5008x7xf32, #tpu.memory_space<hbm>>
      %dma_wait3A_279 = tpu.memref_squeeze %dma_wait3A_278 : memref<1x5008x7xf32, #tpu.memory_space<hbm>> -> memref<5008x7xf32, #tpu.memory_space<hbm>>
      tpu.wait_dma2 semaphore(%run_scoped3A : memref<!tpu.dma_semaphore, #tpu.memory_space<semaphore_mem>>) src(%arg7 : memref<5008x7xf32, #tpu.memory_space<vmem>>) dst(%dma_wait3A_279 : memref<5008x7xf32, #tpu.memory_space<hbm>>)
      tpu.yield
    }) : () -> ()
    %add3A_129 = arith.constant 64 : i32
    %add3A_130 = arith.addi %add3A, %add3A_129 : i32
    %jit3A_131 = arith.constant 3 : i32
    %div3A_132 = arith.divsi %add3A_130, %jit3A_131 : i32
    %sign3A_133 = arith.constant 0 : i32
    %sign3A_134 = arith.cmpi sgt, %add3A_130, %sign3A_133 : i32
    %sign3A_135 = arith.extui %sign3A_134 : i1 to i32
    %sign3A_136 = arith.constant 0 : i32
    %sign3A_137 = arith.cmpi slt, %add3A_130, %sign3A_136 : i32
    %sign3A_138 = arith.extui %sign3A_137 : i1 to i32
    %sign3A_139 = arith.subi %sign3A_135, %sign3A_138 : i32
    %sign3A_140 = arith.constant 0 : i32
    %sign3A_141 = arith.cmpi sgt, %jit3A_131, %sign3A_140 : i32
    %sign3A_142 = arith.extui %sign3A_141 : i1 to i32
    %sign3A_143 = arith.constant 0 : i32
    %sign3A_144 = arith.cmpi slt, %jit3A_131, %sign3A_143 : i32
    %sign3A_145 = arith.extui %sign3A_144 : i1 to i32
    %sign3A_146 = arith.subi %sign3A_142, %sign3A_145 : i32
    %ne3A_147 = arith.cmpi ne, %sign3A_139, %sign3A_146 : i32
    %rem3A_148 = arith.remsi %add3A_130, %jit3A_131 : i32
    %ne3A_149 = arith.constant 0 : i32
    %ne3A_150 = arith.cmpi ne, %rem3A_148, %ne3A_149 : i32
    %and3A_151 = arith.andi %ne3A_147, %ne3A_150 : i1
    %sub3A_152 = arith.constant 1 : i32
    %sub3A_153 = arith.subi %div3A_132, %sub3A_152 : i32
    %select_n3A_154 = arith.select %and3A_151, %sub3A_153, %div3A_132 : i32
    %mul3A_155 = arith.constant 3 : i32
    %mul3A_156 = arith.muli %select_n3A_154, %mul3A_155 : i32
    %sub3A_157 = arith.subi %add3A_130, %mul3A_156 : i32
    %jit3A_158 = arith.constant 7 : i32
    %div3A_159 = arith.divsi %select_n3A_154, %jit3A_158 : i32
    %sign3A_160 = arith.constant 0 : i32
    %sign3A_161 = arith.cmpi sgt, %select_n3A_154, %sign3A_160 : i32
    %sign3A_162 = arith.extui %sign3A_161 : i1 to i32
    %sign3A_163 = arith.constant 0 : i32
    %sign3A_164 = arith.cmpi slt, %select_n3A_154, %sign3A_163 : i32
    %sign3A_165 = arith.extui %sign3A_164 : i1 to i32
    %sign3A_166 = arith.subi %sign3A_162, %sign3A_165 : i32
    %sign3A_167 = arith.constant 0 : i32
    %sign3A_168 = arith.cmpi sgt, %jit3A_158, %sign3A_167 : i32
    %sign3A_169 = arith.extui %sign3A_168 : i1 to i32
    %sign3A_170 = arith.constant 0 : i32
    %sign3A_171 = arith.cmpi slt, %jit3A_158, %sign3A_170 : i32
    %sign3A_172 = arith.extui %sign3A_171 : i1 to i32
    %sign3A_173 = arith.subi %sign3A_169, %sign3A_172 : i32
    %ne3A_174 = arith.cmpi ne, %sign3A_166, %sign3A_173 : i32
    %rem3A_175 = arith.remsi %select_n3A_154, %jit3A_158 : i32
    %ne3A_176 = arith.constant 0 : i32
    %ne3A_177 = arith.cmpi ne, %rem3A_175, %ne3A_176 : i32
    %and3A_178 = arith.andi %ne3A_174, %ne3A_177 : i1
    %sub3A_179 = arith.constant 1 : i32
    %sub3A_180 = arith.subi %div3A_159, %sub3A_179 : i32
    %select_n3A_181 = arith.select %and3A_178, %sub3A_180, %div3A_159 : i32
    %mul3A_182 = arith.constant 7 : i32
    %mul3A_183 = arith.muli %select_n3A_181, %mul3A_182 : i32
    %sub3A_184 = arith.subi %select_n3A_154, %mul3A_183 : i32
    %mul3A_185 = arith.constant 7 : i32
    %mul3A_186 = arith.muli %sub3A_157, %mul3A_185 : i32
    "tpu.region"() ({
      %run_scoped3A = tpu.sem_alloc : memref<!tpu.dma_semaphore, #tpu.memory_space<semaphore_mem>>
      %dma_start3A = arith.constant 0 : i32
      %dma_start3A_266 = arith.constant 0 : i32
      %dma_start3A_267 = arith.constant 0 : i32
      %dma_start3A_268 = tpu.memref_slice %arg3[%mul3A_186, %select_n3A_154, %dma_start3A, %dma_start3A_266, %dma_start3A_267] : memref<21x49x2x65x72xf32, #tpu.memory_space<hbm>> -> memref<7x1x2x65x72xf32, #tpu.memory_space<hbm>>
      %dma_start3A_269 = tpu.memref_squeeze %dma_start3A_268 : memref<7x1x2x65x72xf32, #tpu.memory_space<hbm>> -> memref<7x2x65x72xf32, #tpu.memory_space<hbm>>
      %dma_start3A_270 = arith.constant 0 : i32
      %dma_start3A_271 = arith.constant 0 : i32
      %dma_start3A_272 = arith.constant 0 : i32
      %dma_start3A_273 = tpu.memref_slice %arg3[%mul3A_186, %select_n3A_154, %dma_start3A_270, %dma_start3A_271, %dma_start3A_272] : memref<21x49x2x65x72xf32, #tpu.memory_space<hbm>> -> memref<7x1x2x65x72xf32, #tpu.memory_space<hbm>>
      %dma_start3A_274 = tpu.memref_squeeze %dma_start3A_273 : memref<7x1x2x65x72xf32, #tpu.memory_space<hbm>> -> memref<7x2x65x72xf32, #tpu.memory_space<hbm>>
      tpu.enqueue_dma source(%dma_start3A_274 : memref<7x2x65x72xf32, #tpu.memory_space<hbm>>) target(%arg6 : memref<7x2x65x72xf32, #tpu.memory_space<vmem>>) target_semaphore(%run_scoped3A : memref<!tpu.dma_semaphore, #tpu.memory_space<semaphore_mem>>)
      %dma_wait3A = arith.constant 0 : i32
      %dma_wait3A_275 = arith.constant 0 : i32
      %dma_wait3A_276 = arith.constant 0 : i32
      %dma_wait3A_277 = tpu.memref_slice %arg3[%mul3A_186, %select_n3A_154, %dma_wait3A, %dma_wait3A_275, %dma_wait3A_276] : memref<21x49x2x65x72xf32, #tpu.memory_space<hbm>> -> memref<7x1x2x65x72xf32, #tpu.memory_space<hbm>>
      %dma_wait3A_278 = tpu.memref_squeeze %dma_wait3A_277 : memref<7x1x2x65x72xf32, #tpu.memory_space<hbm>> -> memref<7x2x65x72xf32, #tpu.memory_space<hbm>>
      %dma_wait3A_279 = arith.constant 0 : i32
      %dma_wait3A_280 = arith.constant 0 : i32
      %dma_wait3A_281 = arith.constant 0 : i32
      %dma_wait3A_282 = tpu.memref_slice %arg3[%mul3A_186, %select_n3A_154, %dma_wait3A_279, %dma_wait3A_280, %dma_wait3A_281] : memref<21x49x2x65x72xf32, #tpu.memory_space<hbm>> -> memref<7x1x2x65x72xf32, #tpu.memory_space<hbm>>
      %dma_wait3A_283 = tpu.memref_squeeze %dma_wait3A_282 : memref<7x1x2x65x72xf32, #tpu.memory_space<hbm>> -> memref<7x2x65x72xf32, #tpu.memory_space<hbm>>
      tpu.wait_dma2 semaphore(%run_scoped3A : memref<!tpu.dma_semaphore, #tpu.memory_space<semaphore_mem>>) src(%dma_wait3A_283 : memref<7x2x65x72xf32, #tpu.memory_space<hbm>>) dst(%arg6 : memref<7x2x65x72xf32, #tpu.memory_space<vmem>>)
      tpu.yield
    }) : () -> ()
    %convert_element_type3A_187 = arith.sitofp %select_n3A_181 : i32 to f32
    %convert_element_type3A_188 = arith.sitofp %sub3A_184 : i32 to f32
    %scan3A_189 = arith.constant 0 : i32
    %scan3A_190 = arith.constant 0 : i32
    %scan3A_191 = arith.constant 313 : i32
    %scan3A_192 = arith.addi %scan3A_190, %scan3A_191 : i32
    %scan3A_193 = arith.constant 1 : i32
    scf.for %scan3A_266 = %scan3A_190 to %scan3A_192 step %scan3A_193  : i32 {
      %mul3A_267 = arith.constant 16 : i32
      %mul3A_268 = arith.muli %scan3A_266, %mul3A_267 : i32
      %iota3A = tpu.iota {dimensions = array<i32: 0>} : vector<16xi32>
      %add3A_269 = vector.broadcast %mul3A_268 : i32 to vector<16xi32>
      %add3A_270 = arith.addi %add3A_269, %iota3A : vector<16xi32>
      %mul3A_271 = arith.constant 5 : i32
      %mul3A_272 = vector.broadcast %mul3A_271 : i32 to vector<16xi32>
      %mul3A_273 = arith.muli %add3A_270, %mul3A_272 : vector<16xi32>
      %gather3A = tpu.vector_load_idx %arg5[%mul3A_273] : memref<25024xf32, #tpu.memory_space<vmem>>[vector<16xi32>], vector<16xf32>,
      %add3A_274 = arith.constant 1 : i32
      %add3A_275 = vector.broadcast %add3A_274 : i32 to vector<16xi32>
      %add3A_276 = arith.addi %mul3A_273, %add3A_275 : vector<16xi32>
      %gather3A_277 = tpu.vector_load_idx %arg5[%add3A_276] : memref<25024xf32, #tpu.memory_space<vmem>>[vector<16xi32>], vector<16xf32>,
      %add3A_278 = arith.constant 2 : i32
      %add3A_279 = vector.broadcast %add3A_278 : i32 to vector<16xi32>
      %add3A_280 = arith.addi %mul3A_273, %add3A_279 : vector<16xi32>
      %gather3A_281 = tpu.vector_load_idx %arg5[%add3A_280] : memref<25024xf32, #tpu.memory_space<vmem>>[vector<16xi32>], vector<16xf32>,
      %add3A_282 = arith.constant 3 : i32
      %add3A_283 = vector.broadcast %add3A_282 : i32 to vector<16xi32>
      %add3A_284 = arith.addi %mul3A_273, %add3A_283 : vector<16xi32>
      %gather3A_285 = tpu.vector_load_idx %arg5[%add3A_284] : memref<25024xf32, #tpu.memory_space<vmem>>[vector<16xi32>], vector<16xf32>,
      %add3A_286 = arith.constant 4 : i32
      %add3A_287 = vector.broadcast %add3A_286 : i32 to vector<16xi32>
      %add3A_288 = arith.addi %mul3A_273, %add3A_287 : vector<16xi32>
      %gather3A_289 = tpu.vector_load_idx %arg5[%add3A_288] : memref<25024xf32, #tpu.memory_space<vmem>>[vector<16xi32>], vector<16xf32>,
      %convert_element_type3A_290 = arith.fptosi %gather3A : vector<16xf32> to vector<16xi32>
      %jit3A_291 = arith.constant 0 : i32
      %jit3A_292 = arith.constant 1 : i32
      %max3A = vector.broadcast %jit3A_291 : i32 to vector<16xi32>
      %max3A_293 = arith.maxsi %max3A, %convert_element_type3A_290 : vector<16xi32>
      %min3A = vector.broadcast %jit3A_292 : i32 to vector<16xi32>
      %min3A_294 = arith.minsi %min3A, %max3A_293 : vector<16xi32>
      %sub3A_295 = arith.subf %gather3A_285, %gather3A_277 : vector<16xf32>
      %max3A_296 = arith.constant 1.000000e-01 : f32
      %max3A_297 = vector.broadcast %max3A_296 : f32 to vector<16xf32>
      %max3A_298 = arith.maximumf %sub3A_295, %max3A_297 : vector<16xf32>
      %div3A_299 = arith.constant 7.000000e+00 : f32
      %div3A_300 = vector.broadcast %div3A_299 : f32 to vector<16xf32>
      %div3A_301 = arith.divf %max3A_298, %div3A_300 : vector<16xf32>
      %sub3A_302 = arith.subf %gather3A_289, %gather3A_281 : vector<16xf32>
      %max3A_303 = arith.constant 1.000000e-01 : f32
      %max3A_304 = vector.broadcast %max3A_303 : f32 to vector<16xf32>
      %max3A_305 = arith.maximumf %sub3A_302, %max3A_304 : vector<16xf32>
      %div3A_306 = arith.constant 7.000000e+00 : f32
      %div3A_307 = vector.broadcast %div3A_306 : f32 to vector<16xf32>
      %div3A_308 = arith.divf %max3A_305, %div3A_307 : vector<16xf32>
      %mul3A_309 = vector.broadcast %convert_element_type3A_187 : f32 to vector<16xf32>
      %mul3A_310 = arith.mulf %mul3A_309, %div3A_308 : vector<16xf32>
      %add3A_311 = arith.addf %mul3A_310, %gather3A_281 : vector<16xf32>
      %jit3A_312 = arith.constant 0.000000e+00 : f32
      %jit3A_313 = arith.constant 6.400000e+01 : f32
      %max3A_314 = vector.broadcast %jit3A_312 : f32 to vector<16xf32>
      %max3A_315 = arith.maximumf %max3A_314, %add3A_311 : vector<16xf32>
      %min3A_316 = vector.broadcast %jit3A_313 : f32 to vector<16xf32>
      %min3A_317 = arith.minimumf %min3A_316, %max3A_315 : vector<16xf32>
      %mul3A_318 = vector.broadcast %convert_element_type3A_188 : f32 to vector<16xf32>
      %mul3A_319 = arith.mulf %mul3A_318, %div3A_301 : vector<16xf32>
      %add3A_320 = arith.addf %mul3A_319, %gather3A_277 : vector<16xf32>
      %jit3A_321 = arith.constant 0.000000e+00 : f32
      %jit3A_322 = arith.constant 6.400000e+01 : f32
      %max3A_323 = vector.broadcast %jit3A_321 : f32 to vector<16xf32>
      %max3A_324 = arith.maximumf %max3A_323, %add3A_320 : vector<16xf32>
      %min3A_325 = vector.broadcast %jit3A_322 : f32 to vector<16xf32>
      %min3A_326 = arith.minimumf %min3A_325, %max3A_324 : vector<16xf32>
      %add3A_327 = arith.constant 1.000000e+00 : f32
      %add3A_328 = arith.addf %convert_element_type3A_187, %add3A_327 : f32
      %mul3A_329 = vector.broadcast %add3A_328 : f32 to vector<16xf32>
      %mul3A_330 = arith.mulf %mul3A_329, %div3A_308 : vector<16xf32>
      %add3A_331 = arith.addf %mul3A_330, %gather3A_281 : vector<16xf32>
      %jit3A_332 = arith.constant 0.000000e+00 : f32
      %jit3A_333 = arith.constant 6.400000e+01 : f32
      %max3A_334 = vector.broadcast %jit3A_332 : f32 to vector<16xf32>
      %max3A_335 = arith.maximumf %max3A_334, %add3A_331 : vector<16xf32>
      %min3A_336 = vector.broadcast %jit3A_333 : f32 to vector<16xf32>
      %min3A_337 = arith.minimumf %min3A_336, %max3A_335 : vector<16xf32>
      %add3A_338 = arith.constant 1.000000e+00 : f32
      %add3A_339 = arith.addf %convert_element_type3A_188, %add3A_338 : f32
      %mul3A_340 = vector.broadcast %add3A_339 : f32 to vector<16xf32>
      %mul3A_341 = arith.mulf %mul3A_340, %div3A_301 : vector<16xf32>
      %add3A_342 = arith.addf %mul3A_341, %gather3A_277 : vector<16xf32>
      %jit3A_343 = arith.constant 0.000000e+00 : f32
      %jit3A_344 = arith.constant 6.400000e+01 : f32
      %max3A_345 = vector.broadcast %jit3A_343 : f32 to vector<16xf32>
      %max3A_346 = arith.maximumf %max3A_345, %add3A_342 : vector<16xf32>
      %min3A_347 = vector.broadcast %jit3A_344 : f32 to vector<16xf32>
      %min3A_348 = arith.minimumf %min3A_347, %max3A_346 : vector<16xf32>
      %convert_element_type3A_349 = arith.fptosi %min3A_317 : vector<16xf32> to vector<16xi32>
      %convert_element_type3A_350 = arith.fptosi %min3A_326 : vector<16xf32> to vector<16xi32>
      %convert_element_type3A_351 = arith.fptosi %min3A_337 : vector<16xf32> to vector<16xi32>
      %convert_element_type3A_352 = arith.sitofp %convert_element_type3A_351 : vector<16xi32> to vector<16xf32>
      %lt3A_353 = arith.cmpf olt, %convert_element_type3A_352, %min3A_337 : vector<16xf32>
      %convert_element_type3A_354 = arith.extui %lt3A_353 : vector<16xi1> to vector<16xi32>
      %add3A_355 = arith.addi %convert_element_type3A_351, %convert_element_type3A_354 : vector<16xi32>
      %convert_element_type3A_356 = arith.fptosi %min3A_348 : vector<16xf32> to vector<16xi32>
      %convert_element_type3A_357 = arith.sitofp %convert_element_type3A_356 : vector<16xi32> to vector<16xf32>
      %lt3A_358 = arith.cmpf olt, %convert_element_type3A_357, %min3A_348 : vector<16xf32>
      %convert_element_type3A_359 = arith.extui %lt3A_358 : vector<16xi1> to vector<16xi32>
      %add3A_360 = arith.addi %convert_element_type3A_356, %convert_element_type3A_359 : vector<16xi32>
      %sub3A_361 = arith.subi %add3A_355, %convert_element_type3A_349 : vector<16xi32>
      %sub3A_362 = arith.subi %add3A_360, %convert_element_type3A_350 : vector<16xi32>
      %mul3A_363 = arith.muli %sub3A_361, %sub3A_362 : vector<16xi32>
      %max3A_364 = arith.constant 1 : i32
      %max3A_365 = vector.broadcast %max3A_364 : i32 to vector<16xi32>
      %max3A_366 = arith.maxsi %mul3A_363, %max3A_365 : vector<16xi32>
      %convert_element_type3A_367 = arith.sitofp %max3A_366 : vector<16xi32> to vector<16xf32>
      %div3A_368 = arith.constant 1.000000e+00 : f32
      %div3A_369 = vector.broadcast %div3A_368 : f32 to vector<16xf32>
      %div3A_370 = arith.divf %div3A_369, %convert_element_type3A_367 : vector<16xf32>
      %gt3A = arith.constant 0 : i32
      %gt3A_371 = vector.broadcast %gt3A : i32 to vector<16xi32>
      %gt3A_372 = arith.cmpi sgt, %mul3A_363, %gt3A_371 : vector<16xi32>
      %broadcast_in_dim3A = arith.constant 0 : i32
      %broadcast_in_dim3A_373 = vector.broadcast %broadcast_in_dim3A : i32 to vector<16xi32>
      %gather3A_374 = tpu.vector_load_idx %arg6[%broadcast_in_dim3A_373, %min3A_294, %add3A_355, %add3A_360] : memref<7x2x65x72xf32, #tpu.memory_space<vmem>>[vector<16xi32>, vector<16xi32>, vector<16xi32>, vector<16xi32>], vector<16xf32>,
      %gather3A_375 = tpu.vector_load_idx %arg6[%broadcast_in_dim3A_373, %min3A_294, %convert_element_type3A_349, %add3A_360] : memref<7x2x65x72xf32, #tpu.memory_space<vmem>>[vector<16xi32>, vector<16xi32>, vector<16xi32>, vector<16xi32>], vector<16xf32>,
      %sub3A_376 = arith.subf %gather3A_374, %gather3A_375 : vector<16xf32>
      %gather3A_377 = tpu.vector_load_idx %arg6[%broadcast_in_dim3A_373, %min3A_294, %add3A_355, %convert_element_type3A_350] : memref<7x2x65x72xf32, #tpu.memory_space<vmem>>[vector<16xi32>, vector<16xi32>, vector<16xi32>, vector<16xi32>], vector<16xf32>,
      %sub3A_378 = arith.subf %sub3A_376, %gather3A_377 : vector<16xf32>
      %gather3A_379 = tpu.vector_load_idx %arg6[%broadcast_in_dim3A_373, %min3A_294, %convert_element_type3A_349, %convert_element_type3A_350] : memref<7x2x65x72xf32, #tpu.memory_space<vmem>>[vector<16xi32>, vector<16xi32>, vector<16xi32>, vector<16xi32>], vector<16xf32>,
      %add3A_380 = arith.addf %sub3A_378, %gather3A_379 : vector<16xf32>
      %mul3A_381 = arith.mulf %add3A_380, %div3A_370 : vector<16xf32>
      %jit3A_382 = arith.constant 0.000000e+00 : f32
      %broadcast_in_dim3A_383 = vector.broadcast %jit3A_382 : f32 to vector<16xf32>
      %select_n3A_384 = arith.select %gt3A_372, %mul3A_381, %broadcast_in_dim3A_383 : vector<16xi1>, vector<16xf32>
      tpu.vector_store_idx %arg7[%add3A_270, %broadcast_in_dim3A_373], %select_n3A_384 : memref<5008x7xf32, #tpu.memory_space<vmem>>[vector<16xi32>, vector<16xi32>], vector<16xf32>,
      %broadcast_in_dim3A_385 = arith.constant 1 : i32
      %broadcast_in_dim3A_386 = vector.broadcast %broadcast_in_dim3A_385 : i32 to vector<16xi32>
      %gather3A_387 = tpu.vector_load_idx %arg6[%broadcast_in_dim3A_386, %min3A_294, %add3A_355, %add3A_360] : memref<7x2x65x72xf32, #tpu.memory_space<vmem>>[vector<16xi32>, vector<16xi32>, vector<16xi32>, vector<16xi32>], vector<16xf32>,
      %gather3A_388 = tpu.vector_load_idx %arg6[%broadcast_in_dim3A_386, %min3A_294, %convert_element_type3A_349, %add3A_360] : memref<7x2x65x72xf32, #tpu.memory_space<vmem>>[vector<16xi32>, vector<16xi32>, vector<16xi32>, vector<16xi32>], vector<16xf32>,
      %sub3A_389 = arith.subf %gather3A_387, %gather3A_388 : vector<16xf32>
      %gather3A_390 = tpu.vector_load_idx %arg6[%broadcast_in_dim3A_386, %min3A_294, %add3A_355, %convert_element_type3A_350] : memref<7x2x65x72xf32, #tpu.memory_space<vmem>>[vector<16xi32>, vector<16xi32>, vector<16xi32>, vector<16xi32>], vector<16xf32>,
      %sub3A_391 = arith.subf %sub3A_389, %gather3A_390 : vector<16xf32>
      %gather3A_392 = tpu.vector_load_idx %arg6[%broadcast_in_dim3A_386, %min3A_294, %convert_element_type3A_349, %convert_element_type3A_350] : memref<7x2x65x72xf32, #tpu.memory_space<vmem>>[vector<16xi32>, vector<16xi32>, vector<16xi32>, vector<16xi32>], vector<16xf32>,
      %add3A_393 = arith.addf %sub3A_391, %gather3A_392 : vector<16xf32>
      %mul3A_394 = arith.mulf %add3A_393, %div3A_370 : vector<16xf32>
      %jit3A_395 = arith.constant 0.000000e+00 : f32
      %broadcast_in_dim3A_396 = vector.broadcast %jit3A_395 : f32 to vector<16xf32>
      %select_n3A_397 = arith.select %gt3A_372, %mul3A_394, %broadcast_in_dim3A_396 : vector<16xi1>, vector<16xf32>
      tpu.vector_store_idx %arg7[%add3A_270, %broadcast_in_dim3A_386], %select_n3A_397 : memref<5008x7xf32, #tpu.memory_space<vmem>>[vector<16xi32>, vector<16xi32>], vector<16xf32>,
      %broadcast_in_dim3A_398 = arith.constant 2 : i32
      %broadcast_in_dim3A_399 = vector.broadcast %broadcast_in_dim3A_398 : i32 to vector<16xi32>
      %gather3A_400 = tpu.vector_load_idx %arg6[%broadcast_in_dim3A_399, %min3A_294, %add3A_355, %add3A_360] : memref<7x2x65x72xf32, #tpu.memory_space<vmem>>[vector<16xi32>, vector<16xi32>, vector<16xi32>, vector<16xi32>], vector<16xf32>,
      %gather3A_401 = tpu.vector_load_idx %arg6[%broadcast_in_dim3A_399, %min3A_294, %convert_element_type3A_349, %add3A_360] : memref<7x2x65x72xf32, #tpu.memory_space<vmem>>[vector<16xi32>, vector<16xi32>, vector<16xi32>, vector<16xi32>], vector<16xf32>,
      %sub3A_402 = arith.subf %gather3A_400, %gather3A_401 : vector<16xf32>
      %gather3A_403 = tpu.vector_load_idx %arg6[%broadcast_in_dim3A_399, %min3A_294, %add3A_355, %convert_element_type3A_350] : memref<7x2x65x72xf32, #tpu.memory_space<vmem>>[vector<16xi32>, vector<16xi32>, vector<16xi32>, vector<16xi32>], vector<16xf32>,
      %sub3A_404 = arith.subf %sub3A_402, %gather3A_403 : vector<16xf32>
      %gather3A_405 = tpu.vector_load_idx %arg6[%broadcast_in_dim3A_399, %min3A_294, %convert_element_type3A_349, %convert_element_type3A_350] : memref<7x2x65x72xf32, #tpu.memory_space<vmem>>[vector<16xi32>, vector<16xi32>, vector<16xi32>, vector<16xi32>], vector<16xf32>,
      %add3A_406 = arith.addf %sub3A_404, %gather3A_405 : vector<16xf32>
      %mul3A_407 = arith.mulf %add3A_406, %div3A_370 : vector<16xf32>
      %jit3A_408 = arith.constant 0.000000e+00 : f32
      %broadcast_in_dim3A_409 = vector.broadcast %jit3A_408 : f32 to vector<16xf32>
      %select_n3A_410 = arith.select %gt3A_372, %mul3A_407, %broadcast_in_dim3A_409 : vector<16xi1>, vector<16xf32>
      tpu.vector_store_idx %arg7[%add3A_270, %broadcast_in_dim3A_399], %select_n3A_410 : memref<5008x7xf32, #tpu.memory_space<vmem>>[vector<16xi32>, vector<16xi32>], vector<16xf32>,
      %broadcast_in_dim3A_411 = arith.constant 3 : i32
      %broadcast_in_dim3A_412 = vector.broadcast %broadcast_in_dim3A_411 : i32 to vector<16xi32>
      %gather3A_413 = tpu.vector_load_idx %arg6[%broadcast_in_dim3A_412, %min3A_294, %add3A_355, %add3A_360] : memref<7x2x65x72xf32, #tpu.memory_space<vmem>>[vector<16xi32>, vector<16xi32>, vector<16xi32>, vector<16xi32>], vector<16xf32>,
      %gather3A_414 = tpu.vector_load_idx %arg6[%broadcast_in_dim3A_412, %min3A_294, %convert_element_type3A_349, %add3A_360] : memref<7x2x65x72xf32, #tpu.memory_space<vmem>>[vector<16xi32>, vector<16xi32>, vector<16xi32>, vector<16xi32>], vector<16xf32>,
      %sub3A_415 = arith.subf %gather3A_413, %gather3A_414 : vector<16xf32>
      %gather3A_416 = tpu.vector_load_idx %arg6[%broadcast_in_dim3A_412, %min3A_294, %add3A_355, %convert_element_type3A_350] : memref<7x2x65x72xf32, #tpu.memory_space<vmem>>[vector<16xi32>, vector<16xi32>, vector<16xi32>, vector<16xi32>], vector<16xf32>,
      %sub3A_417 = arith.subf %sub3A_415, %gather3A_416 : vector<16xf32>
      %gather3A_418 = tpu.vector_load_idx %arg6[%broadcast_in_dim3A_412, %min3A_294, %convert_element_type3A_349, %convert_element_type3A_350] : memref<7x2x65x72xf32, #tpu.memory_space<vmem>>[vector<16xi32>, vector<16xi32>, vector<16xi32>, vector<16xi32>], vector<16xf32>,
      %add3A_419 = arith.addf %sub3A_417, %gather3A_418 : vector<16xf32>
      %mul3A_420 = arith.mulf %add3A_419, %div3A_370 : vector<16xf32>
      %jit3A_421 = arith.constant 0.000000e+00 : f32
      %broadcast_in_dim3A_422 = vector.broadcast %jit3A_421 : f32 to vector<16xf32>
      %select_n3A_423 = arith.select %gt3A_372, %mul3A_420, %broadcast_in_dim3A_422 : vector<16xi1>, vector<16xf32>
      tpu.vector_store_idx %arg7[%add3A_270, %broadcast_in_dim3A_412], %select_n3A_423 : memref<5008x7xf32, #tpu.memory_space<vmem>>[vector<16xi32>, vector<16xi32>], vector<16xf32>,
      %broadcast_in_dim3A_424 = arith.constant 4 : i32
      %broadcast_in_dim3A_425 = vector.broadcast %broadcast_in_dim3A_424 : i32 to vector<16xi32>
      %gather3A_426 = tpu.vector_load_idx %arg6[%broadcast_in_dim3A_425, %min3A_294, %add3A_355, %add3A_360] : memref<7x2x65x72xf32, #tpu.memory_space<vmem>>[vector<16xi32>, vector<16xi32>, vector<16xi32>, vector<16xi32>], vector<16xf32>,
      %gather3A_427 = tpu.vector_load_idx %arg6[%broadcast_in_dim3A_425, %min3A_294, %convert_element_type3A_349, %add3A_360] : memref<7x2x65x72xf32, #tpu.memory_space<vmem>>[vector<16xi32>, vector<16xi32>, vector<16xi32>, vector<16xi32>], vector<16xf32>,
      %sub3A_428 = arith.subf %gather3A_426, %gather3A_427 : vector<16xf32>
      %gather3A_429 = tpu.vector_load_idx %arg6[%broadcast_in_dim3A_425, %min3A_294, %add3A_355, %convert_element_type3A_350] : memref<7x2x65x72xf32, #tpu.memory_space<vmem>>[vector<16xi32>, vector<16xi32>, vector<16xi32>, vector<16xi32>], vector<16xf32>,
      %sub3A_430 = arith.subf %sub3A_428, %gather3A_429 : vector<16xf32>
      %gather3A_431 = tpu.vector_load_idx %arg6[%broadcast_in_dim3A_425, %min3A_294, %convert_element_type3A_349, %convert_element_type3A_350] : memref<7x2x65x72xf32, #tpu.memory_space<vmem>>[vector<16xi32>, vector<16xi32>, vector<16xi32>, vector<16xi32>], vector<16xf32>,
      %add3A_432 = arith.addf %sub3A_430, %gather3A_431 : vector<16xf32>
      %mul3A_433 = arith.mulf %add3A_432, %div3A_370 : vector<16xf32>
      %jit3A_434 = arith.constant 0.000000e+00 : f32
      %broadcast_in_dim3A_435 = vector.broadcast %jit3A_434 : f32 to vector<16xf32>
      %select_n3A_436 = arith.select %gt3A_372, %mul3A_433, %broadcast_in_dim3A_435 : vector<16xi1>, vector<16xf32>
      tpu.vector_store_idx %arg7[%add3A_270, %broadcast_in_dim3A_425], %select_n3A_436 : memref<5008x7xf32, #tpu.memory_space<vmem>>[vector<16xi32>, vector<16xi32>], vector<16xf32>,
      %broadcast_in_dim3A_437 = arith.constant 5 : i32
      %broadcast_in_dim3A_438 = vector.broadcast %broadcast_in_dim3A_437 : i32 to vector<16xi32>
      %gather3A_439 = tpu.vector_load_idx %arg6[%broadcast_in_dim3A_438, %min3A_294, %add3A_355, %add3A_360] : memref<7x2x65x72xf32, #tpu.memory_space<vmem>>[vector<16xi32>, vector<16xi32>, vector<16xi32>, vector<16xi32>], vector<16xf32>,
      %gather3A_440 = tpu.vector_load_idx %arg6[%broadcast_in_dim3A_438, %min3A_294, %convert_element_type3A_349, %add3A_360] : memref<7x2x65x72xf32, #tpu.memory_space<vmem>>[vector<16xi32>, vector<16xi32>, vector<16xi32>, vector<16xi32>], vector<16xf32>,
      %sub3A_441 = arith.subf %gather3A_439, %gather3A_440 : vector<16xf32>
      %gather3A_442 = tpu.vector_load_idx %arg6[%broadcast_in_dim3A_438, %min3A_294, %add3A_355, %convert_element_type3A_350] : memref<7x2x65x72xf32, #tpu.memory_space<vmem>>[vector<16xi32>, vector<16xi32>, vector<16xi32>, vector<16xi32>], vector<16xf32>,
      %sub3A_443 = arith.subf %sub3A_441, %gather3A_442 : vector<16xf32>
      %gather3A_444 = tpu.vector_load_idx %arg6[%broadcast_in_dim3A_438, %min3A_294, %convert_element_type3A_349, %convert_element_type3A_350] : memref<7x2x65x72xf32, #tpu.memory_space<vmem>>[vector<16xi32>, vector<16xi32>, vector<16xi32>, vector<16xi32>], vector<16xf32>,
      %add3A_445 = arith.addf %sub3A_443, %gather3A_444 : vector<16xf32>
      %mul3A_446 = arith.mulf %add3A_445, %div3A_370 : vector<16xf32>
      %jit3A_447 = arith.constant 0.000000e+00 : f32
      %broadcast_in_dim3A_448 = vector.broadcast %jit3A_447 : f32 to vector<16xf32>
      %select_n3A_449 = arith.select %gt3A_372, %mul3A_446, %broadcast_in_dim3A_448 : vector<16xi1>, vector<16xf32>
      tpu.vector_store_idx %arg7[%add3A_270, %broadcast_in_dim3A_438], %select_n3A_449 : memref<5008x7xf32, #tpu.memory_space<vmem>>[vector<16xi32>, vector<16xi32>], vector<16xf32>,
      %broadcast_in_dim3A_450 = arith.constant 6 : i32
      %broadcast_in_dim3A_451 = vector.broadcast %broadcast_in_dim3A_450 : i32 to vector<16xi32>
      %gather3A_452 = tpu.vector_load_idx %arg6[%broadcast_in_dim3A_451, %min3A_294, %add3A_355, %add3A_360] : memref<7x2x65x72xf32, #tpu.memory_space<vmem>>[vector<16xi32>, vector<16xi32>, vector<16xi32>, vector<16xi32>], vector<16xf32>,
      %gather3A_453 = tpu.vector_load_idx %arg6[%broadcast_in_dim3A_451, %min3A_294, %convert_element_type3A_349, %add3A_360] : memref<7x2x65x72xf32, #tpu.memory_space<vmem>>[vector<16xi32>, vector<16xi32>, vector<16xi32>, vector<16xi32>], vector<16xf32>,
      %sub3A_454 = arith.subf %gather3A_452, %gather3A_453 : vector<16xf32>
      %gather3A_455 = tpu.vector_load_idx %arg6[%broadcast_in_dim3A_451, %min3A_294, %add3A_355, %convert_element_type3A_350] : memref<7x2x65x72xf32, #tpu.memory_space<vmem>>[vector<16xi32>, vector<16xi32>, vector<16xi32>, vector<16xi32>], vector<16xf32>,
      %sub3A_456 = arith.subf %sub3A_454, %gather3A_455 : vector<16xf32>
      %gather3A_457 = tpu.vector_load_idx %arg6[%broadcast_in_dim3A_451, %min3A_294, %convert_element_type3A_349, %convert_element_type3A_350] : memref<7x2x65x72xf32, #tpu.memory_space<vmem>>[vector<16xi32>, vector<16xi32>, vector<16xi32>, vector<16xi32>], vector<16xf32>,
      %add3A_458 = arith.addf %sub3A_456, %gather3A_457 : vector<16xf32>
      %mul3A_459 = arith.mulf %add3A_458, %div3A_370 : vector<16xf32>
      %jit3A_460 = arith.constant 0.000000e+00 : f32
      %broadcast_in_dim3A_461 = vector.broadcast %jit3A_460 : f32 to vector<16xf32>
      %select_n3A_462 = arith.select %gt3A_372, %mul3A_459, %broadcast_in_dim3A_461 : vector<16xi1>, vector<16xf32>
      tpu.vector_store_idx %arg7[%add3A_270, %broadcast_in_dim3A_451], %select_n3A_462 : memref<5008x7xf32, #tpu.memory_space<vmem>>[vector<16xi32>, vector<16xi32>], vector<16xf32>,
    }
    %scan3A_194 = arith.constant 313 : i32
    "tpu.region"() ({
      %run_scoped3A = tpu.sem_alloc : memref<!tpu.dma_semaphore, #tpu.memory_space<semaphore_mem>>
      %dma_start3A = arith.constant 0 : i32
      %dma_start3A_266 = arith.constant 0 : i32
      %dma_start3A_267 = tpu.memref_slice %arg4[%add3A_130, %dma_start3A, %dma_start3A_266] : memref<147x5008x7xf32, #tpu.memory_space<hbm>> -> memref<1x5008x7xf32, #tpu.memory_space<hbm>>
      %dma_start3A_268 = tpu.memref_squeeze %dma_start3A_267 : memref<1x5008x7xf32, #tpu.memory_space<hbm>> -> memref<5008x7xf32, #tpu.memory_space<hbm>>
      %dma_start3A_269 = arith.constant 0 : i32
      %dma_start3A_270 = arith.constant 0 : i32
      %dma_start3A_271 = tpu.memref_slice %arg4[%add3A_130, %dma_start3A_269, %dma_start3A_270] : memref<147x5008x7xf32, #tpu.memory_space<hbm>> -> memref<1x5008x7xf32, #tpu.memory_space<hbm>>
      %dma_start3A_272 = tpu.memref_squeeze %dma_start3A_271 : memref<1x5008x7xf32, #tpu.memory_space<hbm>> -> memref<5008x7xf32, #tpu.memory_space<hbm>>
      tpu.enqueue_dma source(%arg7 : memref<5008x7xf32, #tpu.memory_space<vmem>>) target(%dma_start3A_272 : memref<5008x7xf32, #tpu.memory_space<hbm>>) target_semaphore(%run_scoped3A : memref<!tpu.dma_semaphore, #tpu.memory_space<semaphore_mem>>)
      %dma_wait3A = arith.constant 0 : i32
      %dma_wait3A_273 = arith.constant 0 : i32
      %dma_wait3A_274 = tpu.memref_slice %arg4[%add3A_130, %dma_wait3A, %dma_wait3A_273] : memref<147x5008x7xf32, #tpu.memory_space<hbm>> -> memref<1x5008x7xf32, #tpu.memory_space<hbm>>
      %dma_wait3A_275 = tpu.memref_squeeze %dma_wait3A_274 : memref<1x5008x7xf32, #tpu.memory_space<hbm>> -> memref<5008x7xf32, #tpu.memory_space<hbm>>
      %dma_wait3A_276 = arith.constant 0 : i32
      %dma_wait3A_277 = arith.constant 0 : i32
      %dma_wait3A_278 = tpu.memref_slice %arg4[%add3A_130, %dma_wait3A_276, %dma_wait3A_277] : memref<147x5008x7xf32, #tpu.memory_space<hbm>> -> memref<1x5008x7xf32, #tpu.memory_space<hbm>>
      %dma_wait3A_279 = tpu.memref_squeeze %dma_wait3A_278 : memref<1x5008x7xf32, #tpu.memory_space<hbm>> -> memref<5008x7xf32, #tpu.memory_space<hbm>>
      tpu.wait_dma2 semaphore(%run_scoped3A : memref<!tpu.dma_semaphore, #tpu.memory_space<semaphore_mem>>) src(%arg7 : memref<5008x7xf32, #tpu.memory_space<vmem>>) dst(%dma_wait3A_279 : memref<5008x7xf32, #tpu.memory_space<hbm>>)
      tpu.yield
    }) : () -> ()
    %add3A_195 = arith.constant 96 : i32
    %add3A_196 = arith.addi %add3A, %add3A_195 : i32
    %jit3A_197 = arith.constant 3 : i32
    %div3A_198 = arith.divsi %add3A_196, %jit3A_197 : i32
    %sign3A_199 = arith.constant 0 : i32
    %sign3A_200 = arith.cmpi sgt, %add3A_196, %sign3A_199 : i32
    %sign3A_201 = arith.extui %sign3A_200 : i1 to i32
    %sign3A_202 = arith.constant 0 : i32
    %sign3A_203 = arith.cmpi slt, %add3A_196, %sign3A_202 : i32
    %sign3A_204 = arith.extui %sign3A_203 : i1 to i32
    %sign3A_205 = arith.subi %sign3A_201, %sign3A_204 : i32
    %sign3A_206 = arith.constant 0 : i32
    %sign3A_207 = arith.cmpi sgt, %jit3A_197, %sign3A_206 : i32
    %sign3A_208 = arith.extui %sign3A_207 : i1 to i32
    %sign3A_209 = arith.constant 0 : i32
    %sign3A_210 = arith.cmpi slt, %jit3A_197, %sign3A_209 : i32
    %sign3A_211 = arith.extui %sign3A_210 : i1 to i32
    %sign3A_212 = arith.subi %sign3A_208, %sign3A_211 : i32
    %ne3A_213 = arith.cmpi ne, %sign3A_205, %sign3A_212 : i32
    %rem3A_214 = arith.remsi %add3A_196, %jit3A_197 : i32
    %ne3A_215 = arith.constant 0 : i32
    %ne3A_216 = arith.cmpi ne, %rem3A_214, %ne3A_215 : i32
    %and3A_217 = arith.andi %ne3A_213, %ne3A_216 : i1
    %sub3A_218 = arith.constant 1 : i32
    %sub3A_219 = arith.subi %div3A_198, %sub3A_218 : i32
    %select_n3A_220 = arith.select %and3A_217, %sub3A_219, %div3A_198 : i32
    %mul3A_221 = arith.constant 3 : i32
    %mul3A_222 = arith.muli %select_n3A_220, %mul3A_221 : i32
    %sub3A_223 = arith.subi %add3A_196, %mul3A_222 : i32
    %jit3A_224 = arith.constant 7 : i32
    %div3A_225 = arith.divsi %select_n3A_220, %jit3A_224 : i32
    %sign3A_226 = arith.constant 0 : i32
    %sign3A_227 = arith.cmpi sgt, %select_n3A_220, %sign3A_226 : i32
    %sign3A_228 = arith.extui %sign3A_227 : i1 to i32
    %sign3A_229 = arith.constant 0 : i32
    %sign3A_230 = arith.cmpi slt, %select_n3A_220, %sign3A_229 : i32
    %sign3A_231 = arith.extui %sign3A_230 : i1 to i32
    %sign3A_232 = arith.subi %sign3A_228, %sign3A_231 : i32
    %sign3A_233 = arith.constant 0 : i32
    %sign3A_234 = arith.cmpi sgt, %jit3A_224, %sign3A_233 : i32
    %sign3A_235 = arith.extui %sign3A_234 : i1 to i32
    %sign3A_236 = arith.constant 0 : i32
    %sign3A_237 = arith.cmpi slt, %jit3A_224, %sign3A_236 : i32
    %sign3A_238 = arith.extui %sign3A_237 : i1 to i32
    %sign3A_239 = arith.subi %sign3A_235, %sign3A_238 : i32
    %ne3A_240 = arith.cmpi ne, %sign3A_232, %sign3A_239 : i32
    %rem3A_241 = arith.remsi %select_n3A_220, %jit3A_224 : i32
    %ne3A_242 = arith.constant 0 : i32
    %ne3A_243 = arith.cmpi ne, %rem3A_241, %ne3A_242 : i32
    %and3A_244 = arith.andi %ne3A_240, %ne3A_243 : i1
    %sub3A_245 = arith.constant 1 : i32
    %sub3A_246 = arith.subi %div3A_225, %sub3A_245 : i32
    %select_n3A_247 = arith.select %and3A_244, %sub3A_246, %div3A_225 : i32
    %mul3A_248 = arith.constant 7 : i32
    %mul3A_249 = arith.muli %select_n3A_247, %mul3A_248 : i32
    %sub3A_250 = arith.subi %select_n3A_220, %mul3A_249 : i32
    %mul3A_251 = arith.constant 7 : i32
    %mul3A_252 = arith.muli %sub3A_223, %mul3A_251 : i32
    "tpu.region"() ({
      %run_scoped3A = tpu.sem_alloc : memref<!tpu.dma_semaphore, #tpu.memory_space<semaphore_mem>>
      %dma_start3A = arith.constant 0 : i32
      %dma_start3A_266 = arith.constant 0 : i32
      %dma_start3A_267 = arith.constant 0 : i32
      %dma_start3A_268 = tpu.memref_slice %arg3[%mul3A_252, %select_n3A_220, %dma_start3A, %dma_start3A_266, %dma_start3A_267] : memref<21x49x2x65x72xf32, #tpu.memory_space<hbm>> -> memref<7x1x2x65x72xf32, #tpu.memory_space<hbm>>
      %dma_start3A_269 = tpu.memref_squeeze %dma_start3A_268 : memref<7x1x2x65x72xf32, #tpu.memory_space<hbm>> -> memref<7x2x65x72xf32, #tpu.memory_space<hbm>>
      %dma_start3A_270 = arith.constant 0 : i32
      %dma_start3A_271 = arith.constant 0 : i32
      %dma_start3A_272 = arith.constant 0 : i32
      %dma_start3A_273 = tpu.memref_slice %arg3[%mul3A_252, %select_n3A_220, %dma_start3A_270, %dma_start3A_271, %dma_start3A_272] : memref<21x49x2x65x72xf32, #tpu.memory_space<hbm>> -> memref<7x1x2x65x72xf32, #tpu.memory_space<hbm>>
      %dma_start3A_274 = tpu.memref_squeeze %dma_start3A_273 : memref<7x1x2x65x72xf32, #tpu.memory_space<hbm>> -> memref<7x2x65x72xf32, #tpu.memory_space<hbm>>
      tpu.enqueue_dma source(%dma_start3A_274 : memref<7x2x65x72xf32, #tpu.memory_space<hbm>>) target(%arg6 : memref<7x2x65x72xf32, #tpu.memory_space<vmem>>) target_semaphore(%run_scoped3A : memref<!tpu.dma_semaphore, #tpu.memory_space<semaphore_mem>>)
      %dma_wait3A = arith.constant 0 : i32
      %dma_wait3A_275 = arith.constant 0 : i32
      %dma_wait3A_276 = arith.constant 0 : i32
      %dma_wait3A_277 = tpu.memref_slice %arg3[%mul3A_252, %select_n3A_220, %dma_wait3A, %dma_wait3A_275, %dma_wait3A_276] : memref<21x49x2x65x72xf32, #tpu.memory_space<hbm>> -> memref<7x1x2x65x72xf32, #tpu.memory_space<hbm>>
      %dma_wait3A_278 = tpu.memref_squeeze %dma_wait3A_277 : memref<7x1x2x65x72xf32, #tpu.memory_space<hbm>> -> memref<7x2x65x72xf32, #tpu.memory_space<hbm>>
      %dma_wait3A_279 = arith.constant 0 : i32
      %dma_wait3A_280 = arith.constant 0 : i32
      %dma_wait3A_281 = arith.constant 0 : i32
      %dma_wait3A_282 = tpu.memref_slice %arg3[%mul3A_252, %select_n3A_220, %dma_wait3A_279, %dma_wait3A_280, %dma_wait3A_281] : memref<21x49x2x65x72xf32, #tpu.memory_space<hbm>> -> memref<7x1x2x65x72xf32, #tpu.memory_space<hbm>>
      %dma_wait3A_283 = tpu.memref_squeeze %dma_wait3A_282 : memref<7x1x2x65x72xf32, #tpu.memory_space<hbm>> -> memref<7x2x65x72xf32, #tpu.memory_space<hbm>>
      tpu.wait_dma2 semaphore(%run_scoped3A : memref<!tpu.dma_semaphore, #tpu.memory_space<semaphore_mem>>) src(%dma_wait3A_283 : memref<7x2x65x72xf32, #tpu.memory_space<hbm>>) dst(%arg6 : memref<7x2x65x72xf32, #tpu.memory_space<vmem>>)
      tpu.yield
    }) : () -> ()
    %convert_element_type3A_253 = arith.sitofp %select_n3A_247 : i32 to f32
    %convert_element_type3A_254 = arith.sitofp %sub3A_250 : i32 to f32
    %scan3A_255 = arith.constant 0 : i32
    %scan3A_256 = arith.constant 0 : i32
    %scan3A_257 = arith.constant 313 : i32
    %scan3A_258 = arith.addi %scan3A_256, %scan3A_257 : i32
    %scan3A_259 = arith.constant 1 : i32
    scf.for %scan3A_266 = %scan3A_256 to %scan3A_258 step %scan3A_259  : i32 {
      %mul3A_267 = arith.constant 16 : i32
      %mul3A_268 = arith.muli %scan3A_266, %mul3A_267 : i32
      %iota3A = tpu.iota {dimensions = array<i32: 0>} : vector<16xi32>
      %add3A_269 = vector.broadcast %mul3A_268 : i32 to vector<16xi32>
      %add3A_270 = arith.addi %add3A_269, %iota3A : vector<16xi32>
      %mul3A_271 = arith.constant 5 : i32
      %mul3A_272 = vector.broadcast %mul3A_271 : i32 to vector<16xi32>
      %mul3A_273 = arith.muli %add3A_270, %mul3A_272 : vector<16xi32>
      %gather3A = tpu.vector_load_idx %arg5[%mul3A_273] : memref<25024xf32, #tpu.memory_space<vmem>>[vector<16xi32>], vector<16xf32>,
      %add3A_274 = arith.constant 1 : i32
      %add3A_275 = vector.broadcast %add3A_274 : i32 to vector<16xi32>
      %add3A_276 = arith.addi %mul3A_273, %add3A_275 : vector<16xi32>
      %gather3A_277 = tpu.vector_load_idx %arg5[%add3A_276] : memref<25024xf32, #tpu.memory_space<vmem>>[vector<16xi32>], vector<16xf32>,
      %add3A_278 = arith.constant 2 : i32
      %add3A_279 = vector.broadcast %add3A_278 : i32 to vector<16xi32>
      %add3A_280 = arith.addi %mul3A_273, %add3A_279 : vector<16xi32>
      %gather3A_281 = tpu.vector_load_idx %arg5[%add3A_280] : memref<25024xf32, #tpu.memory_space<vmem>>[vector<16xi32>], vector<16xf32>,
      %add3A_282 = arith.constant 3 : i32
      %add3A_283 = vector.broadcast %add3A_282 : i32 to vector<16xi32>
      %add3A_284 = arith.addi %mul3A_273, %add3A_283 : vector<16xi32>
      %gather3A_285 = tpu.vector_load_idx %arg5[%add3A_284] : memref<25024xf32, #tpu.memory_space<vmem>>[vector<16xi32>], vector<16xf32>,
      %add3A_286 = arith.constant 4 : i32
      %add3A_287 = vector.broadcast %add3A_286 : i32 to vector<16xi32>
      %add3A_288 = arith.addi %mul3A_273, %add3A_287 : vector<16xi32>
      %gather3A_289 = tpu.vector_load_idx %arg5[%add3A_288] : memref<25024xf32, #tpu.memory_space<vmem>>[vector<16xi32>], vector<16xf32>,
      %convert_element_type3A_290 = arith.fptosi %gather3A : vector<16xf32> to vector<16xi32>
      %jit3A_291 = arith.constant 0 : i32
      %jit3A_292 = arith.constant 1 : i32
      %max3A = vector.broadcast %jit3A_291 : i32 to vector<16xi32>
      %max3A_293 = arith.maxsi %max3A, %convert_element_type3A_290 : vector<16xi32>
      %min3A = vector.broadcast %jit3A_292 : i32 to vector<16xi32>
      %min3A_294 = arith.minsi %min3A, %max3A_293 : vector<16xi32>
      %sub3A_295 = arith.subf %gather3A_285, %gather3A_277 : vector<16xf32>
      %max3A_296 = arith.constant 1.000000e-01 : f32
      %max3A_297 = vector.broadcast %max3A_296 : f32 to vector<16xf32>
      %max3A_298 = arith.maximumf %sub3A_295, %max3A_297 : vector<16xf32>
      %div3A_299 = arith.constant 7.000000e+00 : f32
      %div3A_300 = vector.broadcast %div3A_299 : f32 to vector<16xf32>
      %div3A_301 = arith.divf %max3A_298, %div3A_300 : vector<16xf32>
      %sub3A_302 = arith.subf %gather3A_289, %gather3A_281 : vector<16xf32>
      %max3A_303 = arith.constant 1.000000e-01 : f32
      %max3A_304 = vector.broadcast %max3A_303 : f32 to vector<16xf32>
      %max3A_305 = arith.maximumf %sub3A_302, %max3A_304 : vector<16xf32>
      %div3A_306 = arith.constant 7.000000e+00 : f32
      %div3A_307 = vector.broadcast %div3A_306 : f32 to vector<16xf32>
      %div3A_308 = arith.divf %max3A_305, %div3A_307 : vector<16xf32>
      %mul3A_309 = vector.broadcast %convert_element_type3A_253 : f32 to vector<16xf32>
      %mul3A_310 = arith.mulf %mul3A_309, %div3A_308 : vector<16xf32>
      %add3A_311 = arith.addf %mul3A_310, %gather3A_281 : vector<16xf32>
      %jit3A_312 = arith.constant 0.000000e+00 : f32
      %jit3A_313 = arith.constant 6.400000e+01 : f32
      %max3A_314 = vector.broadcast %jit3A_312 : f32 to vector<16xf32>
      %max3A_315 = arith.maximumf %max3A_314, %add3A_311 : vector<16xf32>
      %min3A_316 = vector.broadcast %jit3A_313 : f32 to vector<16xf32>
      %min3A_317 = arith.minimumf %min3A_316, %max3A_315 : vector<16xf32>
      %mul3A_318 = vector.broadcast %convert_element_type3A_254 : f32 to vector<16xf32>
      %mul3A_319 = arith.mulf %mul3A_318, %div3A_301 : vector<16xf32>
      %add3A_320 = arith.addf %mul3A_319, %gather3A_277 : vector<16xf32>
      %jit3A_321 = arith.constant 0.000000e+00 : f32
      %jit3A_322 = arith.constant 6.400000e+01 : f32
      %max3A_323 = vector.broadcast %jit3A_321 : f32 to vector<16xf32>
      %max3A_324 = arith.maximumf %max3A_323, %add3A_320 : vector<16xf32>
      %min3A_325 = vector.broadcast %jit3A_322 : f32 to vector<16xf32>
      %min3A_326 = arith.minimumf %min3A_325, %max3A_324 : vector<16xf32>
      %add3A_327 = arith.constant 1.000000e+00 : f32
      %add3A_328 = arith.addf %convert_element_type3A_253, %add3A_327 : f32
      %mul3A_329 = vector.broadcast %add3A_328 : f32 to vector<16xf32>
      %mul3A_330 = arith.mulf %mul3A_329, %div3A_308 : vector<16xf32>
      %add3A_331 = arith.addf %mul3A_330, %gather3A_281 : vector<16xf32>
      %jit3A_332 = arith.constant 0.000000e+00 : f32
      %jit3A_333 = arith.constant 6.400000e+01 : f32
      %max3A_334 = vector.broadcast %jit3A_332 : f32 to vector<16xf32>
      %max3A_335 = arith.maximumf %max3A_334, %add3A_331 : vector<16xf32>
      %min3A_336 = vector.broadcast %jit3A_333 : f32 to vector<16xf32>
      %min3A_337 = arith.minimumf %min3A_336, %max3A_335 : vector<16xf32>
      %add3A_338 = arith.constant 1.000000e+00 : f32
      %add3A_339 = arith.addf %convert_element_type3A_254, %add3A_338 : f32
      %mul3A_340 = vector.broadcast %add3A_339 : f32 to vector<16xf32>
      %mul3A_341 = arith.mulf %mul3A_340, %div3A_301 : vector<16xf32>
      %add3A_342 = arith.addf %mul3A_341, %gather3A_277 : vector<16xf32>
      %jit3A_343 = arith.constant 0.000000e+00 : f32
      %jit3A_344 = arith.constant 6.400000e+01 : f32
      %max3A_345 = vector.broadcast %jit3A_343 : f32 to vector<16xf32>
      %max3A_346 = arith.maximumf %max3A_345, %add3A_342 : vector<16xf32>
      %min3A_347 = vector.broadcast %jit3A_344 : f32 to vector<16xf32>
      %min3A_348 = arith.minimumf %min3A_347, %max3A_346 : vector<16xf32>
      %convert_element_type3A_349 = arith.fptosi %min3A_317 : vector<16xf32> to vector<16xi32>
      %convert_element_type3A_350 = arith.fptosi %min3A_326 : vector<16xf32> to vector<16xi32>
      %convert_element_type3A_351 = arith.fptosi %min3A_337 : vector<16xf32> to vector<16xi32>
      %convert_element_type3A_352 = arith.sitofp %convert_element_type3A_351 : vector<16xi32> to vector<16xf32>
      %lt3A_353 = arith.cmpf olt, %convert_element_type3A_352, %min3A_337 : vector<16xf32>
      %convert_element_type3A_354 = arith.extui %lt3A_353 : vector<16xi1> to vector<16xi32>
      %add3A_355 = arith.addi %convert_element_type3A_351, %convert_element_type3A_354 : vector<16xi32>
      %convert_element_type3A_356 = arith.fptosi %min3A_348 : vector<16xf32> to vector<16xi32>
      %convert_element_type3A_357 = arith.sitofp %convert_element_type3A_356 : vector<16xi32> to vector<16xf32>
      %lt3A_358 = arith.cmpf olt, %convert_element_type3A_357, %min3A_348 : vector<16xf32>
      %convert_element_type3A_359 = arith.extui %lt3A_358 : vector<16xi1> to vector<16xi32>
      %add3A_360 = arith.addi %convert_element_type3A_356, %convert_element_type3A_359 : vector<16xi32>
      %sub3A_361 = arith.subi %add3A_355, %convert_element_type3A_349 : vector<16xi32>
      %sub3A_362 = arith.subi %add3A_360, %convert_element_type3A_350 : vector<16xi32>
      %mul3A_363 = arith.muli %sub3A_361, %sub3A_362 : vector<16xi32>
      %max3A_364 = arith.constant 1 : i32
      %max3A_365 = vector.broadcast %max3A_364 : i32 to vector<16xi32>
      %max3A_366 = arith.maxsi %mul3A_363, %max3A_365 : vector<16xi32>
      %convert_element_type3A_367 = arith.sitofp %max3A_366 : vector<16xi32> to vector<16xf32>
      %div3A_368 = arith.constant 1.000000e+00 : f32
      %div3A_369 = vector.broadcast %div3A_368 : f32 to vector<16xf32>
      %div3A_370 = arith.divf %div3A_369, %convert_element_type3A_367 : vector<16xf32>
      %gt3A = arith.constant 0 : i32
      %gt3A_371 = vector.broadcast %gt3A : i32 to vector<16xi32>
      %gt3A_372 = arith.cmpi sgt, %mul3A_363, %gt3A_371 : vector<16xi32>
      %broadcast_in_dim3A = arith.constant 0 : i32
      %broadcast_in_dim3A_373 = vector.broadcast %broadcast_in_dim3A : i32 to vector<16xi32>
      %gather3A_374 = tpu.vector_load_idx %arg6[%broadcast_in_dim3A_373, %min3A_294, %add3A_355, %add3A_360] : memref<7x2x65x72xf32, #tpu.memory_space<vmem>>[vector<16xi32>, vector<16xi32>, vector<16xi32>, vector<16xi32>], vector<16xf32>,
      %gather3A_375 = tpu.vector_load_idx %arg6[%broadcast_in_dim3A_373, %min3A_294, %convert_element_type3A_349, %add3A_360] : memref<7x2x65x72xf32, #tpu.memory_space<vmem>>[vector<16xi32>, vector<16xi32>, vector<16xi32>, vector<16xi32>], vector<16xf32>,
      %sub3A_376 = arith.subf %gather3A_374, %gather3A_375 : vector<16xf32>
      %gather3A_377 = tpu.vector_load_idx %arg6[%broadcast_in_dim3A_373, %min3A_294, %add3A_355, %convert_element_type3A_350] : memref<7x2x65x72xf32, #tpu.memory_space<vmem>>[vector<16xi32>, vector<16xi32>, vector<16xi32>, vector<16xi32>], vector<16xf32>,
      %sub3A_378 = arith.subf %sub3A_376, %gather3A_377 : vector<16xf32>
      %gather3A_379 = tpu.vector_load_idx %arg6[%broadcast_in_dim3A_373, %min3A_294, %convert_element_type3A_349, %convert_element_type3A_350] : memref<7x2x65x72xf32, #tpu.memory_space<vmem>>[vector<16xi32>, vector<16xi32>, vector<16xi32>, vector<16xi32>], vector<16xf32>,
      %add3A_380 = arith.addf %sub3A_378, %gather3A_379 : vector<16xf32>
      %mul3A_381 = arith.mulf %add3A_380, %div3A_370 : vector<16xf32>
      %jit3A_382 = arith.constant 0.000000e+00 : f32
      %broadcast_in_dim3A_383 = vector.broadcast %jit3A_382 : f32 to vector<16xf32>
      %select_n3A_384 = arith.select %gt3A_372, %mul3A_381, %broadcast_in_dim3A_383 : vector<16xi1>, vector<16xf32>
      tpu.vector_store_idx %arg7[%add3A_270, %broadcast_in_dim3A_373], %select_n3A_384 : memref<5008x7xf32, #tpu.memory_space<vmem>>[vector<16xi32>, vector<16xi32>], vector<16xf32>,
      %broadcast_in_dim3A_385 = arith.constant 1 : i32
      %broadcast_in_dim3A_386 = vector.broadcast %broadcast_in_dim3A_385 : i32 to vector<16xi32>
      %gather3A_387 = tpu.vector_load_idx %arg6[%broadcast_in_dim3A_386, %min3A_294, %add3A_355, %add3A_360] : memref<7x2x65x72xf32, #tpu.memory_space<vmem>>[vector<16xi32>, vector<16xi32>, vector<16xi32>, vector<16xi32>], vector<16xf32>,
      %gather3A_388 = tpu.vector_load_idx %arg6[%broadcast_in_dim3A_386, %min3A_294, %convert_element_type3A_349, %add3A_360] : memref<7x2x65x72xf32, #tpu.memory_space<vmem>>[vector<16xi32>, vector<16xi32>, vector<16xi32>, vector<16xi32>], vector<16xf32>,
      %sub3A_389 = arith.subf %gather3A_387, %gather3A_388 : vector<16xf32>
      %gather3A_390 = tpu.vector_load_idx %arg6[%broadcast_in_dim3A_386, %min3A_294, %add3A_355, %convert_element_type3A_350] : memref<7x2x65x72xf32, #tpu.memory_space<vmem>>[vector<16xi32>, vector<16xi32>, vector<16xi32>, vector<16xi32>], vector<16xf32>,
      %sub3A_391 = arith.subf %sub3A_389, %gather3A_390 : vector<16xf32>
      %gather3A_392 = tpu.vector_load_idx %arg6[%broadcast_in_dim3A_386, %min3A_294, %convert_element_type3A_349, %convert_element_type3A_350] : memref<7x2x65x72xf32, #tpu.memory_space<vmem>>[vector<16xi32>, vector<16xi32>, vector<16xi32>, vector<16xi32>], vector<16xf32>,
      %add3A_393 = arith.addf %sub3A_391, %gather3A_392 : vector<16xf32>
      %mul3A_394 = arith.mulf %add3A_393, %div3A_370 : vector<16xf32>
      %jit3A_395 = arith.constant 0.000000e+00 : f32
      %broadcast_in_dim3A_396 = vector.broadcast %jit3A_395 : f32 to vector<16xf32>
      %select_n3A_397 = arith.select %gt3A_372, %mul3A_394, %broadcast_in_dim3A_396 : vector<16xi1>, vector<16xf32>
      tpu.vector_store_idx %arg7[%add3A_270, %broadcast_in_dim3A_386], %select_n3A_397 : memref<5008x7xf32, #tpu.memory_space<vmem>>[vector<16xi32>, vector<16xi32>], vector<16xf32>,
      %broadcast_in_dim3A_398 = arith.constant 2 : i32
      %broadcast_in_dim3A_399 = vector.broadcast %broadcast_in_dim3A_398 : i32 to vector<16xi32>
      %gather3A_400 = tpu.vector_load_idx %arg6[%broadcast_in_dim3A_399, %min3A_294, %add3A_355, %add3A_360] : memref<7x2x65x72xf32, #tpu.memory_space<vmem>>[vector<16xi32>, vector<16xi32>, vector<16xi32>, vector<16xi32>], vector<16xf32>,
      %gather3A_401 = tpu.vector_load_idx %arg6[%broadcast_in_dim3A_399, %min3A_294, %convert_element_type3A_349, %add3A_360] : memref<7x2x65x72xf32, #tpu.memory_space<vmem>>[vector<16xi32>, vector<16xi32>, vector<16xi32>, vector<16xi32>], vector<16xf32>,
      %sub3A_402 = arith.subf %gather3A_400, %gather3A_401 : vector<16xf32>
      %gather3A_403 = tpu.vector_load_idx %arg6[%broadcast_in_dim3A_399, %min3A_294, %add3A_355, %convert_element_type3A_350] : memref<7x2x65x72xf32, #tpu.memory_space<vmem>>[vector<16xi32>, vector<16xi32>, vector<16xi32>, vector<16xi32>], vector<16xf32>,
      %sub3A_404 = arith.subf %sub3A_402, %gather3A_403 : vector<16xf32>
      %gather3A_405 = tpu.vector_load_idx %arg6[%broadcast_in_dim3A_399, %min3A_294, %convert_element_type3A_349, %convert_element_type3A_350] : memref<7x2x65x72xf32, #tpu.memory_space<vmem>>[vector<16xi32>, vector<16xi32>, vector<16xi32>, vector<16xi32>], vector<16xf32>,
      %add3A_406 = arith.addf %sub3A_404, %gather3A_405 : vector<16xf32>
      %mul3A_407 = arith.mulf %add3A_406, %div3A_370 : vector<16xf32>
      %jit3A_408 = arith.constant 0.000000e+00 : f32
      %broadcast_in_dim3A_409 = vector.broadcast %jit3A_408 : f32 to vector<16xf32>
      %select_n3A_410 = arith.select %gt3A_372, %mul3A_407, %broadcast_in_dim3A_409 : vector<16xi1>, vector<16xf32>
      tpu.vector_store_idx %arg7[%add3A_270, %broadcast_in_dim3A_399], %select_n3A_410 : memref<5008x7xf32, #tpu.memory_space<vmem>>[vector<16xi32>, vector<16xi32>], vector<16xf32>,
      %broadcast_in_dim3A_411 = arith.constant 3 : i32
      %broadcast_in_dim3A_412 = vector.broadcast %broadcast_in_dim3A_411 : i32 to vector<16xi32>
      %gather3A_413 = tpu.vector_load_idx %arg6[%broadcast_in_dim3A_412, %min3A_294, %add3A_355, %add3A_360] : memref<7x2x65x72xf32, #tpu.memory_space<vmem>>[vector<16xi32>, vector<16xi32>, vector<16xi32>, vector<16xi32>], vector<16xf32>,
      %gather3A_414 = tpu.vector_load_idx %arg6[%broadcast_in_dim3A_412, %min3A_294, %convert_element_type3A_349, %add3A_360] : memref<7x2x65x72xf32, #tpu.memory_space<vmem>>[vector<16xi32>, vector<16xi32>, vector<16xi32>, vector<16xi32>], vector<16xf32>,
      %sub3A_415 = arith.subf %gather3A_413, %gather3A_414 : vector<16xf32>
      %gather3A_416 = tpu.vector_load_idx %arg6[%broadcast_in_dim3A_412, %min3A_294, %add3A_355, %convert_element_type3A_350] : memref<7x2x65x72xf32, #tpu.memory_space<vmem>>[vector<16xi32>, vector<16xi32>, vector<16xi32>, vector<16xi32>], vector<16xf32>,
      %sub3A_417 = arith.subf %sub3A_415, %gather3A_416 : vector<16xf32>
      %gather3A_418 = tpu.vector_load_idx %arg6[%broadcast_in_dim3A_412, %min3A_294, %convert_element_type3A_349, %convert_element_type3A_350] : memref<7x2x65x72xf32, #tpu.memory_space<vmem>>[vector<16xi32>, vector<16xi32>, vector<16xi32>, vector<16xi32>], vector<16xf32>,
      %add3A_419 = arith.addf %sub3A_417, %gather3A_418 : vector<16xf32>
      %mul3A_420 = arith.mulf %add3A_419, %div3A_370 : vector<16xf32>
      %jit3A_421 = arith.constant 0.000000e+00 : f32
      %broadcast_in_dim3A_422 = vector.broadcast %jit3A_421 : f32 to vector<16xf32>
      %select_n3A_423 = arith.select %gt3A_372, %mul3A_420, %broadcast_in_dim3A_422 : vector<16xi1>, vector<16xf32>
      tpu.vector_store_idx %arg7[%add3A_270, %broadcast_in_dim3A_412], %select_n3A_423 : memref<5008x7xf32, #tpu.memory_space<vmem>>[vector<16xi32>, vector<16xi32>], vector<16xf32>,
      %broadcast_in_dim3A_424 = arith.constant 4 : i32
      %broadcast_in_dim3A_425 = vector.broadcast %broadcast_in_dim3A_424 : i32 to vector<16xi32>
      %gather3A_426 = tpu.vector_load_idx %arg6[%broadcast_in_dim3A_425, %min3A_294, %add3A_355, %add3A_360] : memref<7x2x65x72xf32, #tpu.memory_space<vmem>>[vector<16xi32>, vector<16xi32>, vector<16xi32>, vector<16xi32>], vector<16xf32>,
      %gather3A_427 = tpu.vector_load_idx %arg6[%broadcast_in_dim3A_425, %min3A_294, %convert_element_type3A_349, %add3A_360] : memref<7x2x65x72xf32, #tpu.memory_space<vmem>>[vector<16xi32>, vector<16xi32>, vector<16xi32>, vector<16xi32>], vector<16xf32>,
      %sub3A_428 = arith.subf %gather3A_426, %gather3A_427 : vector<16xf32>
      %gather3A_429 = tpu.vector_load_idx %arg6[%broadcast_in_dim3A_425, %min3A_294, %add3A_355, %convert_element_type3A_350] : memref<7x2x65x72xf32, #tpu.memory_space<vmem>>[vector<16xi32>, vector<16xi32>, vector<16xi32>, vector<16xi32>], vector<16xf32>,
      %sub3A_430 = arith.subf %sub3A_428, %gather3A_429 : vector<16xf32>
      %gather3A_431 = tpu.vector_load_idx %arg6[%broadcast_in_dim3A_425, %min3A_294, %convert_element_type3A_349, %convert_element_type3A_350] : memref<7x2x65x72xf32, #tpu.memory_space<vmem>>[vector<16xi32>, vector<16xi32>, vector<16xi32>, vector<16xi32>], vector<16xf32>,
      %add3A_432 = arith.addf %sub3A_430, %gather3A_431 : vector<16xf32>
      %mul3A_433 = arith.mulf %add3A_432, %div3A_370 : vector<16xf32>
      %jit3A_434 = arith.constant 0.000000e+00 : f32
      %broadcast_in_dim3A_435 = vector.broadcast %jit3A_434 : f32 to vector<16xf32>
      %select_n3A_436 = arith.select %gt3A_372, %mul3A_433, %broadcast_in_dim3A_435 : vector<16xi1>, vector<16xf32>
      tpu.vector_store_idx %arg7[%add3A_270, %broadcast_in_dim3A_425], %select_n3A_436 : memref<5008x7xf32, #tpu.memory_space<vmem>>[vector<16xi32>, vector<16xi32>], vector<16xf32>,
      %broadcast_in_dim3A_437 = arith.constant 5 : i32
      %broadcast_in_dim3A_438 = vector.broadcast %broadcast_in_dim3A_437 : i32 to vector<16xi32>
      %gather3A_439 = tpu.vector_load_idx %arg6[%broadcast_in_dim3A_438, %min3A_294, %add3A_355, %add3A_360] : memref<7x2x65x72xf32, #tpu.memory_space<vmem>>[vector<16xi32>, vector<16xi32>, vector<16xi32>, vector<16xi32>], vector<16xf32>,
      %gather3A_440 = tpu.vector_load_idx %arg6[%broadcast_in_dim3A_438, %min3A_294, %convert_element_type3A_349, %add3A_360] : memref<7x2x65x72xf32, #tpu.memory_space<vmem>>[vector<16xi32>, vector<16xi32>, vector<16xi32>, vector<16xi32>], vector<16xf32>,
      %sub3A_441 = arith.subf %gather3A_439, %gather3A_440 : vector<16xf32>
      %gather3A_442 = tpu.vector_load_idx %arg6[%broadcast_in_dim3A_438, %min3A_294, %add3A_355, %convert_element_type3A_350] : memref<7x2x65x72xf32, #tpu.memory_space<vmem>>[vector<16xi32>, vector<16xi32>, vector<16xi32>, vector<16xi32>], vector<16xf32>,
      %sub3A_443 = arith.subf %sub3A_441, %gather3A_442 : vector<16xf32>
      %gather3A_444 = tpu.vector_load_idx %arg6[%broadcast_in_dim3A_438, %min3A_294, %convert_element_type3A_349, %convert_element_type3A_350] : memref<7x2x65x72xf32, #tpu.memory_space<vmem>>[vector<16xi32>, vector<16xi32>, vector<16xi32>, vector<16xi32>], vector<16xf32>,
      %add3A_445 = arith.addf %sub3A_443, %gather3A_444 : vector<16xf32>
      %mul3A_446 = arith.mulf %add3A_445, %div3A_370 : vector<16xf32>
      %jit3A_447 = arith.constant 0.000000e+00 : f32
      %broadcast_in_dim3A_448 = vector.broadcast %jit3A_447 : f32 to vector<16xf32>
      %select_n3A_449 = arith.select %gt3A_372, %mul3A_446, %broadcast_in_dim3A_448 : vector<16xi1>, vector<16xf32>
      tpu.vector_store_idx %arg7[%add3A_270, %broadcast_in_dim3A_438], %select_n3A_449 : memref<5008x7xf32, #tpu.memory_space<vmem>>[vector<16xi32>, vector<16xi32>], vector<16xf32>,
      %broadcast_in_dim3A_450 = arith.constant 6 : i32
      %broadcast_in_dim3A_451 = vector.broadcast %broadcast_in_dim3A_450 : i32 to vector<16xi32>
      %gather3A_452 = tpu.vector_load_idx %arg6[%broadcast_in_dim3A_451, %min3A_294, %add3A_355, %add3A_360] : memref<7x2x65x72xf32, #tpu.memory_space<vmem>>[vector<16xi32>, vector<16xi32>, vector<16xi32>, vector<16xi32>], vector<16xf32>,
      %gather3A_453 = tpu.vector_load_idx %arg6[%broadcast_in_dim3A_451, %min3A_294, %convert_element_type3A_349, %add3A_360] : memref<7x2x65x72xf32, #tpu.memory_space<vmem>>[vector<16xi32>, vector<16xi32>, vector<16xi32>, vector<16xi32>], vector<16xf32>,
      %sub3A_454 = arith.subf %gather3A_452, %gather3A_453 : vector<16xf32>
      %gather3A_455 = tpu.vector_load_idx %arg6[%broadcast_in_dim3A_451, %min3A_294, %add3A_355, %convert_element_type3A_350] : memref<7x2x65x72xf32, #tpu.memory_space<vmem>>[vector<16xi32>, vector<16xi32>, vector<16xi32>, vector<16xi32>], vector<16xf32>,
      %sub3A_456 = arith.subf %sub3A_454, %gather3A_455 : vector<16xf32>
      %gather3A_457 = tpu.vector_load_idx %arg6[%broadcast_in_dim3A_451, %min3A_294, %convert_element_type3A_349, %convert_element_type3A_350] : memref<7x2x65x72xf32, #tpu.memory_space<vmem>>[vector<16xi32>, vector<16xi32>, vector<16xi32>, vector<16xi32>], vector<16xf32>,
      %add3A_458 = arith.addf %sub3A_456, %gather3A_457 : vector<16xf32>
      %mul3A_459 = arith.mulf %add3A_458, %div3A_370 : vector<16xf32>
      %jit3A_460 = arith.constant 0.000000e+00 : f32
      %broadcast_in_dim3A_461 = vector.broadcast %jit3A_460 : f32 to vector<16xf32>
      %select_n3A_462 = arith.select %gt3A_372, %mul3A_459, %broadcast_in_dim3A_461 : vector<16xi1>, vector<16xf32>
      tpu.vector_store_idx %arg7[%add3A_270, %broadcast_in_dim3A_451], %select_n3A_462 : memref<5008x7xf32, #tpu.memory_space<vmem>>[vector<16xi32>, vector<16xi32>], vector<16xf32>,
    }
    %scan3A_260 = arith.constant 313 : i32
    "tpu.region"() ({
      %run_scoped3A = tpu.sem_alloc : memref<!tpu.dma_semaphore, #tpu.memory_space<semaphore_mem>>
      %dma_start3A = arith.constant 0 : i32
      %dma_start3A_266 = arith.constant 0 : i32
      %dma_start3A_267 = tpu.memref_slice %arg4[%add3A_196, %dma_start3A, %dma_start3A_266] : memref<147x5008x7xf32, #tpu.memory_space<hbm>> -> memref<1x5008x7xf32, #tpu.memory_space<hbm>>
      %dma_start3A_268 = tpu.memref_squeeze %dma_start3A_267 : memref<1x5008x7xf32, #tpu.memory_space<hbm>> -> memref<5008x7xf32, #tpu.memory_space<hbm>>
      %dma_start3A_269 = arith.constant 0 : i32
      %dma_start3A_270 = arith.constant 0 : i32
      %dma_start3A_271 = tpu.memref_slice %arg4[%add3A_196, %dma_start3A_269, %dma_start3A_270] : memref<147x5008x7xf32, #tpu.memory_space<hbm>> -> memref<1x5008x7xf32, #tpu.memory_space<hbm>>
      %dma_start3A_272 = tpu.memref_squeeze %dma_start3A_271 : memref<1x5008x7xf32, #tpu.memory_space<hbm>> -> memref<5008x7xf32, #tpu.memory_space<hbm>>
      tpu.enqueue_dma source(%arg7 : memref<5008x7xf32, #tpu.memory_space<vmem>>) target(%dma_start3A_272 : memref<5008x7xf32, #tpu.memory_space<hbm>>) target_semaphore(%run_scoped3A : memref<!tpu.dma_semaphore, #tpu.memory_space<semaphore_mem>>)
      %dma_wait3A = arith.constant 0 : i32
      %dma_wait3A_273 = arith.constant 0 : i32
      %dma_wait3A_274 = tpu.memref_slice %arg4[%add3A_196, %dma_wait3A, %dma_wait3A_273] : memref<147x5008x7xf32, #tpu.memory_space<hbm>> -> memref<1x5008x7xf32, #tpu.memory_space<hbm>>
      %dma_wait3A_275 = tpu.memref_squeeze %dma_wait3A_274 : memref<1x5008x7xf32, #tpu.memory_space<hbm>> -> memref<5008x7xf32, #tpu.memory_space<hbm>>
      %dma_wait3A_276 = arith.constant 0 : i32
      %dma_wait3A_277 = arith.constant 0 : i32
      %dma_wait3A_278 = tpu.memref_slice %arg4[%add3A_196, %dma_wait3A_276, %dma_wait3A_277] : memref<147x5008x7xf32, #tpu.memory_space<hbm>> -> memref<1x5008x7xf32, #tpu.memory_space<hbm>>
      %dma_wait3A_279 = tpu.memref_squeeze %dma_wait3A_278 : memref<1x5008x7xf32, #tpu.memory_space<hbm>> -> memref<5008x7xf32, #tpu.memory_space<hbm>>
      tpu.wait_dma2 semaphore(%run_scoped3A : memref<!tpu.dma_semaphore, #tpu.memory_space<semaphore_mem>>) src(%arg7 : memref<5008x7xf32, #tpu.memory_space<vmem>>) dst(%dma_wait3A_279 : memref<5008x7xf32, #tpu.memory_space<hbm>>)
      tpu.yield
    }) : () -> ()
    %add3A_261 = arith.constant 128 : i32
    %add3A_262 = arith.addi %add3A, %add3A_261 : i32
    %lt3A = arith.constant 147 : i32
    %lt3A_263 = arith.cmpi slt, %add3A_262, %lt3A : i32
    %convert_element_type3A_264 = arith.extui %lt3A_263 : i1 to i32
    %cond3A = arith.constant 0 : i32
    %cond3A_265 = arith.cmpi ne, %convert_element_type3A_264, %cond3A : i32
    scf.if %cond3A_265 {
      %jit3A_266 = arith.constant 3 : i32
      %div3A_267 = arith.divsi %add3A_262, %jit3A_266 : i32
      %sign3A_268 = arith.constant 0 : i32
      %sign3A_269 = arith.cmpi sgt, %add3A_262, %sign3A_268 : i32
      %sign3A_270 = arith.extui %sign3A_269 : i1 to i32
      %sign3A_271 = arith.constant 0 : i32
      %sign3A_272 = arith.cmpi slt, %add3A_262, %sign3A_271 : i32
      %sign3A_273 = arith.extui %sign3A_272 : i1 to i32
      %sign3A_274 = arith.subi %sign3A_270, %sign3A_273 : i32
      %sign3A_275 = arith.constant 0 : i32
      %sign3A_276 = arith.cmpi sgt, %jit3A_266, %sign3A_275 : i32
      %sign3A_277 = arith.extui %sign3A_276 : i1 to i32
      %sign3A_278 = arith.constant 0 : i32
      %sign3A_279 = arith.cmpi slt, %jit3A_266, %sign3A_278 : i32
      %sign3A_280 = arith.extui %sign3A_279 : i1 to i32
      %sign3A_281 = arith.subi %sign3A_277, %sign3A_280 : i32
      %ne3A_282 = arith.cmpi ne, %sign3A_274, %sign3A_281 : i32
      %rem3A_283 = arith.remsi %add3A_262, %jit3A_266 : i32
      %ne3A_284 = arith.constant 0 : i32
      %ne3A_285 = arith.cmpi ne, %rem3A_283, %ne3A_284 : i32
      %and3A_286 = arith.andi %ne3A_282, %ne3A_285 : i1
      %sub3A_287 = arith.constant 1 : i32
      %sub3A_288 = arith.subi %div3A_267, %sub3A_287 : i32
      %select_n3A_289 = arith.select %and3A_286, %sub3A_288, %div3A_267 : i32
      %mul3A_290 = arith.constant 3 : i32
      %mul3A_291 = arith.muli %select_n3A_289, %mul3A_290 : i32
      %sub3A_292 = arith.subi %add3A_262, %mul3A_291 : i32
      %jit3A_293 = arith.constant 7 : i32
      %div3A_294 = arith.divsi %select_n3A_289, %jit3A_293 : i32
      %sign3A_295 = arith.constant 0 : i32
      %sign3A_296 = arith.cmpi sgt, %select_n3A_289, %sign3A_295 : i32
      %sign3A_297 = arith.extui %sign3A_296 : i1 to i32
      %sign3A_298 = arith.constant 0 : i32
      %sign3A_299 = arith.cmpi slt, %select_n3A_289, %sign3A_298 : i32
      %sign3A_300 = arith.extui %sign3A_299 : i1 to i32
      %sign3A_301 = arith.subi %sign3A_297, %sign3A_300 : i32
      %sign3A_302 = arith.constant 0 : i32
      %sign3A_303 = arith.cmpi sgt, %jit3A_293, %sign3A_302 : i32
      %sign3A_304 = arith.extui %sign3A_303 : i1 to i32
      %sign3A_305 = arith.constant 0 : i32
      %sign3A_306 = arith.cmpi slt, %jit3A_293, %sign3A_305 : i32
      %sign3A_307 = arith.extui %sign3A_306 : i1 to i32
      %sign3A_308 = arith.subi %sign3A_304, %sign3A_307 : i32
      %ne3A_309 = arith.cmpi ne, %sign3A_301, %sign3A_308 : i32
      %rem3A_310 = arith.remsi %select_n3A_289, %jit3A_293 : i32
      %ne3A_311 = arith.constant 0 : i32
      %ne3A_312 = arith.cmpi ne, %rem3A_310, %ne3A_311 : i32
      %and3A_313 = arith.andi %ne3A_309, %ne3A_312 : i1
      %sub3A_314 = arith.constant 1 : i32
      %sub3A_315 = arith.subi %div3A_294, %sub3A_314 : i32
      %select_n3A_316 = arith.select %and3A_313, %sub3A_315, %div3A_294 : i32
      %mul3A_317 = arith.constant 7 : i32
      %mul3A_318 = arith.muli %select_n3A_316, %mul3A_317 : i32
      %sub3A_319 = arith.subi %select_n3A_289, %mul3A_318 : i32
      %mul3A_320 = arith.constant 7 : i32
      %mul3A_321 = arith.muli %sub3A_292, %mul3A_320 : i32
      "tpu.region"() ({
        %run_scoped3A = tpu.sem_alloc : memref<!tpu.dma_semaphore, #tpu.memory_space<semaphore_mem>>
        %dma_start3A = arith.constant 0 : i32
        %dma_start3A_330 = arith.constant 0 : i32
        %dma_start3A_331 = arith.constant 0 : i32
        %dma_start3A_332 = tpu.memref_slice %arg3[%mul3A_321, %select_n3A_289, %dma_start3A, %dma_start3A_330, %dma_start3A_331] : memref<21x49x2x65x72xf32, #tpu.memory_space<hbm>> -> memref<7x1x2x65x72xf32, #tpu.memory_space<hbm>>
        %dma_start3A_333 = tpu.memref_squeeze %dma_start3A_332 : memref<7x1x2x65x72xf32, #tpu.memory_space<hbm>> -> memref<7x2x65x72xf32, #tpu.memory_space<hbm>>
        %dma_start3A_334 = arith.constant 0 : i32
        %dma_start3A_335 = arith.constant 0 : i32
        %dma_start3A_336 = arith.constant 0 : i32
        %dma_start3A_337 = tpu.memref_slice %arg3[%mul3A_321, %select_n3A_289, %dma_start3A_334, %dma_start3A_335, %dma_start3A_336] : memref<21x49x2x65x72xf32, #tpu.memory_space<hbm>> -> memref<7x1x2x65x72xf32, #tpu.memory_space<hbm>>
        %dma_start3A_338 = tpu.memref_squeeze %dma_start3A_337 : memref<7x1x2x65x72xf32, #tpu.memory_space<hbm>> -> memref<7x2x65x72xf32, #tpu.memory_space<hbm>>
        tpu.enqueue_dma source(%dma_start3A_338 : memref<7x2x65x72xf32, #tpu.memory_space<hbm>>) target(%arg6 : memref<7x2x65x72xf32, #tpu.memory_space<vmem>>) target_semaphore(%run_scoped3A : memref<!tpu.dma_semaphore, #tpu.memory_space<semaphore_mem>>)
        %dma_wait3A = arith.constant 0 : i32
        %dma_wait3A_339 = arith.constant 0 : i32
        %dma_wait3A_340 = arith.constant 0 : i32
        %dma_wait3A_341 = tpu.memref_slice %arg3[%mul3A_321, %select_n3A_289, %dma_wait3A, %dma_wait3A_339, %dma_wait3A_340] : memref<21x49x2x65x72xf32, #tpu.memory_space<hbm>> -> memref<7x1x2x65x72xf32, #tpu.memory_space<hbm>>
        %dma_wait3A_342 = tpu.memref_squeeze %dma_wait3A_341 : memref<7x1x2x65x72xf32, #tpu.memory_space<hbm>> -> memref<7x2x65x72xf32, #tpu.memory_space<hbm>>
        %dma_wait3A_343 = arith.constant 0 : i32
        %dma_wait3A_344 = arith.constant 0 : i32
        %dma_wait3A_345 = arith.constant 0 : i32
        %dma_wait3A_346 = tpu.memref_slice %arg3[%mul3A_321, %select_n3A_289, %dma_wait3A_343, %dma_wait3A_344, %dma_wait3A_345] : memref<21x49x2x65x72xf32, #tpu.memory_space<hbm>> -> memref<7x1x2x65x72xf32, #tpu.memory_space<hbm>>
        %dma_wait3A_347 = tpu.memref_squeeze %dma_wait3A_346 : memref<7x1x2x65x72xf32, #tpu.memory_space<hbm>> -> memref<7x2x65x72xf32, #tpu.memory_space<hbm>>
        tpu.wait_dma2 semaphore(%run_scoped3A : memref<!tpu.dma_semaphore, #tpu.memory_space<semaphore_mem>>) src(%dma_wait3A_347 : memref<7x2x65x72xf32, #tpu.memory_space<hbm>>) dst(%arg6 : memref<7x2x65x72xf32, #tpu.memory_space<vmem>>)
        tpu.yield
      }) : () -> ()
      %convert_element_type3A_322 = arith.sitofp %select_n3A_316 : i32 to f32
      %convert_element_type3A_323 = arith.sitofp %sub3A_319 : i32 to f32
      %scan3A_324 = arith.constant 0 : i32
      %scan3A_325 = arith.constant 0 : i32
      %scan3A_326 = arith.constant 313 : i32
      %scan3A_327 = arith.addi %scan3A_325, %scan3A_326 : i32
      %scan3A_328 = arith.constant 1 : i32
      scf.for %scan3A_330 = %scan3A_325 to %scan3A_327 step %scan3A_328  : i32 {
        %mul3A_331 = arith.constant 16 : i32
        %mul3A_332 = arith.muli %scan3A_330, %mul3A_331 : i32
        %iota3A = tpu.iota {dimensions = array<i32: 0>} : vector<16xi32>
        %add3A_333 = vector.broadcast %mul3A_332 : i32 to vector<16xi32>
        %add3A_334 = arith.addi %add3A_333, %iota3A : vector<16xi32>
        %mul3A_335 = arith.constant 5 : i32
        %mul3A_336 = vector.broadcast %mul3A_335 : i32 to vector<16xi32>
        %mul3A_337 = arith.muli %add3A_334, %mul3A_336 : vector<16xi32>
        %gather3A = tpu.vector_load_idx %arg5[%mul3A_337] : memref<25024xf32, #tpu.memory_space<vmem>>[vector<16xi32>], vector<16xf32>,
        %add3A_338 = arith.constant 1 : i32
        %add3A_339 = vector.broadcast %add3A_338 : i32 to vector<16xi32>
        %add3A_340 = arith.addi %mul3A_337, %add3A_339 : vector<16xi32>
        %gather3A_341 = tpu.vector_load_idx %arg5[%add3A_340] : memref<25024xf32, #tpu.memory_space<vmem>>[vector<16xi32>], vector<16xf32>,
        %add3A_342 = arith.constant 2 : i32
        %add3A_343 = vector.broadcast %add3A_342 : i32 to vector<16xi32>
        %add3A_344 = arith.addi %mul3A_337, %add3A_343 : vector<16xi32>
        %gather3A_345 = tpu.vector_load_idx %arg5[%add3A_344] : memref<25024xf32, #tpu.memory_space<vmem>>[vector<16xi32>], vector<16xf32>,
        %add3A_346 = arith.constant 3 : i32
        %add3A_347 = vector.broadcast %add3A_346 : i32 to vector<16xi32>
        %add3A_348 = arith.addi %mul3A_337, %add3A_347 : vector<16xi32>
        %gather3A_349 = tpu.vector_load_idx %arg5[%add3A_348] : memref<25024xf32, #tpu.memory_space<vmem>>[vector<16xi32>], vector<16xf32>,
        %add3A_350 = arith.constant 4 : i32
        %add3A_351 = vector.broadcast %add3A_350 : i32 to vector<16xi32>
        %add3A_352 = arith.addi %mul3A_337, %add3A_351 : vector<16xi32>
        %gather3A_353 = tpu.vector_load_idx %arg5[%add3A_352] : memref<25024xf32, #tpu.memory_space<vmem>>[vector<16xi32>], vector<16xf32>,
        %convert_element_type3A_354 = arith.fptosi %gather3A : vector<16xf32> to vector<16xi32>
        %jit3A_355 = arith.constant 0 : i32
        %jit3A_356 = arith.constant 1 : i32
        %max3A = vector.broadcast %jit3A_355 : i32 to vector<16xi32>
        %max3A_357 = arith.maxsi %max3A, %convert_element_type3A_354 : vector<16xi32>
        %min3A = vector.broadcast %jit3A_356 : i32 to vector<16xi32>
        %min3A_358 = arith.minsi %min3A, %max3A_357 : vector<16xi32>
        %sub3A_359 = arith.subf %gather3A_349, %gather3A_341 : vector<16xf32>
        %max3A_360 = arith.constant 1.000000e-01 : f32
        %max3A_361 = vector.broadcast %max3A_360 : f32 to vector<16xf32>
        %max3A_362 = arith.maximumf %sub3A_359, %max3A_361 : vector<16xf32>
        %div3A_363 = arith.constant 7.000000e+00 : f32
        %div3A_364 = vector.broadcast %div3A_363 : f32 to vector<16xf32>
        %div3A_365 = arith.divf %max3A_362, %div3A_364 : vector<16xf32>
        %sub3A_366 = arith.subf %gather3A_353, %gather3A_345 : vector<16xf32>
        %max3A_367 = arith.constant 1.000000e-01 : f32
        %max3A_368 = vector.broadcast %max3A_367 : f32 to vector<16xf32>
        %max3A_369 = arith.maximumf %sub3A_366, %max3A_368 : vector<16xf32>
        %div3A_370 = arith.constant 7.000000e+00 : f32
        %div3A_371 = vector.broadcast %div3A_370 : f32 to vector<16xf32>
        %div3A_372 = arith.divf %max3A_369, %div3A_371 : vector<16xf32>
        %mul3A_373 = vector.broadcast %convert_element_type3A_322 : f32 to vector<16xf32>
        %mul3A_374 = arith.mulf %mul3A_373, %div3A_372 : vector<16xf32>
        %add3A_375 = arith.addf %mul3A_374, %gather3A_345 : vector<16xf32>
        %jit3A_376 = arith.constant 0.000000e+00 : f32
        %jit3A_377 = arith.constant 6.400000e+01 : f32
        %max3A_378 = vector.broadcast %jit3A_376 : f32 to vector<16xf32>
        %max3A_379 = arith.maximumf %max3A_378, %add3A_375 : vector<16xf32>
        %min3A_380 = vector.broadcast %jit3A_377 : f32 to vector<16xf32>
        %min3A_381 = arith.minimumf %min3A_380, %max3A_379 : vector<16xf32>
        %mul3A_382 = vector.broadcast %convert_element_type3A_323 : f32 to vector<16xf32>
        %mul3A_383 = arith.mulf %mul3A_382, %div3A_365 : vector<16xf32>
        %add3A_384 = arith.addf %mul3A_383, %gather3A_341 : vector<16xf32>
        %jit3A_385 = arith.constant 0.000000e+00 : f32
        %jit3A_386 = arith.constant 6.400000e+01 : f32
        %max3A_387 = vector.broadcast %jit3A_385 : f32 to vector<16xf32>
        %max3A_388 = arith.maximumf %max3A_387, %add3A_384 : vector<16xf32>
        %min3A_389 = vector.broadcast %jit3A_386 : f32 to vector<16xf32>
        %min3A_390 = arith.minimumf %min3A_389, %max3A_388 : vector<16xf32>
        %add3A_391 = arith.constant 1.000000e+00 : f32
        %add3A_392 = arith.addf %convert_element_type3A_322, %add3A_391 : f32
        %mul3A_393 = vector.broadcast %add3A_392 : f32 to vector<16xf32>
        %mul3A_394 = arith.mulf %mul3A_393, %div3A_372 : vector<16xf32>
        %add3A_395 = arith.addf %mul3A_394, %gather3A_345 : vector<16xf32>
        %jit3A_396 = arith.constant 0.000000e+00 : f32
        %jit3A_397 = arith.constant 6.400000e+01 : f32
        %max3A_398 = vector.broadcast %jit3A_396 : f32 to vector<16xf32>
        %max3A_399 = arith.maximumf %max3A_398, %add3A_395 : vector<16xf32>
        %min3A_400 = vector.broadcast %jit3A_397 : f32 to vector<16xf32>
        %min3A_401 = arith.minimumf %min3A_400, %max3A_399 : vector<16xf32>
        %add3A_402 = arith.constant 1.000000e+00 : f32
        %add3A_403 = arith.addf %convert_element_type3A_323, %add3A_402 : f32
        %mul3A_404 = vector.broadcast %add3A_403 : f32 to vector<16xf32>
        %mul3A_405 = arith.mulf %mul3A_404, %div3A_365 : vector<16xf32>
        %add3A_406 = arith.addf %mul3A_405, %gather3A_341 : vector<16xf32>
        %jit3A_407 = arith.constant 0.000000e+00 : f32
        %jit3A_408 = arith.constant 6.400000e+01 : f32
        %max3A_409 = vector.broadcast %jit3A_407 : f32 to vector<16xf32>
        %max3A_410 = arith.maximumf %max3A_409, %add3A_406 : vector<16xf32>
        %min3A_411 = vector.broadcast %jit3A_408 : f32 to vector<16xf32>
        %min3A_412 = arith.minimumf %min3A_411, %max3A_410 : vector<16xf32>
        %convert_element_type3A_413 = arith.fptosi %min3A_381 : vector<16xf32> to vector<16xi32>
        %convert_element_type3A_414 = arith.fptosi %min3A_390 : vector<16xf32> to vector<16xi32>
        %convert_element_type3A_415 = arith.fptosi %min3A_401 : vector<16xf32> to vector<16xi32>
        %convert_element_type3A_416 = arith.sitofp %convert_element_type3A_415 : vector<16xi32> to vector<16xf32>
        %lt3A_417 = arith.cmpf olt, %convert_element_type3A_416, %min3A_401 : vector<16xf32>
        %convert_element_type3A_418 = arith.extui %lt3A_417 : vector<16xi1> to vector<16xi32>
        %add3A_419 = arith.addi %convert_element_type3A_415, %convert_element_type3A_418 : vector<16xi32>
        %convert_element_type3A_420 = arith.fptosi %min3A_412 : vector<16xf32> to vector<16xi32>
        %convert_element_type3A_421 = arith.sitofp %convert_element_type3A_420 : vector<16xi32> to vector<16xf32>
        %lt3A_422 = arith.cmpf olt, %convert_element_type3A_421, %min3A_412 : vector<16xf32>
        %convert_element_type3A_423 = arith.extui %lt3A_422 : vector<16xi1> to vector<16xi32>
        %add3A_424 = arith.addi %convert_element_type3A_420, %convert_element_type3A_423 : vector<16xi32>
        %sub3A_425 = arith.subi %add3A_419, %convert_element_type3A_413 : vector<16xi32>
        %sub3A_426 = arith.subi %add3A_424, %convert_element_type3A_414 : vector<16xi32>
        %mul3A_427 = arith.muli %sub3A_425, %sub3A_426 : vector<16xi32>
        %max3A_428 = arith.constant 1 : i32
        %max3A_429 = vector.broadcast %max3A_428 : i32 to vector<16xi32>
        %max3A_430 = arith.maxsi %mul3A_427, %max3A_429 : vector<16xi32>
        %convert_element_type3A_431 = arith.sitofp %max3A_430 : vector<16xi32> to vector<16xf32>
        %div3A_432 = arith.constant 1.000000e+00 : f32
        %div3A_433 = vector.broadcast %div3A_432 : f32 to vector<16xf32>
        %div3A_434 = arith.divf %div3A_433, %convert_element_type3A_431 : vector<16xf32>
        %gt3A = arith.constant 0 : i32
        %gt3A_435 = vector.broadcast %gt3A : i32 to vector<16xi32>
        %gt3A_436 = arith.cmpi sgt, %mul3A_427, %gt3A_435 : vector<16xi32>
        %broadcast_in_dim3A = arith.constant 0 : i32
        %broadcast_in_dim3A_437 = vector.broadcast %broadcast_in_dim3A : i32 to vector<16xi32>
        %gather3A_438 = tpu.vector_load_idx %arg6[%broadcast_in_dim3A_437, %min3A_358, %add3A_419, %add3A_424] : memref<7x2x65x72xf32, #tpu.memory_space<vmem>>[vector<16xi32>, vector<16xi32>, vector<16xi32>, vector<16xi32>], vector<16xf32>,
        %gather3A_439 = tpu.vector_load_idx %arg6[%broadcast_in_dim3A_437, %min3A_358, %convert_element_type3A_413, %add3A_424] : memref<7x2x65x72xf32, #tpu.memory_space<vmem>>[vector<16xi32>, vector<16xi32>, vector<16xi32>, vector<16xi32>], vector<16xf32>,
        %sub3A_440 = arith.subf %gather3A_438, %gather3A_439 : vector<16xf32>
        %gather3A_441 = tpu.vector_load_idx %arg6[%broadcast_in_dim3A_437, %min3A_358, %add3A_419, %convert_element_type3A_414] : memref<7x2x65x72xf32, #tpu.memory_space<vmem>>[vector<16xi32>, vector<16xi32>, vector<16xi32>, vector<16xi32>], vector<16xf32>,
        %sub3A_442 = arith.subf %sub3A_440, %gather3A_441 : vector<16xf32>
        %gather3A_443 = tpu.vector_load_idx %arg6[%broadcast_in_dim3A_437, %min3A_358, %convert_element_type3A_413, %convert_element_type3A_414] : memref<7x2x65x72xf32, #tpu.memory_space<vmem>>[vector<16xi32>, vector<16xi32>, vector<16xi32>, vector<16xi32>], vector<16xf32>,
        %add3A_444 = arith.addf %sub3A_442, %gather3A_443 : vector<16xf32>
        %mul3A_445 = arith.mulf %add3A_444, %div3A_434 : vector<16xf32>
        %jit3A_446 = arith.constant 0.000000e+00 : f32
        %broadcast_in_dim3A_447 = vector.broadcast %jit3A_446 : f32 to vector<16xf32>
        %select_n3A_448 = arith.select %gt3A_436, %mul3A_445, %broadcast_in_dim3A_447 : vector<16xi1>, vector<16xf32>
        tpu.vector_store_idx %arg7[%add3A_334, %broadcast_in_dim3A_437], %select_n3A_448 : memref<5008x7xf32, #tpu.memory_space<vmem>>[vector<16xi32>, vector<16xi32>], vector<16xf32>,
        %broadcast_in_dim3A_449 = arith.constant 1 : i32
        %broadcast_in_dim3A_450 = vector.broadcast %broadcast_in_dim3A_449 : i32 to vector<16xi32>
        %gather3A_451 = tpu.vector_load_idx %arg6[%broadcast_in_dim3A_450, %min3A_358, %add3A_419, %add3A_424] : memref<7x2x65x72xf32, #tpu.memory_space<vmem>>[vector<16xi32>, vector<16xi32>, vector<16xi32>, vector<16xi32>], vector<16xf32>,
        %gather3A_452 = tpu.vector_load_idx %arg6[%broadcast_in_dim3A_450, %min3A_358, %convert_element_type3A_413, %add3A_424] : memref<7x2x65x72xf32, #tpu.memory_space<vmem>>[vector<16xi32>, vector<16xi32>, vector<16xi32>, vector<16xi32>], vector<16xf32>,
        %sub3A_453 = arith.subf %gather3A_451, %gather3A_452 : vector<16xf32>
        %gather3A_454 = tpu.vector_load_idx %arg6[%broadcast_in_dim3A_450, %min3A_358, %add3A_419, %convert_element_type3A_414] : memref<7x2x65x72xf32, #tpu.memory_space<vmem>>[vector<16xi32>, vector<16xi32>, vector<16xi32>, vector<16xi32>], vector<16xf32>,
        %sub3A_455 = arith.subf %sub3A_453, %gather3A_454 : vector<16xf32>
        %gather3A_456 = tpu.vector_load_idx %arg6[%broadcast_in_dim3A_450, %min3A_358, %convert_element_type3A_413, %convert_element_type3A_414] : memref<7x2x65x72xf32, #tpu.memory_space<vmem>>[vector<16xi32>, vector<16xi32>, vector<16xi32>, vector<16xi32>], vector<16xf32>,
        %add3A_457 = arith.addf %sub3A_455, %gather3A_456 : vector<16xf32>
        %mul3A_458 = arith.mulf %add3A_457, %div3A_434 : vector<16xf32>
        %jit3A_459 = arith.constant 0.000000e+00 : f32
        %broadcast_in_dim3A_460 = vector.broadcast %jit3A_459 : f32 to vector<16xf32>
        %select_n3A_461 = arith.select %gt3A_436, %mul3A_458, %broadcast_in_dim3A_460 : vector<16xi1>, vector<16xf32>
        tpu.vector_store_idx %arg7[%add3A_334, %broadcast_in_dim3A_450], %select_n3A_461 : memref<5008x7xf32, #tpu.memory_space<vmem>>[vector<16xi32>, vector<16xi32>], vector<16xf32>,
        %broadcast_in_dim3A_462 = arith.constant 2 : i32
        %broadcast_in_dim3A_463 = vector.broadcast %broadcast_in_dim3A_462 : i32 to vector<16xi32>
        %gather3A_464 = tpu.vector_load_idx %arg6[%broadcast_in_dim3A_463, %min3A_358, %add3A_419, %add3A_424] : memref<7x2x65x72xf32, #tpu.memory_space<vmem>>[vector<16xi32>, vector<16xi32>, vector<16xi32>, vector<16xi32>], vector<16xf32>,
        %gather3A_465 = tpu.vector_load_idx %arg6[%broadcast_in_dim3A_463, %min3A_358, %convert_element_type3A_413, %add3A_424] : memref<7x2x65x72xf32, #tpu.memory_space<vmem>>[vector<16xi32>, vector<16xi32>, vector<16xi32>, vector<16xi32>], vector<16xf32>,
        %sub3A_466 = arith.subf %gather3A_464, %gather3A_465 : vector<16xf32>
        %gather3A_467 = tpu.vector_load_idx %arg6[%broadcast_in_dim3A_463, %min3A_358, %add3A_419, %convert_element_type3A_414] : memref<7x2x65x72xf32, #tpu.memory_space<vmem>>[vector<16xi32>, vector<16xi32>, vector<16xi32>, vector<16xi32>], vector<16xf32>,
        %sub3A_468 = arith.subf %sub3A_466, %gather3A_467 : vector<16xf32>
        %gather3A_469 = tpu.vector_load_idx %arg6[%broadcast_in_dim3A_463, %min3A_358, %convert_element_type3A_413, %convert_element_type3A_414] : memref<7x2x65x72xf32, #tpu.memory_space<vmem>>[vector<16xi32>, vector<16xi32>, vector<16xi32>, vector<16xi32>], vector<16xf32>,
        %add3A_470 = arith.addf %sub3A_468, %gather3A_469 : vector<16xf32>
        %mul3A_471 = arith.mulf %add3A_470, %div3A_434 : vector<16xf32>
        %jit3A_472 = arith.constant 0.000000e+00 : f32
        %broadcast_in_dim3A_473 = vector.broadcast %jit3A_472 : f32 to vector<16xf32>
        %select_n3A_474 = arith.select %gt3A_436, %mul3A_471, %broadcast_in_dim3A_473 : vector<16xi1>, vector<16xf32>
        tpu.vector_store_idx %arg7[%add3A_334, %broadcast_in_dim3A_463], %select_n3A_474 : memref<5008x7xf32, #tpu.memory_space<vmem>>[vector<16xi32>, vector<16xi32>], vector<16xf32>,
        %broadcast_in_dim3A_475 = arith.constant 3 : i32
        %broadcast_in_dim3A_476 = vector.broadcast %broadcast_in_dim3A_475 : i32 to vector<16xi32>
        %gather3A_477 = tpu.vector_load_idx %arg6[%broadcast_in_dim3A_476, %min3A_358, %add3A_419, %add3A_424] : memref<7x2x65x72xf32, #tpu.memory_space<vmem>>[vector<16xi32>, vector<16xi32>, vector<16xi32>, vector<16xi32>], vector<16xf32>,
        %gather3A_478 = tpu.vector_load_idx %arg6[%broadcast_in_dim3A_476, %min3A_358, %convert_element_type3A_413, %add3A_424] : memref<7x2x65x72xf32, #tpu.memory_space<vmem>>[vector<16xi32>, vector<16xi32>, vector<16xi32>, vector<16xi32>], vector<16xf32>,
        %sub3A_479 = arith.subf %gather3A_477, %gather3A_478 : vector<16xf32>
        %gather3A_480 = tpu.vector_load_idx %arg6[%broadcast_in_dim3A_476, %min3A_358, %add3A_419, %convert_element_type3A_414] : memref<7x2x65x72xf32, #tpu.memory_space<vmem>>[vector<16xi32>, vector<16xi32>, vector<16xi32>, vector<16xi32>], vector<16xf32>,
        %sub3A_481 = arith.subf %sub3A_479, %gather3A_480 : vector<16xf32>
        %gather3A_482 = tpu.vector_load_idx %arg6[%broadcast_in_dim3A_476, %min3A_358, %convert_element_type3A_413, %convert_element_type3A_414] : memref<7x2x65x72xf32, #tpu.memory_space<vmem>>[vector<16xi32>, vector<16xi32>, vector<16xi32>, vector<16xi32>], vector<16xf32>,
        %add3A_483 = arith.addf %sub3A_481, %gather3A_482 : vector<16xf32>
        %mul3A_484 = arith.mulf %add3A_483, %div3A_434 : vector<16xf32>
        %jit3A_485 = arith.constant 0.000000e+00 : f32
        %broadcast_in_dim3A_486 = vector.broadcast %jit3A_485 : f32 to vector<16xf32>
        %select_n3A_487 = arith.select %gt3A_436, %mul3A_484, %broadcast_in_dim3A_486 : vector<16xi1>, vector<16xf32>
        tpu.vector_store_idx %arg7[%add3A_334, %broadcast_in_dim3A_476], %select_n3A_487 : memref<5008x7xf32, #tpu.memory_space<vmem>>[vector<16xi32>, vector<16xi32>], vector<16xf32>,
        %broadcast_in_dim3A_488 = arith.constant 4 : i32
        %broadcast_in_dim3A_489 = vector.broadcast %broadcast_in_dim3A_488 : i32 to vector<16xi32>
        %gather3A_490 = tpu.vector_load_idx %arg6[%broadcast_in_dim3A_489, %min3A_358, %add3A_419, %add3A_424] : memref<7x2x65x72xf32, #tpu.memory_space<vmem>>[vector<16xi32>, vector<16xi32>, vector<16xi32>, vector<16xi32>], vector<16xf32>,
        %gather3A_491 = tpu.vector_load_idx %arg6[%broadcast_in_dim3A_489, %min3A_358, %convert_element_type3A_413, %add3A_424] : memref<7x2x65x72xf32, #tpu.memory_space<vmem>>[vector<16xi32>, vector<16xi32>, vector<16xi32>, vector<16xi32>], vector<16xf32>,
        %sub3A_492 = arith.subf %gather3A_490, %gather3A_491 : vector<16xf32>
        %gather3A_493 = tpu.vector_load_idx %arg6[%broadcast_in_dim3A_489, %min3A_358, %add3A_419, %convert_element_type3A_414] : memref<7x2x65x72xf32, #tpu.memory_space<vmem>>[vector<16xi32>, vector<16xi32>, vector<16xi32>, vector<16xi32>], vector<16xf32>,
        %sub3A_494 = arith.subf %sub3A_492, %gather3A_493 : vector<16xf32>
        %gather3A_495 = tpu.vector_load_idx %arg6[%broadcast_in_dim3A_489, %min3A_358, %convert_element_type3A_413, %convert_element_type3A_414] : memref<7x2x65x72xf32, #tpu.memory_space<vmem>>[vector<16xi32>, vector<16xi32>, vector<16xi32>, vector<16xi32>], vector<16xf32>,
        %add3A_496 = arith.addf %sub3A_494, %gather3A_495 : vector<16xf32>
        %mul3A_497 = arith.mulf %add3A_496, %div3A_434 : vector<16xf32>
        %jit3A_498 = arith.constant 0.000000e+00 : f32
        %broadcast_in_dim3A_499 = vector.broadcast %jit3A_498 : f32 to vector<16xf32>
        %select_n3A_500 = arith.select %gt3A_436, %mul3A_497, %broadcast_in_dim3A_499 : vector<16xi1>, vector<16xf32>
        tpu.vector_store_idx %arg7[%add3A_334, %broadcast_in_dim3A_489], %select_n3A_500 : memref<5008x7xf32, #tpu.memory_space<vmem>>[vector<16xi32>, vector<16xi32>], vector<16xf32>,
        %broadcast_in_dim3A_501 = arith.constant 5 : i32
        %broadcast_in_dim3A_502 = vector.broadcast %broadcast_in_dim3A_501 : i32 to vector<16xi32>
        %gather3A_503 = tpu.vector_load_idx %arg6[%broadcast_in_dim3A_502, %min3A_358, %add3A_419, %add3A_424] : memref<7x2x65x72xf32, #tpu.memory_space<vmem>>[vector<16xi32>, vector<16xi32>, vector<16xi32>, vector<16xi32>], vector<16xf32>,
        %gather3A_504 = tpu.vector_load_idx %arg6[%broadcast_in_dim3A_502, %min3A_358, %convert_element_type3A_413, %add3A_424] : memref<7x2x65x72xf32, #tpu.memory_space<vmem>>[vector<16xi32>, vector<16xi32>, vector<16xi32>, vector<16xi32>], vector<16xf32>,
        %sub3A_505 = arith.subf %gather3A_503, %gather3A_504 : vector<16xf32>
        %gather3A_506 = tpu.vector_load_idx %arg6[%broadcast_in_dim3A_502, %min3A_358, %add3A_419, %convert_element_type3A_414] : memref<7x2x65x72xf32, #tpu.memory_space<vmem>>[vector<16xi32>, vector<16xi32>, vector<16xi32>, vector<16xi32>], vector<16xf32>,
        %sub3A_507 = arith.subf %sub3A_505, %gather3A_506 : vector<16xf32>
        %gather3A_508 = tpu.vector_load_idx %arg6[%broadcast_in_dim3A_502, %min3A_358, %convert_element_type3A_413, %convert_element_type3A_414] : memref<7x2x65x72xf32, #tpu.memory_space<vmem>>[vector<16xi32>, vector<16xi32>, vector<16xi32>, vector<16xi32>], vector<16xf32>,
        %add3A_509 = arith.addf %sub3A_507, %gather3A_508 : vector<16xf32>
        %mul3A_510 = arith.mulf %add3A_509, %div3A_434 : vector<16xf32>
        %jit3A_511 = arith.constant 0.000000e+00 : f32
        %broadcast_in_dim3A_512 = vector.broadcast %jit3A_511 : f32 to vector<16xf32>
        %select_n3A_513 = arith.select %gt3A_436, %mul3A_510, %broadcast_in_dim3A_512 : vector<16xi1>, vector<16xf32>
        tpu.vector_store_idx %arg7[%add3A_334, %broadcast_in_dim3A_502], %select_n3A_513 : memref<5008x7xf32, #tpu.memory_space<vmem>>[vector<16xi32>, vector<16xi32>], vector<16xf32>,
        %broadcast_in_dim3A_514 = arith.constant 6 : i32
        %broadcast_in_dim3A_515 = vector.broadcast %broadcast_in_dim3A_514 : i32 to vector<16xi32>
        %gather3A_516 = tpu.vector_load_idx %arg6[%broadcast_in_dim3A_515, %min3A_358, %add3A_419, %add3A_424] : memref<7x2x65x72xf32, #tpu.memory_space<vmem>>[vector<16xi32>, vector<16xi32>, vector<16xi32>, vector<16xi32>], vector<16xf32>,
        %gather3A_517 = tpu.vector_load_idx %arg6[%broadcast_in_dim3A_515, %min3A_358, %convert_element_type3A_413, %add3A_424] : memref<7x2x65x72xf32, #tpu.memory_space<vmem>>[vector<16xi32>, vector<16xi32>, vector<16xi32>, vector<16xi32>], vector<16xf32>,
        %sub3A_518 = arith.subf %gather3A_516, %gather3A_517 : vector<16xf32>
        %gather3A_519 = tpu.vector_load_idx %arg6[%broadcast_in_dim3A_515, %min3A_358, %add3A_419, %convert_element_type3A_414] : memref<7x2x65x72xf32, #tpu.memory_space<vmem>>[vector<16xi32>, vector<16xi32>, vector<16xi32>, vector<16xi32>], vector<16xf32>,
        %sub3A_520 = arith.subf %sub3A_518, %gather3A_519 : vector<16xf32>
        %gather3A_521 = tpu.vector_load_idx %arg6[%broadcast_in_dim3A_515, %min3A_358, %convert_element_type3A_413, %convert_element_type3A_414] : memref<7x2x65x72xf32, #tpu.memory_space<vmem>>[vector<16xi32>, vector<16xi32>, vector<16xi32>, vector<16xi32>], vector<16xf32>,
        %add3A_522 = arith.addf %sub3A_520, %gather3A_521 : vector<16xf32>
        %mul3A_523 = arith.mulf %add3A_522, %div3A_434 : vector<16xf32>
        %jit3A_524 = arith.constant 0.000000e+00 : f32
        %broadcast_in_dim3A_525 = vector.broadcast %jit3A_524 : f32 to vector<16xf32>
        %select_n3A_526 = arith.select %gt3A_436, %mul3A_523, %broadcast_in_dim3A_525 : vector<16xi1>, vector<16xf32>
        tpu.vector_store_idx %arg7[%add3A_334, %broadcast_in_dim3A_515], %select_n3A_526 : memref<5008x7xf32, #tpu.memory_space<vmem>>[vector<16xi32>, vector<16xi32>], vector<16xf32>,
      }
      %scan3A_329 = arith.constant 313 : i32
      "tpu.region"() ({
        %run_scoped3A = tpu.sem_alloc : memref<!tpu.dma_semaphore, #tpu.memory_space<semaphore_mem>>
        %dma_start3A = arith.constant 0 : i32
        %dma_start3A_330 = arith.constant 0 : i32
        %dma_start3A_331 = tpu.memref_slice %arg4[%add3A_262, %dma_start3A, %dma_start3A_330] : memref<147x5008x7xf32, #tpu.memory_space<hbm>> -> memref<1x5008x7xf32, #tpu.memory_space<hbm>>
        %dma_start3A_332 = tpu.memref_squeeze %dma_start3A_331 : memref<1x5008x7xf32, #tpu.memory_space<hbm>> -> memref<5008x7xf32, #tpu.memory_space<hbm>>
        %dma_start3A_333 = arith.constant 0 : i32
        %dma_start3A_334 = arith.constant 0 : i32
        %dma_start3A_335 = tpu.memref_slice %arg4[%add3A_262, %dma_start3A_333, %dma_start3A_334] : memref<147x5008x7xf32, #tpu.memory_space<hbm>> -> memref<1x5008x7xf32, #tpu.memory_space<hbm>>
        %dma_start3A_336 = tpu.memref_squeeze %dma_start3A_335 : memref<1x5008x7xf32, #tpu.memory_space<hbm>> -> memref<5008x7xf32, #tpu.memory_space<hbm>>
        tpu.enqueue_dma source(%arg7 : memref<5008x7xf32, #tpu.memory_space<vmem>>) target(%dma_start3A_336 : memref<5008x7xf32, #tpu.memory_space<hbm>>) target_semaphore(%run_scoped3A : memref<!tpu.dma_semaphore, #tpu.memory_space<semaphore_mem>>)
        %dma_wait3A = arith.constant 0 : i32
        %dma_wait3A_337 = arith.constant 0 : i32
        %dma_wait3A_338 = tpu.memref_slice %arg4[%add3A_262, %dma_wait3A, %dma_wait3A_337] : memref<147x5008x7xf32, #tpu.memory_space<hbm>> -> memref<1x5008x7xf32, #tpu.memory_space<hbm>>
        %dma_wait3A_339 = tpu.memref_squeeze %dma_wait3A_338 : memref<1x5008x7xf32, #tpu.memory_space<hbm>> -> memref<5008x7xf32, #tpu.memory_space<hbm>>
        %dma_wait3A_340 = arith.constant 0 : i32
        %dma_wait3A_341 = arith.constant 0 : i32
        %dma_wait3A_342 = tpu.memref_slice %arg4[%add3A_262, %dma_wait3A_340, %dma_wait3A_341] : memref<147x5008x7xf32, #tpu.memory_space<hbm>> -> memref<1x5008x7xf32, #tpu.memory_space<hbm>>
        %dma_wait3A_343 = tpu.memref_squeeze %dma_wait3A_342 : memref<1x5008x7xf32, #tpu.memory_space<hbm>> -> memref<5008x7xf32, #tpu.memory_space<hbm>>
        tpu.wait_dma2 semaphore(%run_scoped3A : memref<!tpu.dma_semaphore, #tpu.memory_space<semaphore_mem>>) src(%arg7 : memref<5008x7xf32, #tpu.memory_space<vmem>>) dst(%dma_wait3A_343 : memref<5008x7xf32, #tpu.memory_space<hbm>>)
        tpu.yield
      }) : () -> ()
    } else {
    }
    return
  }
}

module attributes {stable_mosaic.version = 14 : i64} {
  func.func @_integral_body(%arg0: i32, %arg1: i32, %arg2: memref<1x49x64x64xf32, #tpu.memory_space<vmem>>, %arg3: memref<1x49x1x65x72xf32, #tpu.memory_space<vmem>>) attributes {dimension_semantics = [#tpu.dimension_semantics<arbitrary>, #tpu.dimension_semantics<arbitrary>], iteration_bounds = array<i64: 2, 21>, scalar_prefetch = 0 : i64, scratch_operands = 0 : i64, tpu.core_type = #tpu.core_type<tc>, window_params = [{transform_indices = @transform_0, window_bounds = array<i64: 1, 49, 64, 64>}, {transform_indices = @transform_1, window_bounds = array<i64: 1, 49, 1, 65, 72>}]} {
    %iota3A = tpu.iota {dimensions = array<i32: 0>} : vector<64x64xi32>
    %iota3A_0 = tpu.iota {dimensions = array<i32: 1>} : vector<64x64xi32>
    %ge3A = arith.cmpi sge, %iota3A, %iota3A_0 : vector<64x64xi32>
    %convert_element_type3A = arith.extui %ge3A : vector<64x64xi1> to vector<64x64xi32>
    %convert_element_type3A_1 = arith.sitofp %convert_element_type3A : vector<64x64xi32> to vector<64x64xf32>
    %le3A = arith.cmpi sle, %iota3A, %iota3A_0 : vector<64x64xi32>
    %convert_element_type3A_2 = arith.extui %le3A : vector<64x64xi1> to vector<64x64xi32>
    %convert_element_type3A_3 = arith.sitofp %convert_element_type3A_2 : vector<64x64xi32> to vector<64x64xf32>
    %broadcast_in_dim3A = arith.constant 0.000000e+00 : f32
    %broadcast_in_dim3A_4 = vector.broadcast %broadcast_in_dim3A : f32 to vector<1x49x1x65x72xf32>
    %swap3A = arith.constant 0 : index
    %swap3A_5 = arith.constant 0 : index
    %swap3A_6 = arith.constant 0 : index
    %swap3A_7 = arith.constant 0 : index
    %swap3A_8 = arith.constant 0 : index
    %swap3A_9 = vector.load %arg3[%swap3A, %swap3A_5, %swap3A_6, %swap3A_7, %swap3A_8] : memref<1x49x1x65x72xf32, #tpu.memory_space<vmem>>, vector<1x49x1x65x72xf32>
    tpu.vector_store %arg3[%swap3A, %swap3A_5, %swap3A_6, %swap3A_7, %swap3A_8], %broadcast_in_dim3A_4 {strides = array<i32>} : memref<1x49x1x65x72xf32, #tpu.memory_space<vmem>>, vector<1x49x1x65x72xf32>,
    %scan3A = arith.constant 0 : i32
    %scan3A_10 = arith.constant 49 : i32
    %scan3A_11 = arith.addi %scan3A, %scan3A_10 : i32
    %scan3A_12 = arith.constant 1 : i32
    scf.for %scan3A_14 = %scan3A to %scan3A_11 step %scan3A_12  : i32 {
      %get3A = arith.constant 0 : index
      %get3A_15 = arith.index_cast %scan3A_14 : i32 to index
      %get3A_16 = arith.constant 0 : index
      %get3A_17 = arith.constant 0 : index
      %get3A_18 = vector.load %arg2[%get3A, %get3A_15, %get3A_16, %get3A_17] : memref<1x49x64x64xf32, #tpu.memory_space<vmem>>, vector<1x1x64x64xf32>
      %get3A_19 = vector.shape_cast %get3A_18 : vector<1x1x64x64xf32> to vector<64x64xf32>
      %dot_general3A = arith.constant dense<0.000000e+00> : vector<64x64xf32>
      %dot_general3A_20 = tpu.matmul %get3A_19, %convert_element_type3A_3, %dot_general3A {dimension_numbers = #tpu.dot_dimension_numbers<[1], [0], [0], [1], [0, 0, 1, 1], [], []>, precision = #tpu.contract_precision<fp32>, transpose_lhs_hint = false} : vector<64x64xf32>, vector<64x64xf32>, vector<64x64xf32> -> vector<64x64xf32>
      %dot_general3A_21 = arith.constant dense<0.000000e+00> : vector<64x64xf32>
      %dot_general3A_22 = tpu.matmul %convert_element_type3A_1, %dot_general3A_20, %dot_general3A_21 {dimension_numbers = #tpu.dot_dimension_numbers<[1], [0], [0], [1], [0, 0, 1, 1], [], []>, precision = #tpu.contract_precision<fp32>, transpose_lhs_hint = false} : vector<64x64xf32>, vector<64x64xf32>, vector<64x64xf32> -> vector<64x64xf32>
      %swap3A_23 = arith.constant 0 : index
      %swap3A_24 = arith.index_cast %scan3A_14 : i32 to index
      %swap3A_25 = arith.constant 0 : index
      %swap3A_26 = arith.constant 1 : index
      %swap3A_27 = arith.constant 1 : index
      %swap3A_28 = vector.load %arg3[%swap3A_23, %swap3A_24, %swap3A_25, %swap3A_26, %swap3A_27] : memref<1x49x1x65x72xf32, #tpu.memory_space<vmem>>, vector<1x1x1x64x64xf32>
      %swap3A_29 = vector.shape_cast %swap3A_28 : vector<1x1x1x64x64xf32> to vector<64x64xf32>
      %swap3A_30 = vector.shape_cast %dot_general3A_22 : vector<64x64xf32> to vector<1x1x1x64x64xf32>
      tpu.vector_store %arg3[%swap3A_23, %swap3A_24, %swap3A_25, %swap3A_26, %swap3A_27], %swap3A_30 {strides = array<i32>} : memref<1x49x1x65x72xf32, #tpu.memory_space<vmem>>, vector<1x1x1x64x64xf32>,
    }
    %scan3A_13 = arith.constant 49 : i32
    return
  }
  func.func @transform_0(%arg0: i32, %arg1: i32) -> (i32, i32, i32, i32) {
    %c0_i32 = arith.constant 0 : i32
    %c0_i32_0 = arith.constant 0 : i32
    %c0_i32_1 = arith.constant 0 : i32
    return %arg0, %arg1, %c0_i32, %c0_i32_0 : i32, i32, i32, i32
  }
  func.func @transform_1(%arg0: i32, %arg1: i32) -> (i32, i32, i32, i32, i32) {
    %c0_i32 = arith.constant 0 : i32
    %c0_i32_0 = arith.constant 0 : i32
    %c0_i32_1 = arith.constant 0 : i32
    %c0_i32_2 = arith.constant 0 : i32
    return %arg1, %c0_i32, %arg0, %c0_i32_0, %c0_i32_1 : i32, i32, i32, i32, i32
  }
}

</mosaic_0001>

<sc_bundles>
// kernel: kernel.4.cloned.1.call-start
scs
__scs_entry_jumppad:
0x0: {  	(pc) =	sbr.rel $0x88, $3  }
0x1: {  	(tag) =	ssettag $0x0;
	lr =	simm.s32 $0x1  }
0x2: {  	[smem:$0x3F9E] =	sst lr;
	_ =	strace $0xD0000000  }
0x3: {  	_ = 	snop  }
0x4: {  	_ = 	snop  }
0x5: {  	_ = 	snop  }
0x6: {  	_ = 	snop  }
0x7: {  	_ = 	snop  }
__scs_overlays_trampoline_lowered:
0x8: {  	[smem:$0x3FAD] =	sst s0  }
0x9: {  	[smem:$0x3FAE] =	sst s1  }
0xa: {  	[smem:$0x3FAF] =	sst s2  }
0xb: {  	[smem:$0x3FB0] =	sst s3  }
0xc: {  	[smem:$0x3FB1] =	sst s4  }
0xd: {  	[smem:$0x3FB2] =	sst s5  }
0xe: {  	[smem:$0x3FB3] =	sst s6  }
0xf: {  	[smem:$0x3FB4] =	sst s7  }
0x10: {  	[smem:$0x3FB5] =	sst s8  }
0x11: {  	[smem:$0x3FB6] =	sst s9;
	s0 =	simm.s32 @!p0 $0x0  }
0x12: {  	s1 =	sld [smem:$0x3F9C];
	s0 =	simm.s32 @p0 $0x1  }
0x13: {  	[smem:$0x3FB7] =	sst s0;
	s0 =	simm.s32 @!p1 $0x0  }
0x14: {  	s2 =	sld [smem:$0x3F9B];
	s0 =	simm.s32 @p1 $0x1  }
0x15: {  	[smem:$0x3FB8] =	sst s0;
	s0 =	simm.s32 @!p2 $0x0  }
0x16: {  	s3 =	sld [smem:$0x3FDB];
	s0 =	simm.s32 @p2 $0x1  }
0x17: {  	s4 =	simm.s32 $0x1BF5;
	[smem:$0x3FBA] =	sst s0  }
0x18: {  	s0 =	sld [smem:$0x3F9D];
	_ =	swait.ge [sflag:s4], $0x0  }
0x19: {  	s7 =	sld [smem:$0x3F9E]  }
0x1a: {  	s8 =	sadd.s32 $0xFFFFE003, lr  }
0x1b: {  	s9 =	sadd.s32 $0xFFFFFEF7, lr;
	s5 =	simm.s32 $0xFFFFFFFF;
	p2 =	slt.u32 s8, $0xFFFFF086  }
0x1c: {  	p1 =	slt.u32 s9, $0xF7A;
	s5 =	simm.s32 @!p2 $0x0  }
0x1d: {  	s5 =	simm.s32 @p1 $0x1;
	p0 =	seq.s32 s7, s2  }
0x1e: {  	s7 =	smul.u32 @!p0 $0xF7A, s2;
	p2 =	seq.s32 @!p0 s5, $0x0  }
0x1f: {  	s9 =	smul.u32 $0xF7A, s1;
	s8 =	simm.s32 @!p0 $0x1BF5;
	p2 =	por !p2, p0  }
0x20: {  	[sflag:s8] =	ssyncset.s32 @!p0 $0xFFFFF086;
	s6 =	sadd.s32 @!p0 s3, s7;
	s7 =	simm.s32 @!p0 $0x108  }
0x21: {  	s3 =	sadd.s32 s3, s9;
	s6 =	sadd.s32 @!p0 $0x88, s6;
	s7 =	simm.s32 @p2 $0x1082  }
0x22: {  	[simem:s7], [sflag:s8] =	dma.local @!p0 [hbm:s6], $0xF7A  }
0x23: {  	s9 =	sor.u32 $0xD0000000, s2;
	s6 =	simm.s32 $0x108;
	_ =	swait.ge @!p0 [sflag:s8], $0x0  }
0x24: {  	s3 =	sadd.s32 $0x88, s3;
	s6 =	simm.s32 @!p1 $0x1082;
	[sflag:s4] =	ssyncset.s32 $0xFFFFF086  }
0x25: {  	[simem:s6], [sflag:s4] =	dma.local [hbm:s3], $0xF7A  }
0x26: {  	[smem:$0x3F9E] =	sst s1;
	(tag) =	ssettag s2;
	_ =	strace s9  }
0x27: {  	s1 =	sld [smem:$0x3FAE]  }
0x28: {  	s2 =	sld [smem:$0x3FAF]  }
0x29: {  	s4 =	sld [smem:$0x3FB1]  }
0x2a: {  	p0 =	seq.s32 s5, $0x0;
	s5 =	sld [smem:$0x3FB2]  }
0x2b: {  	s6 =	sld [smem:$0x3FB3]  }
0x2c: {  	s7 =	sld [smem:$0x3FB4]  }
0x2d: {  	s3 =	simm.s32 $0x108;
	s8 =	sld [smem:$0x3FB5]  }
0x2e: {  	s3 =	simm.s32 @!p0 $0x1082;
	s9 =	sld [smem:$0x3FB6]  }
0x2f: {  	lr =	sadd.s32 s0, s3;
	s0 =	sld [smem:$0x3FAD]  }
0x30: {  	s3 =	sld [smem:$0x3FB0]  }
0x31: {  	[smem:$0x3FB9] =	sst s10  }
0x32: {  	s10 =	sld [smem:$0x3FB7];
	_ =	sdelay $0x3  }
0x33: {  	p0 =	seq.s32 s10, $0x1;
	s10 =	sld [smem:$0x3FB9];
	_ =	sdelay $0x3  }
0x34: {  	[smem:$0x3FB9] =	sst s10  }
0x35: {  	s10 =	sld [smem:$0x3FB8];
	_ =	sdelay $0x3  }
0x36: {  	p1 =	seq.s32 s10, $0x1;
	s10 =	sld [smem:$0x3FB9];
	_ =	sdelay $0x3  }
0x37: {  	[smem:$0x3FB9] =	sst s10  }
0x38: {  	s10 =	sld [smem:$0x3FBA]  }
0x39: {  	_ = 	snop;
	(pc) =	sbr.ind lr, $3  }
0x3a: {  	_ = 	snop  }
0x3b: {  	_ = 	snop  }
0x3c: {  	p2 =	seq.s32 s10, $0x1;
	s10 =	sld [smem:$0x3FB9]  }
0x3d: {  	_ =	shalt  }
0x3e: {  	_ =	shalt  }
0x3f: {  	_ =	shalt  }
0x40: {  	_ =	shalt  }
0x41: {  	_ =	shalt  }
0x42: {  	_ =	shalt  }
0x43: {  	_ =	shalt  }
0x44: {  	_ =	shalt  }
0x45: {  	_ =	shalt  }
0x46: {  	_ =	shalt  }
0x47: {  	_ =	shalt  }
0x48: {  	_ =	shalt  }
0x49: {  	_ =	shalt  }
0x4a: {  	_ =	shalt  }
0x4b: {  	_ =	shalt  }
0x4c: {  	_ =	shalt  }
0x4d: {  	_ =	shalt  }
0x4e: {  	_ =	shalt  }
0x4f: {  	_ =	shalt  }
0x50: {  	_ =	shalt  }
0x51: {  	_ =	shalt  }
0x52: {  	_ =	shalt  }
0x53: {  	_ =	shalt  }
0x54: {  	_ =	shalt  }
0x55: {  	_ =	shalt  }
0x56: {  	_ =	shalt  }
0x57: {  	_ =	shalt  }
0x58: {  	_ =	shalt  }
0x59: {  	_ =	shalt  }
0x5a: {  	_ =	shalt  }
0x5b: {  	_ =	shalt  }
0x5c: {  	_ =	shalt  }
0x5d: {  	_ =	shalt  }
0x5e: {  	_ =	shalt  }
0x5f: {  	_ =	shalt  }
0x60: {  	_ =	shalt  }
0x61: {  	_ =	shalt  }
0x62: {  	_ =	shalt  }
0x63: {  	_ =	shalt  }
0x64: {  	_ =	shalt  }
0x65: {  	_ =	shalt  }
0x66: {  	_ =	shalt  }
0x67: {  	_ =	shalt  }
0x68: {  	_ =	shalt  }
0x69: {  	_ =	shalt  }
0x6a: {  	_ =	shalt  }
0x6b: {  	_ =	shalt  }
0x6c: {  	_ =	shalt  }
0x6d: {  	_ =	shalt  }
0x6e: {  	_ =	shalt  }
0x6f: {  	_ =	shalt  }
0x70: {  	_ =	shalt  }
0x71: {  	_ =	shalt  }
0x72: {  	_ =	shalt  }
0x73: {  	_ =	shalt  }
0x74: {  	_ =	shalt  }
0x75: {  	_ =	shalt  }
0x76: {  	_ =	shalt  }
0x77: {  	_ =	shalt  }
0x78: {  	_ =	shalt  }
0x79: {  	_ =	shalt  }
0x7a: {  	_ =	shalt  }
0x7b: {  	_ =	shalt  }
0x7c: {  	_ =	shalt  }
0x7d: {  	_ =	shalt  }
0x7e: {  	_ =	shalt  }
0x7f: {  	_ =	shalt  }
0x80: {  	_ =	shalt  }
0x81: {  	_ =	shalt  }
0x82: {  	_ =	shalt  }
0x83: {  	_ =	shalt  }
0x84: {  	_ =	shalt  }
0x85: {  	_ =	shalt  }
0x86: {  	_ =	shalt  }
0x87: {  	_ =	shalt  }
.Lfunc_end0:
.L_simem_size_0:
called_computation_lowered:
.L_overlay_start_0:
0x88: {  	s2 =	sld [smem:$0x3FD9]  }
0x89: {  	s3 =	sld [smem:$0x3FFE];
	_ =	sdelay $0x1  }
0x8a: {  	s1 =	srdreg.scid  }
0x8b: {  	s0 =	sand.u32 $0x1, s1  }
0x8c: {  	s17 =	sshll.u32 s0, $0xA;
	s2 =	sadd.s32 s3, s2  }
0x8d: {  	s2 =	sadd.s32 s2, s17  }
0x8e: {  	[smem:$0x3FC5] =	sst s2  }
0x8f: {  	_ = 	snop  }
0x90: {  	s2 =	sld [smem:$0x3FD0];
	(tm) =	ssettm $0x1  }
0x91: {  	s18 =	sld [smem:$0x3FFB];
	_ =	sdelay $0x3  }
0x92: {  	_ =	strace s18  }
0x93: {  	s3 =	sld [smem:$0x3FFC];
	_ =	sdelay $0x3  }
0x94: {  	_ =	strace s3  }
0x95: {  	s3 =	sld [smem:$0x3FFD];
	_ =	sdelay $0x3  }
0x96: {  	_ =	strace s3  }
0x97: {  	_ =	strace $0x8FFFFFFF  }
0x98: {  	s19 =	sld [smem:$0x3FDB];
	_ =	sdelay $0x1  }
0x99: {  	s4 =	simm.s32 $_scs_section_size  }
0x9a: {  	s5 =	simm.s32 $_size__tile_overlayer_lowered;
	s6 =	simm.s32 $_tile_overlayer_lowered  }
0x9b: {  	s22 =	simm.s32 $0x1BFF;
	s21 =	sshll.u32 s6, $0x1;
	s3 =	sadd.s32 s4, s19  }
0x9c: {  	s7 =	simm.s32 $0x0;
	s20 =	sshll.u32 s5, $0x1;
	s5 =	sadd.s32 s21, s3  }
0x9d: {  	[timem:s7], [sflag:s22] =	dma.local [hbm:s5], s20  }
0x9e: {  	_ =	swait.ge [sflag:s22], s20  }
0x9f: {  	s4 =	ssub.s32 $0x0, s20;
	[sflag:s22] =	ssyncset.done $0x0  }
0xa0: {  	[sflag:s22] =	ssyncadd.s32 s4;
	_ =	sdelay $0x1  }
0xa1: {  	s23 =	simm.s32 $0x1B8B  }
0xa2: {  	_ =	swait.ge [sflag:s23], $0x1  }
0xa3: {  	[sflag:s23] =	ssyncset.done $0x0  }
0xa4: {  	s25 =	simm.s32 $0x1B8E;
	s24 =	sld [smem:$0x3FFE];
	[sflag:s23] =	ssyncadd.s32 $0xFFFFFFFF  }
0xa5: {  	s26 =	simm.s32 $execute0_lowered;
	[smem:$0x3FD2] =	sst s25  }
0xa6: {  	s5 =	sshll.u32 s26, $0x1;
	_ =	strace $0x80000046;
	[dreg:$0x1] =	wrdreg $0xFFFFFFFF  }
0xa7: {  	s28 =	simm.s32 $_size_execute0_lowered;
	s3 =	sadd.s32 s3, s5;
	[dreg:$0x0] =	wrdreg $0x0  }
0xa8: {  	s5 =	sshll.u32 s28, $0x1;
	[dreg:$0x2] =	wrdreg s3  }
0xa9: {  	[dreg:$0x3] =	wrdreg s5  }
0xaa: {  	[dreg:$0x4] =	wrdreg $0xC0  }
0xab: {  	_ =	task [dreg:s7], $0x5FFFF  }
0xac: {  	[dreg:$0x1] =	wrdreg $0xFFFFFFFF  }
0xad: {  	[dreg:$0x0] =	wrdreg $0x60  }
0xae: {  	[dreg:$0x2] =	wrdreg s24  }
0xaf: {  	[dreg:$0x3] =	wrdreg s2  }
0xb0: {  	[dreg:$0x4] =	wrdreg $0x9  }
0xb1: {  	_ =	task.clear_ibuf [dreg:s7], $0x5FFFF;
	_ =	strace $0x90000046  }
0xb2: {  	s29 =	simm.s32 $0x9;
	_ =	strace $0x80000048  }
0xb3: {  	_ =	swait.ge [sflag:s29], $0x1  }
0xb4: {  	[sflag:s29] =	ssyncadd.s32 $0xFFFFFFFF  }
0xb5: {  	_ =	strace $0x90000048  }
0xb6: {  	_ =	sfence  }
0xb7: {  	s30 =	sld [smem:$0x0];
	_ =	sdelay $0x2  }
0xb8: {  	s31 =	sshll.u32 s1, $0xD;
	s1 =	sshrl.u32 s1, $0x2  }
0xb9: {  	s3 =	sand.u32 $0x4000, s31;
	s1 =	sadd.s32 s1, s30  }
0xba: {  	s0 =	sor.u32 s3, s0;
	s1 =	sshll.u32 s1, $0x11  }
0xbb: {  	s0 =	sor.u32 s1, s0  }
0xbc: {  	s0 =	sadd.s32 $0x8F2B, s0  }
0xbd: {  	[sflag:s0] =	ssyncadd.remote.s32 $0x1  }
0xbe: {  	_ =	sfence.sel $0xFFFF  }
0xbf: {  	[dreg:$0x0] =	wrdreg $0xFFFFFFFF;
	(pc) =	sbr.abs _section_cstart, $3  }
0xc0: {  	[dreg:$0x1] =	wrdreg $0xFFFFFFFF  }
0xc1: {  	_ =	task.clear_ibuf [dreg:s7], $0x2FFFF;
	_ =	strace $0x9FFFFFFF  }
0xc2: {  	(tm) =	ssettm $0x7FFFFFFF  }
0xc3: {  	_ =	shalt  }
tec
execute0_lowered:
.L_overlay_start_1:
0x0: {  	(tag) =	ssettag $0x1  }
0x1: {  	s1 =	srdreg.scid;
	s0 =	stileid.u32  }
0x2: {  	s1 =	sand.u32 $0x1, s1;
	s2 =	sshll.u32 s0, $0x1  }
0x3: {  	s20 =	sor.u32 s1, s2  }
0x4: {  	s2 =	sand.u32 $0xFF, s20;
	s7 =	sor.u32 $0x20, s20  }
0x5: {  	s9 =	sor.u32 $0x40, s20;
	s3 =	smul.u32 $0xAB, s2;
	s17 =	sand.u32 $0xFF, s7  }
0x6: {  	s5 =	simm.s32 $0x1;
	s12 =	sand.u32 $0xFF, s9;
	s8 =	smul.u32 $0xAB, s17  }
0x7: {  	s1 =	ssub.s32 $0x2, s1;
	p0 =	sgt.u32 s20, $0x14;
	s14 =	smul.u32 $0xAB, s12  }
0x8: {  	p6 =	slt.u32 s20, $0x3;
	s23 =	smul.u32 $0x87, s12;
	s12 =	sor.u32 $0x80, s20  }
0x9: {  	p1 =	slt.u32 s2, $0x15;
	s3 =	sshrl.u32 s3, $0x9;
	s30 =	smul.u32 $0xAB, s12  }
0xa: {  	s5 =	simm.s32 @!p0 $0x0;
	s4 =	smul.u32 $0xFFFFFFFD, s3;
	s6 =	sadd.s32 $0xFFFFFFF9, s3  }
0xb: {  	s10 =	smul.u32 $0x2490, s3;
	s8 =	sshrl.u32 s8, $0x9;
	s6 =	smov.u32 @p1 s3  }
0xc: {  	s16 =	sadd.s32 s20, s4;
	p1 =	sne.s32 s6, $0x0;
	s4 =	smul.u32 $0x87, s17  }
0xd: {  	s18 =	smul.u32 $0xFFFFFFFD, s8;
	s6 =	simm.s32 $0x1;
	p0 =	por !p6, !p1  }
0xe: {  	s17 =	smul.u32 $0x2490, s8;
	p0 =	por !p0, !p0;
	s4 =	sshrl.u32 s4, $0x8  }
0xf: {  	s2 =	smul.u32 $0x30FCF0, s16;
	s6 =	simm.s32 @!p0 $0x0;
	s11 =	ssub.s32 s7, s4  }
0x10: {  	s5 =	ssub.s32 s5, s6;
	s6 =	sadd.s32 s7, s18;
	s7 =	smul.u32 $0x1390, s7  }
0x11: {  	s22 =	sshrl.u32 s1, $0x1;
	s13 =	smul.u32 $0xFFFFFFF9, s5  }
0x12: {  	s11 =	sand.u32 $0xFE, s11;
	s18 =	sshrl.u32 s14, $0x9;
	s16 =	smul.u32 $0x30FCF0, s6  }
0x13: {  	s19 =	sshrl.u32 s11, $0x1;
	s21 =	smul.u32 $0xFFFFFFFD, s18;
	s11 =	sor.u32 $0x60, s20  }
0x14: {  	s31 =	smul.u32 $0x2490, s18;
	s4 =	sadd.s32 s4, s19;
	s28 =	sand.u32 $0xFF, s11  }
0x15: {  	s24 =	ssub.s32 s1, s22;
	s4 =	sand.u32 $0xF0, s4;
	s29 =	smul.u32 $0xAB, s28  }
0x16: {  	s25 =	sadd.s32 s9, s21;
	s21 =	smul.u32 $0x87, s28;
	s22 =	sadd.s32 s3, s13  }
0x17: {  	s3 =	sshrl.u32 s30, $0x9;
	s6 =	sshrl.u32 s4, $0x4;
	s19 =	smul.u32 $0x30FCF0, s25  }
0x18: {  	[dreg:$0x3] =	wrdreg s24;
	s13 =	sand.u32 $0x7F, s3;
	s14 =	smul.u32 $0xFFFFFFF9, s6  }
0x19: {  	s10 =	sadd.s32 s10, s2;
	s4 =	sshrl.u32 s23, $0x8;
	s3 =	smul.u32 $0xFFFFFFFD, s13  }
0x1a: {  	s26 =	ssub.s32 s9, s4;
	s23 =	sshrl.u32 s29, $0x9;
	s9 =	smul.u32 $0x1390, s9  }
0x1b: {  	p0 =	sgt.u32 s20, $0x12;
	s16 =	sadd.s32 s17, s16;
	s24 =	smul.u32 $0xFFFFFFFD, s23  }
0x1c: {  	s21 =	sshrl.u32 s21, $0x8;
	s1 =	sand.u32 $0xFE, s26;
	s30 =	smul.u32 $0x2490, s23  }
0x1d: {  	s0 =	ssub.s32 s11, s21;
	s19 =	sadd.s32 s31, s19;
	s31 =	smul.u32 $0x2490, s13  }
0x1e: {  	s13 =	sadd.s32 $0xFFFFFFD6, s13;
	s2 =	sand.u32 $0xFE, s0;
	s0 =	rddreg [dreg:$0x0]  }
0x1f: {  	s1 =	sshrl.u32 s1, $0x1;
	s8 =	sadd.s32 s8, s14;
	s14 =	rddreg [dreg:$0x1]  }
0x20: {  	s1 =	sadd.s32 s4, s1;
	s2 =	sshrl.u32 s2, $0x1;
	s24 =	sadd.s32 s11, s24  }
0x21: {  	s7 =	sadd.s32 s14, s7;
	s9 =	sadd.s32 s14, s9;
	s1 =	sand.u32 $0xF0, s1  }
0x22: {  	s24 =	smul.u32 $0x30FCF0, s24;
	s25 =	sshrl.u32 s1, $0x4;
	s1 =	sadd.s32 s21, s2  }
0x23: {  	s2 =	sadd.s32 s12, s3;
	s21 =	sadd.s32 $0x1400, s0;
	s3 =	sshrl.u32 s16, $0x3  }
0x24: {  	s16 =	scvt.s32.f32 s6;
	s15 =	smul.u32 $0xFFFFFFF9, s25;
	s29 =	sand.u32 $0xF0, s1  }
0x25: {  	s26 =	smul.u32 $0x30FCF0, s2;
	s1 =	simm.s32 $0x0;
	s24 =	sadd.s32 s30, s24  }
0x26: {  	s2 =	smul.u32 $0x1390, s20;
	s20 =	simm.s32 $0x0;
	s17 =	sshrl.u32 s29, $0x4  }
0x27: {  	[smem:$0x7FF] =	sst s1;
	s29 =	scvt.s32.f32 s22;
	s22 =	sadd.s32 $0x1, s22  }
0x28: {  	s24 =	sshrl.u32 s24, $0x3;
	s28 =	smul.u32 $0xFFFFFFF9, s17;
	s18 =	sadd.s32 s18, s15  }
0x29: {  	_ =	strace $0x80000047;
	s26 =	sadd.s32 s31, s26;
	s15 =	sadd.s32 $0x600, s0  }
0x2a: {  	s0 =	sshrl.u32 s10, $0x3;
	s22 =	scvt.s32.f32 s22;
	s31 =	sadd.s32 $0x1, s6  }
0x2b: {  	s6 =	sadd.s32 s21, s3;
	s3 =	sadd.s32 $0x1, s25;
	s10 =	sadd.s32 s21, s24  }
0x2c: {  	s24 =	scvt.s32.f32 s17;
	s17 =	sadd.s32 $0x1, s17;
	s4 =	sadd.s32 s21, s0  }
0x2d: {  	s31 =	scvt.s32.f32 s31;
	s0 =	sshrl.u32 s19, $0x3;
	s17 =	scvt.s32.f32 s17  }
0x2e: {  	v0 =	vimm.f32 $7.000000000e+00;
	s23 =	sadd.s32 s23, s28;
	s28 =	scvt.s32.f32 s5;
	s5 =	sadd.s32 $0x1, s5  }
0x2f: {  	(erf) = vrcp.f32 v0;
	v1 =	vmov s29;
	s26 =	sshrl.u32 s26, $0x3;
	s29 =	smul.u32 $0x1390, s12;
	s30 =	scvt.s32.f32 s5  }
0x30: {  	s5 =	sadd.s32 s14, s2;
	s2 =	scvt.s32.f32 s8;
	s8 =	sadd.s32 $0x1, s8  }
0x31: {  	v3 =	vmov s22;
	s22 =	smul.u32 $0x1390, s11;
	s11 =	simm.s32 $0x1;
	s19 =	scvt.s32.f32 s8  }
0x32: {  	v19 =	vimm.f32 $0.0e+00;
	s8 =	sadd.s32 s21, s0;
	s0 =	scvt.s32.f32 s25;
	s25 =	scvt.s32.f32 s3  }
0x33: {  	v20 =	vlaneseq.u32;
	v4 =	vmov s16;
	s16 =	sadd.s32 $0x1, s23;
	s3 =	scvt.s32.f32 s18;
	v0 =	vmov s28;
	s28 =	scvt.s32.f32 s23  }
.Ltmp0:
0x34: {  	v21 =	vimm.s32 $0x0;
	v12 =	vmov s24;
	v6 =	vmov s31;
	s18 =	sadd.s32 $0x1, s18;
	s23 =	scvt.s32.f32 s13;
	(pc) =	sbr.rel .LBB2_1-.Ltmp0, $4  }
0x35: {  	s12 =	sadd.s32 s21, s26;
	v14 =	vmov s17;
	s31 =	rddreg [dreg:$0x3];
	s18 =	scvt.s32.f32 s18;
	v2 =	vmov s30;
	v5 =	vmov s2  }
0x36: {  	s17 =	simm.s32 $0x6FF90;
	s2 =	scvt.s32.f32 s16;
	v7 =	vmov s19;
	v8 =	vmov s0;
	v9 =	vmov s3;
	s30 =	sadd.f32 $1.000000000e+00, s23  }
0x37: {  	s13 =	sadd.s32 s14, s22;
	s14 =	sadd.s32 s14, s29;
	s16 =	simm.s32 $0x2490;
	v10 =	vmov s25;
	v13 =	vmov s28;
	v16 =	vmov s23  }
0x38: {  	s3 =	smax.u32 s31, $0x1;
	s19 =	simm.s32 $0x161B0;
	v11 =	vmov s18;
	v15 =	vmov s2;
	s18 =	simm.s32 $0x61C0;
	v17 =	vmov s30;
	v18 =	vpop (erf)  }
.LBB2_14:
0x39: {  	_ =	sdelay $0x3  }
0x3a: {  	v29 =	vld.idx.msk [tilespmem:v29+s18+$0x0], $0xffff;
	_ =	sdelay $0x1  }
0x3b: {  	v28 =	vld.idx.msk [tilespmem:v28+s18+$0x0], $0xffff;
	_ =	sdelay $0x1  }
0x3c: {  	v30 =	vld.idx.msk [tilespmem:v30+s18+$0x0], $0xffff  }
0x3d: {  	v29 =	vsub.f32 v31, v29;
	_ =	sdelay $0x1  }
0x3e: {  	v28 =	vsub.f32 v29, v28;
	_ =	sdelay $0x1  }
0x3f: {  	v63 =	vor.u32 $0x5, v22;
	v28 =	vadd.f32 v30, v28;
	_ =	sdelay $0x1  }
0x40: {  	v28 =	vmul.f32 v28, v23;
	_ =	sdelay $0x1  }
0x41: {  	v28 =	vnsel vm0, $0x0, v28  }
0x42: {  	[tilespmem:v63+s19+$0x0] =	vst.idx.msk $0xffff, v28  }
0x43: {  	v24 =	vld.idx.msk [tilespmem:v24+s18+$0x0], $0xffff  }
0x44: {  	v27 =	vld.idx.msk [tilespmem:v27+s18+$0x0], $0xffff;
	_ =	sdelay $0x1  }
0x45: {  	v25 =	vld.idx.msk [tilespmem:v25+s18+$0x0], $0xffff;
	_ =	sdelay $0x1  }
0x46: {  	v26 =	vld.idx.msk [tilespmem:v26+s18+$0x0], $0xffff  }
0x47: {  	v24 =	vsub.f32 v24, v27;
	_ =	sdelay $0x1  }
0x48: {  	v24 =	vsub.f32 v24, v25;
	_ =	sdelay $0x1  }
0x49: {  	v22 =	vor.u32 $0x6, v22;
	v24 =	vadd.f32 v26, v24;
	_ =	sdelay $0x1  }
0x4a: {  	v23 =	vmul.f32 v24, v23;
	_ =	sdelay $0x1  }
0x4b: {  	v23 =	vnsel vm0, $0x0, v23  }
0x4c: {  	[tilespmem:v22+s19+$0x0] =	vst.idx.msk $0xffff, v23  }
0x4d: {  	[hbm4b:s14+s1] =	stream.linear.scatter [tilespmem:s19], [sflag:$0x1], $0x9C80, $0x38;
	[tilespmem:$0x1FE30] =	vst v63  }
0x4e: {  	_ =	swait.ge [sflag:s11], $0x9C80  }
0x4f: {  	[sflag:s11] =	ssyncset.done $0x0  }
0x50: {  	[sflag:s11] =	ssyncadd.s32 $0xFFFF6380  }
.LBB2_15:
0x51: {  	s20 =	sadd.s32 $0x1, s20  }
0x52: {  	p1 =	sne.s32 s20, s3  }
.Ltmp1:
0x53: {  	_ = 	snop;
	(pc) =	sbr.rel @!p1 .LBB2_16-.Ltmp1, $1  }
0x54: {  	_ =	sdelay $0x3  }
.LBB2_1:
0x55: {  	s21 =	simm.s32 $0x40;
	s22 =	simm.s32 $0x0  }
.LBB2_2:
0x56: {  	p1 =	sne.s32 s21, $0x186C0;
	[tilespmem:s22+$0x0] =	vst v19;
	s0 =	smov.u32 s21;
	s21 =	sadd.s32 $0x40, s21  }
.Ltmp2:
0x57: {  	(pc) =	sbr.rel @p1 .LBB2_2-.Ltmp2, $2  }
0x58: {  	_ =	sdelay $0x2  }
0x59: {  	s22 =	sshra.s32 s0, $0x2  }
0x5a: {  	[tilespmem:s22+$0x0] =	vst v19;
	s0 =	simm.s32 $0x0  }
0x5b: {  	[tilespmem:s0], [sflag:$0x1] =	stream.linear.gather [hbm4b:s15+s0], $0x61A8, $0x38;
	v22 =	vor.u32 s0, v20;
	[tilespmem:$0x1FE30] =	vst v63  }
0x5c: {  	_ =	swait.ge [sflag:s11], $0x61A8;
	v23 =	vmul.u32 $0x5, v22  }
0x5d: {  	[sflag:s11] =	ssyncset.done $0x0  }
0x5e: {  	[sflag:s11] =	ssyncadd.s32 $0xFFFF9E58;
	v24 =	vadd.s32 $0x2, v23  }
0x5f: {  	v25 =	vadd.s32 $0x3, v23;
	[tilespmem:s18], [sflag:$0x1] =	stream.strided.gather [hbm4b:s4+s16], $0xFFF0, s17, s16, $0x38;
	[tilespmem:$0x1FE30] =	vst v63  }
0x60: {  	v26 =	vadd.s32 $0x4, v23;
	_ =	swait.ge [sflag:s11], $0xFFF0  }
0x61: {  	v27 =	vadd.s32 $0x1, v23;
	[sflag:s11] =	ssyncset.done $0x0  }
0x62: {  	[sflag:s11] =	ssyncadd.s32 $0xFFFF0010  }
0x63: {  	v24 =	vld.idx.msk [tilespmem:v24+s1+$0x0], $0xffff  }
0x64: {  	v25 =	vld.idx.msk [tilespmem:v25+s1+$0x0], $0xffff  }
0x65: {  	v26 =	vld.idx.msk [tilespmem:v26+s1+$0x0], $0xffff  }
0x66: {  	v27 =	vld.idx.msk [tilespmem:v27+s1+$0x0], $0xffff;
	_ =	sdelay $0x3  }
0x67: {  	v26 =	vsub.f32 v26, v24  }
0x68: {  	v25 =	vsub.f32 v25, v27  }
0x69: {  	v26 =	vmax.f32 v26, $1.000000010e-01  }
0x6a: {  	v23 =	vld.idx.msk [tilespmem:v23+s1+$0x0], $0xffff;
	v25 =	vmax.f32 v25, $1.000000010e-01;
	v26 =	vmul.f32 v26, v18  }
0x6b: {  	v25 =	vmul.f32 v25, v18  }
0x6c: {  	v28 =	vmul.f32 v26, v0;
	v26 =	vmul.f32 v26, v2  }
0x6d: {  	v29 =	vmul.f32 v25, v1;
	v25 =	vmul.f32 v25, v3  }
0x6e: {  	v28 =	vadd.f32 v28, v24;
	v24 =	vadd.f32 v26, v24  }
0x6f: {  	v23 =	vtrunc.f32 v23;
	v26 =	vadd.f32 v29, v27;
	v25 =	vadd.f32 v25, v27  }
0x70: {  	v23 =	vcvt.f32.s32 v23;
	v27 =	vmax.f32 v28, $0.0e+00;
	v24 =	vmax.f32 v24, $0.0e+00  }
0x71: {  	v25 =	vmax.f32 v25, $0.0e+00;
	v26 =	vmax.f32 v26, $0.0e+00;
	v24 =	vmin.f32 v24, $6.400000000e+01  }
0x72: {  	v27 =	vmin.f32 v27, $6.400000000e+01;
	v25 =	vmin.f32 v25, $6.400000000e+01;
	v28 =	vtrunc.f32 v24  }
0x73: {  	v29 =	vcvt.f32.s32 v28;
	vm0 =	vgt.f32 v24, v28;
	v24 =	vtrunc.f32 v25  }
0x74: {  	v28 =	vsel vm0, $0x1, v21;
	v30 =	vcvt.f32.s32 v24;
	vm0 =	vgt.f32 v25, v24  }
0x75: {  	v24 =	vtrunc.f32 v27;
	v28 =	vadd.s32 v29, v28;
	v25 =	vsel vm0, $0x1, v21  }
0x76: {  	v29 =	vcvt.f32.s32 v24;
	vm0 =	vgt.s32 v23, $0x0;
	v23 =	vmin.f32 v26, $6.400000000e+01  }
0x77: {  	v30 =	vadd.s32 v30, v25;
	v24 =	vmul.u32 $0x48, v28;
	v33 =	vsel vm0, $0x1248, v21  }
0x78: {  	v23 =	vtrunc.f32 v23;
	v25 =	vand.u32 $0xFFFFFFF8, v30;
	v27 =	vmul.u32 $0x48, v29  }
0x79: {  	v28 =	vsub.s32 v28, v29;
	v23 =	vcvt.f32.s32 v23;
	v29 =	vadd.s32 v33, v24  }
0x7a: {  	v26 =	vand.u32 $0x7, v30;
	v31 =	vadd.s32 v25, v29;
	v34 =	vadd.s32 v33, v27  }
0x7b: {  	v35 =	vor.u32 v26, v31;
	v31 =	vadd.s32 v34, v25  }
0x7c: {  	v30 =	vsub.s32 v30, v23;
	v32 =	vand.u32 $0xFFFFFFF8, v23;
	v36 =	vor.u32 v26, v31  }
0x7d: {  	v28 =	vmul.u32 v30, v28;
	v31 =	vand.u32 $0x7, v23;
	v23 =	vadd.s32 v32, v29  }
0x7e: {  	v23 =	vor.u32 v31, v23  }
0x7f: {  	vm0 =	vgt.s32 v28, $0x1  }
0x80: {  	v29 =	vadd.s32 v32, v34;
	v30 =	vnsel vm0, $0x1, v28;
	v38 =	vld.idx.msk [tilespmem:v35+s18+$0x0], $0xffff  }
0x81: {  	v29 =	vor.u32 v31, v29;
	v30 =	vcvt.s32.f32 v30;
	v39 =	vld.idx.msk [tilespmem:v36+s18+$0x0], $0xffff;
	_ =	sdelay $0x1  }
0x82: {  	(erf) = vrcp.f32 v30;
	v23 =	vld.idx.msk [tilespmem:v23+s18+$0x0], $0xffff;
	_ =	sdelay $0x2  }
0x83: {  	v29 =	vld.idx.msk [tilespmem:v29+s18+$0x0], $0xffff;
	v30 =	vsub.f32 v38, v39;
	_ =	sdelay $0x1  }
0x84: {  	v23 =	vsub.f32 v30, v23  }
0x85: {  	v40 =	vor.u32 $0x2490, v33  }
0x86: {  	v22 =	vshll.u32 v22, $0x3;
	v30 =	vadd.s32 v40, v24  }
0x87: {  	v34 =	vadd.s32 v40, v27;
	v41 =	vadd.s32 v25, v30;
	v29 =	vadd.f32 v29, v23  }
0x88: {  	v42 =	vadd.s32 v34, v25;
	v35 =	vor.u32 v26, v41;
	v23 =	vpop (erf)  }
0x89: {  	v36 =	vor.u32 v26, v42;
	v29 =	vmul.f32 v23, v29  }
0x8a: {  	vm0 =	vgt.s32 v28, $0x0;
	v30 =	vadd.s32 v32, v30  }
0x8b: {  	v28 =	vor.u32 v31, v30;
	v29 =	vnsel vm0, $0x0, v29  }
0x8c: {  	v30 =	vadd.s32 v32, v34;
	[tilespmem:v22+s19+$0x0] =	vst.idx.msk $0xffff, v29  }
0x8d: {  	v29 =	vor.u32 v31, v30;
	v30 =	vld.idx.msk [tilespmem:v35+s18+$0x0], $0xffff  }
0x8e: {  	v43 =	vld.idx.msk [tilespmem:v36+s18+$0x0], $0xffff;
	_ =	sdelay $0x1  }
0x8f: {  	v28 =	vld.idx.msk [tilespmem:v28+s18+$0x0], $0xffff;
	_ =	sdelay $0x1  }
0x90: {  	v29 =	vld.idx.msk [tilespmem:v29+s18+$0x0], $0xffff  }
0x91: {  	v30 =	vsub.f32 v30, v43;
	_ =	sdelay $0x1  }
0x92: {  	v44 =	vor.u32 $0x4920, v33;
	v28 =	vsub.f32 v30, v28  }
0x93: {  	v34 =	vadd.s32 v44, v27;
	v30 =	vadd.s32 v44, v24  }
0x94: {  	v45 =	vadd.s32 v25, v30;
	v28 =	vadd.f32 v29, v28;
	v29 =	vor.u32 $0x1, v22  }
0x95: {  	v46 =	vadd.s32 v34, v25;
	v35 =	vor.u32 v26, v45  }
0x96: {  	v36 =	vor.u32 v26, v46;
	v28 =	vmul.f32 v23, v28  }
0x97: {  	v30 =	vadd.s32 v32, v30  }
0x98: {  	v30 =	vor.u32 v31, v30;
	v28 =	vnsel vm0, $0x0, v28  }
0x99: {  	v34 =	vadd.s32 v32, v34;
	[tilespmem:v29+s19+$0x0] =	vst.idx.msk $0xffff, v28  }
0x9a: {  	v28 =	vor.u32 v31, v34;
	v29 =	vld.idx.msk [tilespmem:v35+s18+$0x0], $0xffff  }
0x9b: {  	v47 =	vld.idx.msk [tilespmem:v36+s18+$0x0], $0xffff;
	_ =	sdelay $0x1  }
0x9c: {  	v30 =	vld.idx.msk [tilespmem:v30+s18+$0x0], $0xffff;
	_ =	sdelay $0x1  }
0x9d: {  	v28 =	vld.idx.msk [tilespmem:v28+s18+$0x0], $0xffff  }
0x9e: {  	v29 =	vsub.f32 v29, v47;
	_ =	sdelay $0x1  }
0x9f: {  	v48 =	vor.u32 $0x6DB0, v33;
	v29 =	vsub.f32 v29, v30  }
0xa0: {  	v49 =	vadd.s32 v48, v24;
	v34 =	vadd.s32 v48, v27  }
0xa1: {  	v30 =	vadd.s32 v25, v49;
	v28 =	vadd.f32 v28, v29;
	v29 =	vor.u32 $0x2, v22  }
0xa2: {  	v50 =	vadd.s32 v34, v25;
	v30 =	vor.u32 v26, v30  }
0xa3: {  	v36 =	vor.u32 v26, v50;
	v28 =	vmul.f32 v23, v28  }
0xa4: {  	v35 =	vadd.s32 v32, v49  }
0xa5: {  	v35 =	vor.u32 v31, v35;
	v28 =	vnsel vm0, $0x0, v28  }
0xa6: {  	v34 =	vadd.s32 v32, v34;
	[tilespmem:v29+s19+$0x0] =	vst.idx.msk $0xffff, v28  }
0xa7: {  	v28 =	vor.u32 v31, v34;
	v29 =	vld.idx.msk [tilespmem:v30+s18+$0x0], $0xffff  }
0xa8: {  	v30 =	vld.idx.msk [tilespmem:v36+s18+$0x0], $0xffff;
	_ =	sdelay $0x1  }
0xa9: {  	v51 =	vld.idx.msk [tilespmem:v35+s18+$0x0], $0xffff;
	_ =	sdelay $0x1  }
0xaa: {  	v28 =	vld.idx.msk [tilespmem:v28+s18+$0x0], $0xffff  }
0xab: {  	v29 =	vsub.f32 v29, v30;
	_ =	sdelay $0x1  }
0xac: {  	v30 =	vadd.s32 $0x9240, v33;
	v29 =	vsub.f32 v29, v51  }
0xad: {  	v52 =	vadd.s32 v30, v24;
	v30 =	vadd.s32 v30, v27  }
0xae: {  	v53 =	vadd.s32 v25, v52;
	v28 =	vadd.f32 v28, v29;
	v29 =	vor.u32 $0x3, v22  }
0xaf: {  	v54 =	vadd.s32 v30, v25;
	v34 =	vor.u32 v26, v53  }
0xb0: {  	v36 =	vor.u32 v26, v54;
	v28 =	vmul.f32 v28, v23  }
0xb1: {  	v35 =	vadd.s32 v32, v52  }
0xb2: {  	v35 =	vor.u32 v31, v35;
	v28 =	vnsel vm0, $0x0, v28  }
0xb3: {  	v30 =	vadd.s32 v32, v30;
	[tilespmem:v29+s19+$0x0] =	vst.idx.msk $0xffff, v28  }
0xb4: {  	v28 =	vor.u32 v31, v30;
	v29 =	vld.idx.msk [tilespmem:v34+s18+$0x0], $0xffff  }
0xb5: {  	v30 =	vld.idx.msk [tilespmem:v36+s18+$0x0], $0xffff;
	_ =	sdelay $0x1  }
0xb6: {  	v55 =	vld.idx.msk [tilespmem:v35+s18+$0x0], $0xffff;
	_ =	sdelay $0x1  }
0xb7: {  	v28 =	vld.idx.msk [tilespmem:v28+s18+$0x0], $0xffff  }
0xb8: {  	v29 =	vsub.f32 v29, v30  }
0xb9: {  	v38 =	vor.u32 $0x4, v22  }
0xba: {  	v30 =	vadd.s32 $0xB6D0, v33;
	v33 =	vadd.s32 $0xDB60, v33;
	v29 =	vsub.f32 v29, v55  }
0xbb: {  	v56 =	vadd.s32 v30, v24;
	v30 =	vadd.s32 v30, v27;
	v24 =	vadd.s32 v33, v24  }
0xbc: {  	v27 =	vadd.s32 v33, v27;
	v57 =	vadd.s32 v25, v56;
	v37 =	vadd.f32 v28, v29  }
0xbd: {  	v35 =	vadd.s32 v32, v56;
	v58 =	vadd.s32 v30, v25;
	v34 =	vor.u32 v26, v57  }
0xbe: {  	v30 =	vadd.s32 v32, v30;
	v29 =	vor.u32 v26, v58;
	v59 =	vmul.f32 v37, v23  }
0xbf: {  	v60 =	vadd.s32 v25, v24;
	v61 =	vadd.s32 v32, v24;
	v28 =	vor.u32 v31, v35  }
0xc0: {  	v63 =	vadd.s32 v27, v25;
	v30 =	vor.u32 v31, v30;
	v62 =	vnsel vm0, $0x0, v59  }
0xc1: {  	v32 =	vadd.s32 v32, v27;
	v24 =	vor.u32 v26, v60;
	[tilespmem:v38+s19+$0x0] =	vst.idx.msk $0xffff, v62  }
0xc2: {  	s21 =	simm.s32 $0x10;
	v25 =	vor.u32 v31, v61;
	v27 =	vor.u32 v26, v63;
	v26 =	vor.u32 v31, v32;
	v31 =	vld.idx.msk [tilespmem:v34+s18+$0x0], $0xffff  }
.LBB2_4:
0xc3: {  	p1 =	sne.s32 s21, $0x1380;
	v29 =	vld.idx.msk [tilespmem:v29+s18+$0x0], $0xffff;
	s0 =	smov.u32 s21;
	s21 =	sadd.s32 $0x10, s21  }
0xc4: {  	v28 =	vld.idx.msk [tilespmem:v28+s18+$0x0], $0xffff  }
0xc5: {  	v30 =	vld.idx.msk [tilespmem:v30+s18+$0x0], $0xffff;
	_ =	sdelay $0x2  }
0xc6: {  	v32 =	vor.u32 s0, v20  }
0xc7: {  	v33 =	vmul.u32 $0x5, v32;
	v29 =	vsub.f32 v31, v29;
	_ =	sdelay $0x1  }
0xc8: {  	v34 =	vadd.s32 $0x4, v33;
	v31 =	vadd.s32 $0x2, v33;
	v28 =	vsub.f32 v29, v28  }
0xc9: {  	v35 =	vadd.s32 $0x3, v33;
	v29 =	vadd.s32 $0x1, v33  }
0xca: {  	v28 =	vadd.f32 v30, v28;
	v30 =	vor.u32 $0x5, v22;
	_ =	sdelay $0x1  }
0xcb: {  	v28 =	vmul.f32 v28, v23;
	_ =	sdelay $0x1  }
0xcc: {  	v28 =	vnsel vm0, $0x0, v28  }
0xcd: {  	[tilespmem:v30+s19+$0x0] =	vst.idx.msk $0xffff, v28  }
0xce: {  	v24 =	vld.idx.msk [tilespmem:v24+s18+$0x0], $0xffff  }
0xcf: {  	v27 =	vld.idx.msk [tilespmem:v27+s18+$0x0], $0xffff  }
0xd0: {  	v25 =	vld.idx.msk [tilespmem:v25+s18+$0x0], $0xffff  }
0xd1: {  	v26 =	vld.idx.msk [tilespmem:v26+s18+$0x0], $0xffff;
	_ =	sdelay $0x3  }
0xd2: {  	v24 =	vsub.f32 v24, v27;
	_ =	sdelay $0x1  }
0xd3: {  	v24 =	vsub.f32 v24, v25  }
0xd4: {  	v22 =	vor.u32 $0x6, v22  }
0xd5: {  	v24 =	vadd.f32 v26, v24;
	_ =	sdelay $0x1  }
0xd6: {  	v23 =	vmul.f32 v24, v23;
	_ =	sdelay $0x1  }
0xd7: {  	v23 =	vnsel vm0, $0x0, v23  }
0xd8: {  	[tilespmem:v22+s19+$0x0] =	vst.idx.msk $0xffff, v23  }
0xd9: {  	v22 =	vld.idx.msk [tilespmem:v31+s1+$0x0], $0xffff  }
0xda: {  	v23 =	vld.idx.msk [tilespmem:v35+s1+$0x0], $0xffff  }
0xdb: {  	v24 =	vld.idx.msk [tilespmem:v34+s1+$0x0], $0xffff  }
0xdc: {  	v25 =	vld.idx.msk [tilespmem:v29+s1+$0x0], $0xffff;
	_ =	sdelay $0x4  }
0xdd: {  	v24 =	vsub.f32 v24, v22  }
0xde: {  	v23 =	vsub.f32 v23, v25  }
0xdf: {  	v24 =	vmax.f32 v24, $1.000000010e-01  }
0xe0: {  	v23 =	vmax.f32 v23, $1.000000010e-01;
	v24 =	vmul.f32 v24, v18  }
0xe1: {  	v23 =	vmul.f32 v23, v18  }
0xe2: {  	v27 =	vmul.f32 v24, v0;
	v24 =	vmul.f32 v24, v2;
	v26 =	vld.idx.msk [tilespmem:v33+s1+$0x0], $0xffff  }
0xe3: {  	v28 =	vmul.f32 v23, v1;
	v23 =	vmul.f32 v23, v3  }
0xe4: {  	v27 =	vadd.f32 v27, v22;
	v22 =	vadd.f32 v24, v22  }
0xe5: {  	v24 =	vadd.f32 v28, v25;
	v23 =	vadd.f32 v23, v25  }
0xe6: {  	v25 =	vmax.f32 v27, $0.0e+00;
	v22 =	vmax.f32 v22, $0.0e+00  }
0xe7: {  	v25 =	vmin.f32 v25, $6.400000000e+01;
	v22 =	vmin.f32 v22, $6.400000000e+01;
	v23 =	vmax.f32 v23, $0.0e+00  }
0xe8: {  	v24 =	vmax.f32 v24, $0.0e+00;
	v23 =	vmin.f32 v23, $6.400000000e+01;
	v27 =	vtrunc.f32 v22  }
0xe9: {  	v28 =	vcvt.f32.s32 v27;
	vm0 =	vgt.f32 v22, v27;
	v22 =	vtrunc.f32 v23  }
0xea: {  	v26 =	vtrunc.f32 v26;
	v27 =	vsel vm0, $0x1, v21;
	v29 =	vcvt.f32.s32 v22  }
0xeb: {  	v25 =	vtrunc.f32 v25;
	vm0 =	vgt.f32 v23, v22;
	v27 =	vadd.s32 v28, v27  }
0xec: {  	v25 =	vcvt.f32.s32 v25;
	v23 =	vcvt.f32.s32 v26;
	v22 =	vsel vm0, $0x1, v21  }
0xed: {  	v28 =	vadd.s32 v29, v22;
	v22 =	vshll.u32 v32, $0x3  }
0xee: {  	vm0 =	vgt.s32 v23, $0x0;
	v23 =	vmin.f32 v24, $6.400000000e+01;
	v24 =	vmul.u32 $0x48, v27  }
0xef: {  	v31 =	vmul.u32 $0x48, v25;
	v26 =	vand.u32 $0xFFFFFFF8, v28;
	v29 =	vsel vm0, $0x1248, v21  }
0xf0: {  	v25 =	vsub.s32 v27, v25;
	v23 =	vtrunc.f32 v23;
	v27 =	vadd.s32 v29, v24  }
0xf1: {  	v32 =	vand.u32 $0x7, v28;
	v23 =	vcvt.f32.s32 v23;
	v30 =	vadd.s32 v26, v27  }
0xf2: {  	v33 =	vadd.s32 v29, v31;
	v34 =	vor.u32 $0x2490, v29;
	v30 =	vor.u32 v32, v30  }
0xf3: {  	v35 =	vadd.s32 v33, v26;
	v28 =	vsub.s32 v28, v23;
	v36 =	vand.u32 $0xFFFFFFF8, v23  }
0xf4: {  	v35 =	vor.u32 v32, v35;
	v37 =	vand.u32 $0x7, v23;
	v23 =	vadd.s32 v36, v27  }
0xf5: {  	v25 =	vmul.u32 v28, v25;
	v27 =	vadd.s32 v36, v33;
	v23 =	vor.u32 v37, v23  }
0xf6: {  	v28 =	vadd.s32 v34, v24;
	v33 =	vadd.s32 v34, v31;
	v27 =	vor.u32 v37, v27  }
0xf7: {  	v34 =	vadd.s32 v26, v28;
	v28 =	vadd.s32 v36, v28;
	vm0 =	vgt.s32 v25, $0x1;
	v30 =	vld.idx.msk [tilespmem:v30+s18+$0x0], $0xffff  }
0xf8: {  	v34 =	vor.u32 v32, v34;
	v39 =	vor.u32 v37, v28;
	v38 =	vnsel vm0, $0x1, v25  }
0xf9: {  	v28 =	vcvt.s32.f32 v38;
	v38 =	vadd.s32 v33, v26;
	v33 =	vadd.s32 v36, v33;
	v35 =	vld.idx.msk [tilespmem:v35+s18+$0x0], $0xffff  }
0xfa: {  	v40 =	vor.u32 $0x4920, v29;
	v38 =	vor.u32 v32, v38;
	v33 =	vor.u32 v37, v33;
	v23 =	vld.idx.msk [tilespmem:v23+s18+$0x0], $0xffff  }
0xfb: {  	v41 =	vadd.s32 v40, v24;
	v40 =	vadd.s32 v40, v31;
	(erf) = vrcp.f32 v28  }
0xfc: {  	v42 =	vadd.s32 v40, v26;
	v28 =	vadd.s32 v26, v41;
	v41 =	vadd.s32 v36, v41  }
0xfd: {  	v42 =	vor.u32 v32, v42;
	v43 =	vor.u32 v32, v28;
	v41 =	vor.u32 v37, v41;
	v27 =	vld.idx.msk [tilespmem:v27+s18+$0x0], $0xffff  }
0xfe: {  	v44 =	vadd.s32 $0x9240, v29;
	v28 =	vadd.s32 v36, v40;
	v40 =	vor.u32 $0x6DB0, v29  }
0xff: {  	v30 =	vsub.f32 v30, v35;
	v35 =	vor.u32 v37, v28;
	v28 =	vadd.s32 v40, v24  }
0x100: {  	v40 =	vadd.s32 v40, v31;
	v45 =	vadd.s32 v26, v28;
	v28 =	vadd.s32 v36, v28  }
0x101: {  	v49 =	vsub.f32 v30, v23;
	v45 =	vor.u32 v32, v45;
	v30 =	vadd.s32 v40, v26  }
0x102: {  	v47 =	vor.u32 v37, v28;
	v28 =	vadd.s32 v36, v40;
	v46 =	vor.u32 v32, v30  }
0x103: {  	v48 =	vadd.s32 v44, v24;
	v40 =	vor.u32 v37, v28;
	v27 =	vadd.f32 v27, v49  }
0x104: {  	v28 =	vadd.s32 v26, v48;
	v30 =	vadd.s32 v44, v31;
	v44 =	vadd.s32 v36, v48;
	v23 =	vpop (erf)  }
0x105: {  	v48 =	vor.u32 v32, v28;
	v28 =	vadd.s32 v30, v26;
	v27 =	vmul.f32 v23, v27  }
0x106: {  	vm0 =	vgt.s32 v25, $0x0;
	v44 =	vor.u32 v37, v44;
	v49 =	vor.u32 v32, v28  }
0x107: {  	v28 =	vadd.s32 $0xB6D0, v29;
	v25 =	vnsel vm0, $0x0, v27;
	v27 =	vadd.s32 v36, v30  }
0x108: {  	[tilespmem:v22+s19+$0x0] =	vst.idx.msk $0xffff, v25;
	v50 =	vor.u32 v37, v27;
	v25 =	vadd.s32 v28, v24;
	v27 =	vadd.s32 $0xDB60, v29  }
0x109: {  	v30 =	vadd.s32 v28, v31;
	v34 =	vld.idx.msk [tilespmem:v34+s18+$0x0], $0xffff;
	v29 =	vadd.s32 v26, v25;
	v25 =	vadd.s32 v36, v25  }
0x10a: {  	v38 =	vld.idx.msk [tilespmem:v38+s18+$0x0], $0xffff;
	v51 =	vor.u32 v32, v29;
	v29 =	vadd.s32 v30, v26;
	v28 =	vor.u32 v37, v25  }
0x10b: {  	v24 =	vadd.s32 v27, v24;
	v25 =	vadd.s32 v36, v30;
	v29 =	vor.u32 v32, v29  }
0x10c: {  	v52 =	vadd.s32 v36, v24;
	v30 =	vor.u32 v37, v25;
	v25 =	vadd.s32 v26, v24;
	v39 =	vld.idx.msk [tilespmem:v39+s18+$0x0], $0xffff  }
0x10d: {  	v27 =	vadd.s32 v27, v31;
	v24 =	vor.u32 v32, v25;
	v25 =	vor.u32 v37, v52  }
0x10e: {  	v26 =	vadd.s32 v27, v26;
	v31 =	vld.idx.msk [tilespmem:v33+s18+$0x0], $0xffff;
	v33 =	vadd.s32 v36, v27  }
0x10f: {  	v27 =	vor.u32 v32, v26;
	v26 =	vor.u32 v37, v33  }
0x110: {  	v32 =	vsub.f32 v34, v38;
	_ =	sdelay $0x1  }
0x111: {  	v32 =	vsub.f32 v32, v39;
	_ =	sdelay $0x1  }
0x112: {  	v31 =	vadd.f32 v31, v32;
	v32 =	vor.u32 $0x1, v22;
	_ =	sdelay $0x1  }
0x113: {  	v31 =	vmul.f32 v23, v31;
	_ =	sdelay $0x1  }
0x114: {  	v31 =	vnsel vm0, $0x0, v31  }
0x115: {  	[tilespmem:v32+s19+$0x0] =	vst.idx.msk $0xffff, v31  }
0x116: {  	v31 =	vld.idx.msk [tilespmem:v43+s18+$0x0], $0xffff  }
0x117: {  	v32 =	vld.idx.msk [tilespmem:v42+s18+$0x0], $0xffff;
	_ =	sdelay $0x1  }
0x118: {  	v33 =	vld.idx.msk [tilespmem:v41+s18+$0x0], $0xffff;
	_ =	sdelay $0x1  }
0x119: {  	v34 =	vld.idx.msk [tilespmem:v35+s18+$0x0], $0xffff;
	_ =	sdelay $0x1  }
0x11a: {  	v31 =	vsub.f32 v31, v32;
	_ =	sdelay $0x1  }
0x11b: {  	v31 =	vsub.f32 v31, v33;
	_ =	sdelay $0x1  }
0x11c: {  	v32 =	vor.u32 $0x2, v22;
	v31 =	vadd.f32 v34, v31;
	_ =	sdelay $0x1  }
0x11d: {  	v31 =	vmul.f32 v23, v31;
	_ =	sdelay $0x1  }
0x11e: {  	v31 =	vnsel vm0, $0x0, v31  }
0x11f: {  	[tilespmem:v32+s19+$0x0] =	vst.idx.msk $0xffff, v31  }
0x120: {  	v31 =	vld.idx.msk [tilespmem:v45+s18+$0x0], $0xffff  }
0x121: {  	v32 =	vld.idx.msk [tilespmem:v46+s18+$0x0], $0xffff;
	_ =	sdelay $0x1  }
0x122: {  	v33 =	vld.idx.msk [tilespmem:v47+s18+$0x0], $0xffff;
	_ =	sdelay $0x1  }
0x123: {  	v34 =	vld.idx.msk [tilespmem:v40+s18+$0x0], $0xffff;
	_ =	sdelay $0x1  }
0x124: {  	v31 =	vsub.f32 v31, v32;
	_ =	sdelay $0x1  }
0x125: {  	v31 =	vsub.f32 v31, v33;
	_ =	sdelay $0x1  }
0x126: {  	v32 =	vor.u32 $0x3, v22;
	v31 =	vadd.f32 v34, v31;
	_ =	sdelay $0x1  }
0x127: {  	v31 =	vmul.f32 v31, v23;
	_ =	sdelay $0x1  }
0x128: {  	v31 =	vnsel vm0, $0x0, v31  }
0x129: {  	[tilespmem:v32+s19+$0x0] =	vst.idx.msk $0xffff, v31  }
0x12a: {  	v31 =	vld.idx.msk [tilespmem:v48+s18+$0x0], $0xffff  }
0x12b: {  	v32 =	vld.idx.msk [tilespmem:v49+s18+$0x0], $0xffff;
	_ =	sdelay $0x1  }
0x12c: {  	v33 =	vld.idx.msk [tilespmem:v44+s18+$0x0], $0xffff;
	_ =	sdelay $0x1  }
0x12d: {  	v34 =	vld.idx.msk [tilespmem:v50+s18+$0x0], $0xffff;
	_ =	sdelay $0x1  }
0x12e: {  	v31 =	vsub.f32 v31, v32;
	_ =	sdelay $0x1  }
0x12f: {  	v31 =	vsub.f32 v31, v33;
	_ =	sdelay $0x1  }
0x130: {  	v32 =	vor.u32 $0x4, v22;
	v31 =	vadd.f32 v34, v31;
	_ =	sdelay $0x1  }
.Ltmp3:
0x131: {  	v31 =	vmul.f32 v31, v23;
	(pc) =	sbr.rel @p1 .LBB2_4-.Ltmp3, $4  }
0x132: {  	_ = 	snop  }
0x133: {  	v31 =	vnsel vm0, $0x0, v31  }
0x134: {  	[tilespmem:v32+s19+$0x0] =	vst.idx.msk $0xffff, v31  }
0x135: {  	v31 =	vld.idx.msk [tilespmem:v51+s18+$0x0], $0xffff  }
0x136: {  	_ =	sdelay $0x3  }
0x137: {  	v29 =	vld.idx.msk [tilespmem:v29+s18+$0x0], $0xffff;
	_ =	sdelay $0x1  }
0x138: {  	v28 =	vld.idx.msk [tilespmem:v28+s18+$0x0], $0xffff;
	_ =	sdelay $0x1  }
0x139: {  	v30 =	vld.idx.msk [tilespmem:v30+s18+$0x0], $0xffff  }
0x13a: {  	v29 =	vsub.f32 v31, v29;
	_ =	sdelay $0x1  }
0x13b: {  	v28 =	vsub.f32 v29, v28;
	_ =	sdelay $0x1  }
0x13c: {  	v29 =	vor.u32 $0x5, v22;
	v28 =	vadd.f32 v30, v28;
	_ =	sdelay $0x1  }
0x13d: {  	v28 =	vmul.f32 v28, v23;
	_ =	sdelay $0x1  }
0x13e: {  	v28 =	vnsel vm0, $0x0, v28  }
0x13f: {  	[tilespmem:v29+s19+$0x0] =	vst.idx.msk $0xffff, v28  }
0x140: {  	v24 =	vld.idx.msk [tilespmem:v24+s18+$0x0], $0xffff  }
0x141: {  	v27 =	vld.idx.msk [tilespmem:v27+s18+$0x0], $0xffff;
	_ =	sdelay $0x1  }
0x142: {  	v25 =	vld.idx.msk [tilespmem:v25+s18+$0x0], $0xffff;
	_ =	sdelay $0x1  }
0x143: {  	v26 =	vld.idx.msk [tilespmem:v26+s18+$0x0], $0xffff  }
0x144: {  	v24 =	vsub.f32 v24, v27;
	_ =	sdelay $0x1  }
0x145: {  	v24 =	vsub.f32 v24, v25;
	_ =	sdelay $0x1  }
0x146: {  	v22 =	vor.u32 $0x6, v22;
	v24 =	vadd.f32 v26, v24;
	_ =	sdelay $0x1  }
0x147: {  	v23 =	vmul.f32 v24, v23;
	_ =	sdelay $0x1  }
0x148: {  	v23 =	vnsel vm0, $0x0, v23  }
0x149: {  	s0 =	simm.s32 $0x0;
	[tilespmem:v22+s19+$0x0] =	vst.idx.msk $0xffff, v23  }
0x14a: {  	v22 =	vor.u32 s0, v20;
	[hbm4b:s5+s0] =	stream.linear.scatter [tilespmem:s19], [sflag:$0x1], $0x9C80, $0x38;
	[tilespmem:$0x1FE30] =	vst v63  }
0x14b: {  	v23 =	vmul.u32 $0x5, v22;
	_ =	swait.ge [sflag:s11], $0x9C80  }
0x14c: {  	[sflag:s11] =	ssyncset.done $0x0  }
0x14d: {  	v24 =	vadd.s32 $0x2, v23;
	[sflag:s11] =	ssyncadd.s32 $0xFFFF6380  }
0x14e: {  	v25 =	vadd.s32 $0x3, v23;
	[tilespmem:s18], [sflag:$0x1] =	stream.strided.gather [hbm4b:s6+s16], $0xFFF0, s17, s16, $0x38;
	[tilespmem:$0x1FE30] =	vst v63  }
0x14f: {  	v26 =	vadd.s32 $0x4, v23;
	_ =	swait.ge [sflag:s11], $0xFFF0  }
0x150: {  	v27 =	vadd.s32 $0x1, v23;
	[sflag:s11] =	ssyncset.done $0x0  }
0x151: {  	[sflag:s11] =	ssyncadd.s32 $0xFFFF0010  }
0x152: {  	v24 =	vld.idx.msk [tilespmem:v24+s1+$0x0], $0xffff  }
0x153: {  	v25 =	vld.idx.msk [tilespmem:v25+s1+$0x0], $0xffff  }
0x154: {  	v26 =	vld.idx.msk [tilespmem:v26+s1+$0x0], $0xffff  }
0x155: {  	v27 =	vld.idx.msk [tilespmem:v27+s1+$0x0], $0xffff;
	_ =	sdelay $0x3  }
0x156: {  	v26 =	vsub.f32 v26, v24  }
0x157: {  	v25 =	vsub.f32 v25, v27  }
0x158: {  	v26 =	vmax.f32 v26, $1.000000010e-01  }
0x159: {  	v23 =	vld.idx.msk [tilespmem:v23+s1+$0x0], $0xffff;
	v25 =	vmax.f32 v25, $1.000000010e-01;
	v26 =	vmul.f32 v26, v18  }
0x15a: {  	v25 =	vmul.f32 v25, v18  }
0x15b: {  	v28 =	vmul.f32 v26, v4;
	v26 =	vmul.f32 v26, v6  }
0x15c: {  	v29 =	vmul.f32 v25, v5;
	v25 =	vmul.f32 v25, v7  }
0x15d: {  	v28 =	vadd.f32 v28, v24;
	v24 =	vadd.f32 v26, v24  }
0x15e: {  	v23 =	vtrunc.f32 v23;
	v26 =	vadd.f32 v29, v27;
	v25 =	vadd.f32 v25, v27  }
0x15f: {  	v23 =	vcvt.f32.s32 v23;
	v27 =	vmax.f32 v28, $0.0e+00;
	v24 =	vmax.f32 v24, $0.0e+00  }
0x160: {  	v25 =	vmax.f32 v25, $0.0e+00;
	v26 =	vmax.f32 v26, $0.0e+00;
	v24 =	vmin.f32 v24, $6.400000000e+01  }
0x161: {  	v27 =	vmin.f32 v27, $6.400000000e+01;
	v25 =	vmin.f32 v25, $6.400000000e+01;
	v28 =	vtrunc.f32 v24  }
0x162: {  	v29 =	vcvt.f32.s32 v28;
	vm0 =	vgt.f32 v24, v28;
	v24 =	vtrunc.f32 v25  }
0x163: {  	v28 =	vsel vm0, $0x1, v21;
	v30 =	vcvt.f32.s32 v24;
	vm0 =	vgt.f32 v25, v24  }
0x164: {  	v24 =	vtrunc.f32 v27;
	v28 =	vadd.s32 v29, v28;
	v25 =	vsel vm0, $0x1, v21  }
0x165: {  	v29 =	vcvt.f32.s32 v24;
	vm0 =	vgt.s32 v23, $0x0;
	v23 =	vmin.f32 v26, $6.400000000e+01  }
0x166: {  	v30 =	vadd.s32 v30, v25;
	v24 =	vmul.u32 $0x48, v28;
	v33 =	vsel vm0, $0x1248, v21  }
0x167: {  	v23 =	vtrunc.f32 v23;
	v25 =	vand.u32 $0xFFFFFFF8, v30;
	v27 =	vmul.u32 $0x48, v29  }
0x168: {  	v28 =	vsub.s32 v28, v29;
	v23 =	vcvt.f32.s32 v23;
	v29 =	vadd.s32 v33, v24  }
0x169: {  	v26 =	vand.u32 $0x7, v30;
	v31 =	vadd.s32 v25, v29;
	v34 =	vadd.s32 v33, v27  }
0x16a: {  	v35 =	vor.u32 v26, v31;
	v31 =	vadd.s32 v34, v25  }
0x16b: {  	v30 =	vsub.s32 v30, v23;
	v32 =	vand.u32 $0xFFFFFFF8, v23;
	v36 =	vor.u32 v26, v31  }
0x16c: {  	v28 =	vmul.u32 v30, v28;
	v31 =	vand.u32 $0x7, v23;
	v23 =	vadd.s32 v32, v29  }
0x16d: {  	v23 =	vor.u32 v31, v23  }
0x16e: {  	vm0 =	vgt.s32 v28, $0x1  }
0x16f: {  	v29 =	vadd.s32 v32, v34;
	v30 =	vnsel vm0, $0x1, v28;
	v38 =	vld.idx.msk [tilespmem:v35+s18+$0x0], $0xffff  }
0x170: {  	v29 =	vor.u32 v31, v29;
	v30 =	vcvt.s32.f32 v30;
	v39 =	vld.idx.msk [tilespmem:v36+s18+$0x0], $0xffff;
	_ =	sdelay $0x1  }
0x171: {  	(erf) = vrcp.f32 v30;
	v23 =	vld.idx.msk [tilespmem:v23+s18+$0x0], $0xffff;
	_ =	sdelay $0x2  }
0x172: {  	v29 =	vld.idx.msk [tilespmem:v29+s18+$0x0], $0xffff;
	v30 =	vsub.f32 v38, v39;
	_ =	sdelay $0x1  }
0x173: {  	v23 =	vsub.f32 v30, v23  }
0x174: {  	v40 =	vor.u32 $0x2490, v33  }
0x175: {  	v22 =	vshll.u32 v22, $0x3;
	v30 =	vadd.s32 v40, v24  }
0x176: {  	v34 =	vadd.s32 v40, v27;
	v41 =	vadd.s32 v25, v30;
	v29 =	vadd.f32 v29, v23  }
0x177: {  	v42 =	vadd.s32 v34, v25;
	v35 =	vor.u32 v26, v41;
	v23 =	vpop (erf)  }
0x178: {  	v36 =	vor.u32 v26, v42;
	v29 =	vmul.f32 v23, v29  }
0x179: {  	vm0 =	vgt.s32 v28, $0x0;
	v30 =	vadd.s32 v32, v30  }
0x17a: {  	v28 =	vor.u32 v31, v30;
	v29 =	vnsel vm0, $0x0, v29  }
0x17b: {  	v30 =	vadd.s32 v32, v34;
	[tilespmem:v22+s19+$0x0] =	vst.idx.msk $0xffff, v29  }
0x17c: {  	v29 =	vor.u32 v31, v30;
	v30 =	vld.idx.msk [tilespmem:v35+s18+$0x0], $0xffff  }
0x17d: {  	v43 =	vld.idx.msk [tilespmem:v36+s18+$0x0], $0xffff;
	_ =	sdelay $0x1  }
0x17e: {  	v28 =	vld.idx.msk [tilespmem:v28+s18+$0x0], $0xffff;
	_ =	sdelay $0x1  }
0x17f: {  	v29 =	vld.idx.msk [tilespmem:v29+s18+$0x0], $0xffff  }
0x180: {  	v30 =	vsub.f32 v30, v43;
	_ =	sdelay $0x1  }
0x181: {  	v44 =	vor.u32 $0x4920, v33;
	v28 =	vsub.f32 v30, v28  }
0x182: {  	v34 =	vadd.s32 v44, v27;
	v30 =	vadd.s32 v44, v24  }
0x183: {  	v45 =	vadd.s32 v25, v30;
	v28 =	vadd.f32 v29, v28;
	v29 =	vor.u32 $0x1, v22  }
0x184: {  	v46 =	vadd.s32 v34, v25;
	v35 =	vor.u32 v26, v45  }
0x185: {  	v36 =	vor.u32 v26, v46;
	v28 =	vmul.f32 v23, v28  }
0x186: {  	v30 =	vadd.s32 v32, v30  }
0x187: {  	v30 =	vor.u32 v31, v30;
	v28 =	vnsel vm0, $0x0, v28  }
0x188: {  	v34 =	vadd.s32 v32, v34;
	[tilespmem:v29+s19+$0x0] =	vst.idx.msk $0xffff, v28  }
0x189: {  	v28 =	vor.u32 v31, v34;
	v29 =	vld.idx.msk [tilespmem:v35+s18+$0x0], $0xffff  }
0x18a: {  	v47 =	vld.idx.msk [tilespmem:v36+s18+$0x0], $0xffff;
	_ =	sdelay $0x1  }
0x18b: {  	v30 =	vld.idx.msk [tilespmem:v30+s18+$0x0], $0xffff;
	_ =	sdelay $0x1  }
0x18c: {  	v28 =	vld.idx.msk [tilespmem:v28+s18+$0x0], $0xffff  }
0x18d: {  	v29 =	vsub.f32 v29, v47;
	_ =	sdelay $0x1  }
0x18e: {  	v48 =	vor.u32 $0x6DB0, v33;
	v29 =	vsub.f32 v29, v30  }
0x18f: {  	v49 =	vadd.s32 v48, v24;
	v34 =	vadd.s32 v48, v27  }
0x190: {  	v30 =	vadd.s32 v25, v49;
	v28 =	vadd.f32 v28, v29;
	v29 =	vor.u32 $0x2, v22  }
0x191: {  	v50 =	vadd.s32 v34, v25;
	v30 =	vor.u32 v26, v30  }
0x192: {  	v36 =	vor.u32 v26, v50;
	v28 =	vmul.f32 v23, v28  }
0x193: {  	v35 =	vadd.s32 v32, v49  }
0x194: {  	v35 =	vor.u32 v31, v35;
	v28 =	vnsel vm0, $0x0, v28  }
0x195: {  	v34 =	vadd.s32 v32, v34;
	[tilespmem:v29+s19+$0x0] =	vst.idx.msk $0xffff, v28  }
0x196: {  	v28 =	vor.u32 v31, v34;
	v29 =	vld.idx.msk [tilespmem:v30+s18+$0x0], $0xffff  }
0x197: {  	v30 =	vld.idx.msk [tilespmem:v36+s18+$0x0], $0xffff;
	_ =	sdelay $0x1  }
0x198: {  	v51 =	vld.idx.msk [tilespmem:v35+s18+$0x0], $0xffff;
	_ =	sdelay $0x1  }
0x199: {  	v28 =	vld.idx.msk [tilespmem:v28+s18+$0x0], $0xffff  }
0x19a: {  	v29 =	vsub.f32 v29, v30;
	_ =	sdelay $0x1  }
0x19b: {  	v30 =	vadd.s32 $0x9240, v33;
	v29 =	vsub.f32 v29, v51  }
0x19c: {  	v52 =	vadd.s32 v30, v24;
	v30 =	vadd.s32 v30, v27  }
0x19d: {  	v53 =	vadd.s32 v25, v52;
	v28 =	vadd.f32 v28, v29;
	v29 =	vor.u32 $0x3, v22  }
0x19e: {  	v54 =	vadd.s32 v30, v25;
	v34 =	vor.u32 v26, v53  }
0x19f: {  	v36 =	vor.u32 v26, v54;
	v28 =	vmul.f32 v28, v23  }
0x1a0: {  	v35 =	vadd.s32 v32, v52  }
0x1a1: {  	v35 =	vor.u32 v31, v35;
	v28 =	vnsel vm0, $0x0, v28  }
0x1a2: {  	v30 =	vadd.s32 v32, v30;
	[tilespmem:v29+s19+$0x0] =	vst.idx.msk $0xffff, v28  }
0x1a3: {  	v28 =	vor.u32 v31, v30;
	v29 =	vld.idx.msk [tilespmem:v34+s18+$0x0], $0xffff  }
0x1a4: {  	v30 =	vld.idx.msk [tilespmem:v36+s18+$0x0], $0xffff;
	_ =	sdelay $0x1  }
0x1a5: {  	v55 =	vld.idx.msk [tilespmem:v35+s18+$0x0], $0xffff;
	_ =	sdelay $0x1  }
0x1a6: {  	v28 =	vld.idx.msk [tilespmem:v28+s18+$0x0], $0xffff  }
0x1a7: {  	v29 =	vsub.f32 v29, v30  }
0x1a8: {  	v38 =	vor.u32 $0x4, v22  }
0x1a9: {  	v30 =	vadd.s32 $0xB6D0, v33;
	v33 =	vadd.s32 $0xDB60, v33;
	v29 =	vsub.f32 v29, v55  }
0x1aa: {  	v56 =	vadd.s32 v30, v24;
	v30 =	vadd.s32 v30, v27;
	v24 =	vadd.s32 v33, v24  }
0x1ab: {  	v27 =	vadd.s32 v33, v27;
	v57 =	vadd.s32 v25, v56;
	v37 =	vadd.f32 v28, v29  }
0x1ac: {  	v35 =	vadd.s32 v32, v56;
	v58 =	vadd.s32 v30, v25;
	v34 =	vor.u32 v26, v57  }
0x1ad: {  	v30 =	vadd.s32 v32, v30;
	v29 =	vor.u32 v26, v58;
	v59 =	vmul.f32 v37, v23  }
0x1ae: {  	v60 =	vadd.s32 v25, v24;
	v61 =	vadd.s32 v32, v24;
	v28 =	vor.u32 v31, v35  }
0x1af: {  	v63 =	vadd.s32 v27, v25;
	v30 =	vor.u32 v31, v30;
	v62 =	vnsel vm0, $0x0, v59  }
0x1b0: {  	v32 =	vadd.s32 v32, v27;
	v24 =	vor.u32 v26, v60;
	[tilespmem:v38+s19+$0x0] =	vst.idx.msk $0xffff, v62  }
0x1b1: {  	s21 =	simm.s32 $0x10;
	v25 =	vor.u32 v31, v61;
	v27 =	vor.u32 v26, v63;
	v26 =	vor.u32 v31, v32;
	v31 =	vld.idx.msk [tilespmem:v34+s18+$0x0], $0xffff  }
.LBB2_6:
0x1b2: {  	p1 =	sne.s32 s21, $0x1380;
	v29 =	vld.idx.msk [tilespmem:v29+s18+$0x0], $0xffff;
	s0 =	smov.u32 s21;
	s21 =	sadd.s32 $0x10, s21  }
0x1b3: {  	v28 =	vld.idx.msk [tilespmem:v28+s18+$0x0], $0xffff  }
0x1b4: {  	v30 =	vld.idx.msk [tilespmem:v30+s18+$0x0], $0xffff;
	_ =	sdelay $0x2  }
0x1b5: {  	v32 =	vor.u32 s0, v20  }
0x1b6: {  	v33 =	vmul.u32 $0x5, v32;
	v29 =	vsub.f32 v31, v29;
	_ =	sdelay $0x1  }
0x1b7: {  	v34 =	vadd.s32 $0x4, v33;
	v31 =	vadd.s32 $0x2, v33;
	v28 =	vsub.f32 v29, v28  }
0x1b8: {  	v35 =	vadd.s32 $0x3, v33;
	v29 =	vadd.s32 $0x1, v33  }
0x1b9: {  	v28 =	vadd.f32 v30, v28;
	v30 =	vor.u32 $0x5, v22;
	_ =	sdelay $0x1  }
0x1ba: {  	v28 =	vmul.f32 v28, v23;
	_ =	sdelay $0x1  }
0x1bb: {  	v28 =	vnsel vm0, $0x0, v28  }
0x1bc: {  	[tilespmem:v30+s19+$0x0] =	vst.idx.msk $0xffff, v28  }
0x1bd: {  	v24 =	vld.idx.msk [tilespmem:v24+s18+$0x0], $0xffff  }
0x1be: {  	v27 =	vld.idx.msk [tilespmem:v27+s18+$0x0], $0xffff  }
0x1bf: {  	v25 =	vld.idx.msk [tilespmem:v25+s18+$0x0], $0xffff  }
0x1c0: {  	v26 =	vld.idx.msk [tilespmem:v26+s18+$0x0], $0xffff;
	_ =	sdelay $0x3  }
0x1c1: {  	v24 =	vsub.f32 v24, v27;
	_ =	sdelay $0x1  }
0x1c2: {  	v24 =	vsub.f32 v24, v25  }
0x1c3: {  	v22 =	vor.u32 $0x6, v22  }
0x1c4: {  	v24 =	vadd.f32 v26, v24;
	_ =	sdelay $0x1  }
0x1c5: {  	v23 =	vmul.f32 v24, v23;
	_ =	sdelay $0x1  }
0x1c6: {  	v23 =	vnsel vm0, $0x0, v23  }
0x1c7: {  	[tilespmem:v22+s19+$0x0] =	vst.idx.msk $0xffff, v23  }
0x1c8: {  	v22 =	vld.idx.msk [tilespmem:v31+s1+$0x0], $0xffff  }
0x1c9: {  	v23 =	vld.idx.msk [tilespmem:v35+s1+$0x0], $0xffff  }
0x1ca: {  	v24 =	vld.idx.msk [tilespmem:v34+s1+$0x0], $0xffff  }
0x1cb: {  	v25 =	vld.idx.msk [tilespmem:v29+s1+$0x0], $0xffff;
	_ =	sdelay $0x4  }
0x1cc: {  	v24 =	vsub.f32 v24, v22  }
0x1cd: {  	v23 =	vsub.f32 v23, v25  }
0x1ce: {  	v24 =	vmax.f32 v24, $1.000000010e-01  }
0x1cf: {  	v23 =	vmax.f32 v23, $1.000000010e-01;
	v24 =	vmul.f32 v24, v18  }
0x1d0: {  	v23 =	vmul.f32 v23, v18  }
0x1d1: {  	v27 =	vmul.f32 v24, v4;
	v24 =	vmul.f32 v24, v6;
	v26 =	vld.idx.msk [tilespmem:v33+s1+$0x0], $0xffff  }
0x1d2: {  	v28 =	vmul.f32 v23, v5;
	v23 =	vmul.f32 v23, v7  }
0x1d3: {  	v27 =	vadd.f32 v27, v22;
	v22 =	vadd.f32 v24, v22  }
0x1d4: {  	v24 =	vadd.f32 v28, v25;
	v23 =	vadd.f32 v23, v25  }
0x1d5: {  	v25 =	vmax.f32 v27, $0.0e+00;
	v22 =	vmax.f32 v22, $0.0e+00  }
0x1d6: {  	v25 =	vmin.f32 v25, $6.400000000e+01;
	v22 =	vmin.f32 v22, $6.400000000e+01;
	v23 =	vmax.f32 v23, $0.0e+00  }
0x1d7: {  	v24 =	vmax.f32 v24, $0.0e+00;
	v23 =	vmin.f32 v23, $6.400000000e+01;
	v27 =	vtrunc.f32 v22  }
0x1d8: {  	v28 =	vcvt.f32.s32 v27;
	vm0 =	vgt.f32 v22, v27;
	v22 =	vtrunc.f32 v23  }
0x1d9: {  	v26 =	vtrunc.f32 v26;
	v27 =	vsel vm0, $0x1, v21;
	v29 =	vcvt.f32.s32 v22  }
0x1da: {  	v25 =	vtrunc.f32 v25;
	vm0 =	vgt.f32 v23, v22;
	v27 =	vadd.s32 v28, v27  }
0x1db: {  	v25 =	vcvt.f32.s32 v25;
	v23 =	vcvt.f32.s32 v26;
	v22 =	vsel vm0, $0x1, v21  }
0x1dc: {  	v28 =	vadd.s32 v29, v22;
	v22 =	vshll.u32 v32, $0x3  }
0x1dd: {  	vm0 =	vgt.s32 v23, $0x0;
	v23 =	vmin.f32 v24, $6.400000000e+01;
	v24 =	vmul.u32 $0x48, v27  }
0x1de: {  	v31 =	vmul.u32 $0x48, v25;
	v26 =	vand.u32 $0xFFFFFFF8, v28;
	v29 =	vsel vm0, $0x1248, v21  }
0x1df: {  	v25 =	vsub.s32 v27, v25;
	v23 =	vtrunc.f32 v23;
	v27 =	vadd.s32 v29, v24  }
0x1e0: {  	v32 =	vand.u32 $0x7, v28;
	v23 =	vcvt.f32.s32 v23;
	v30 =	vadd.s32 v26, v27  }
0x1e1: {  	v33 =	vadd.s32 v29, v31;
	v34 =	vor.u32 $0x2490, v29;
	v30 =	vor.u32 v32, v30  }
0x1e2: {  	v35 =	vadd.s32 v33, v26;
	v28 =	vsub.s32 v28, v23;
	v36 =	vand.u32 $0xFFFFFFF8, v23  }
0x1e3: {  	v35 =	vor.u32 v32, v35;
	v37 =	vand.u32 $0x7, v23;
	v23 =	vadd.s32 v36, v27  }
0x1e4: {  	v25 =	vmul.u32 v28, v25;
	v27 =	vadd.s32 v36, v33;
	v23 =	vor.u32 v37, v23  }
0x1e5: {  	v28 =	vadd.s32 v34, v24;
	v33 =	vadd.s32 v34, v31;
	v27 =	vor.u32 v37, v27  }
0x1e6: {  	v34 =	vadd.s32 v26, v28;
	v28 =	vadd.s32 v36, v28;
	vm0 =	vgt.s32 v25, $0x1;
	v30 =	vld.idx.msk [tilespmem:v30+s18+$0x0], $0xffff  }
0x1e7: {  	v34 =	vor.u32 v32, v34;
	v39 =	vor.u32 v37, v28;
	v38 =	vnsel vm0, $0x1, v25  }
0x1e8: {  	v28 =	vcvt.s32.f32 v38;
	v38 =	vadd.s32 v33, v26;
	v33 =	vadd.s32 v36, v33;
	v35 =	vld.idx.msk [tilespmem:v35+s18+$0x0], $0xffff  }
0x1e9: {  	v40 =	vor.u32 $0x4920, v29;
	v38 =	vor.u32 v32, v38;
	v33 =	vor.u32 v37, v33;
	v23 =	vld.idx.msk [tilespmem:v23+s18+$0x0], $0xffff  }
0x1ea: {  	v41 =	vadd.s32 v40, v24;
	v40 =	vadd.s32 v40, v31;
	(erf) = vrcp.f32 v28  }
0x1eb: {  	v42 =	vadd.s32 v40, v26;
	v28 =	vadd.s32 v26, v41;
	v41 =	vadd.s32 v36, v41  }
0x1ec: {  	v42 =	vor.u32 v32, v42;
	v43 =	vor.u32 v32, v28;
	v41 =	vor.u32 v37, v41;
	v27 =	vld.idx.msk [tilespmem:v27+s18+$0x0], $0xffff  }
0x1ed: {  	v44 =	vadd.s32 $0x9240, v29;
	v28 =	vadd.s32 v36, v40;
	v40 =	vor.u32 $0x6DB0, v29  }
0x1ee: {  	v30 =	vsub.f32 v30, v35;
	v35 =	vor.u32 v37, v28;
	v28 =	vadd.s32 v40, v24  }
0x1ef: {  	v40 =	vadd.s32 v40, v31;
	v45 =	vadd.s32 v26, v28;
	v28 =	vadd.s32 v36, v28  }
0x1f0: {  	v49 =	vsub.f32 v30, v23;
	v45 =	vor.u32 v32, v45;
	v30 =	vadd.s32 v40, v26  }
0x1f1: {  	v47 =	vor.u32 v37, v28;
	v28 =	vadd.s32 v36, v40;
	v46 =	vor.u32 v32, v30  }
0x1f2: {  	v48 =	vadd.s32 v44, v24;
	v40 =	vor.u32 v37, v28;
	v27 =	vadd.f32 v27, v49  }
0x1f3: {  	v28 =	vadd.s32 v26, v48;
	v30 =	vadd.s32 v44, v31;
	v44 =	vadd.s32 v36, v48;
	v23 =	vpop (erf)  }
0x1f4: {  	v48 =	vor.u32 v32, v28;
	v28 =	vadd.s32 v30, v26;
	v27 =	vmul.f32 v23, v27  }
0x1f5: {  	vm0 =	vgt.s32 v25, $0x0;
	v44 =	vor.u32 v37, v44;
	v49 =	vor.u32 v32, v28  }
0x1f6: {  	v28 =	vadd.s32 $0xB6D0, v29;
	v25 =	vnsel vm0, $0x0, v27;
	v27 =	vadd.s32 v36, v30  }
0x1f7: {  	[tilespmem:v22+s19+$0x0] =	vst.idx.msk $0xffff, v25;
	v50 =	vor.u32 v37, v27;
	v25 =	vadd.s32 v28, v24;
	v27 =	vadd.s32 $0xDB60, v29  }
0x1f8: {  	v30 =	vadd.s32 v28, v31;
	v34 =	vld.idx.msk [tilespmem:v34+s18+$0x0], $0xffff;
	v29 =	vadd.s32 v26, v25;
	v25 =	vadd.s32 v36, v25  }
0x1f9: {  	v38 =	vld.idx.msk [tilespmem:v38+s18+$0x0], $0xffff;
	v51 =	vor.u32 v32, v29;
	v29 =	vadd.s32 v30, v26;
	v28 =	vor.u32 v37, v25  }
0x1fa: {  	v24 =	vadd.s32 v27, v24;
	v25 =	vadd.s32 v36, v30;
	v29 =	vor.u32 v32, v29  }
0x1fb: {  	v52 =	vadd.s32 v36, v24;
	v30 =	vor.u32 v37, v25;
	v25 =	vadd.s32 v26, v24;
	v39 =	vld.idx.msk [tilespmem:v39+s18+$0x0], $0xffff  }
0x1fc: {  	v27 =	vadd.s32 v27, v31;
	v24 =	vor.u32 v32, v25;
	v25 =	vor.u32 v37, v52  }
0x1fd: {  	v26 =	vadd.s32 v27, v26;
	v31 =	vld.idx.msk [tilespmem:v33+s18+$0x0], $0xffff;
	v33 =	vadd.s32 v36, v27  }
0x1fe: {  	v27 =	vor.u32 v32, v26;
	v26 =	vor.u32 v37, v33  }
0x1ff: {  	v32 =	vsub.f32 v34, v38;
	_ =	sdelay $0x1  }
0x200: {  	v32 =	vsub.f32 v32, v39;
	_ =	sdelay $0x1  }
0x201: {  	v31 =	vadd.f32 v31, v32;
	v32 =	vor.u32 $0x1, v22;
	_ =	sdelay $0x1  }
0x202: {  	v31 =	vmul.f32 v23, v31;
	_ =	sdelay $0x1  }
0x203: {  	v31 =	vnsel vm0, $0x0, v31  }
0x204: {  	[tilespmem:v32+s19+$0x0] =	vst.idx.msk $0xffff, v31  }
0x205: {  	v31 =	vld.idx.msk [tilespmem:v43+s18+$0x0], $0xffff  }
0x206: {  	v32 =	vld.idx.msk [tilespmem:v42+s18+$0x0], $0xffff;
	_ =	sdelay $0x1  }
0x207: {  	v33 =	vld.idx.msk [tilespmem:v41+s18+$0x0], $0xffff;
	_ =	sdelay $0x1  }
0x208: {  	v34 =	vld.idx.msk [tilespmem:v35+s18+$0x0], $0xffff;
	_ =	sdelay $0x1  }
0x209: {  	v31 =	vsub.f32 v31, v32;
	_ =	sdelay $0x1  }
0x20a: {  	v31 =	vsub.f32 v31, v33;
	_ =	sdelay $0x1  }
0x20b: {  	v32 =	vor.u32 $0x2, v22;
	v31 =	vadd.f32 v34, v31;
	_ =	sdelay $0x1  }
0x20c: {  	v31 =	vmul.f32 v23, v31;
	_ =	sdelay $0x1  }
0x20d: {  	v31 =	vnsel vm0, $0x0, v31  }
0x20e: {  	[tilespmem:v32+s19+$0x0] =	vst.idx.msk $0xffff, v31  }
0x20f: {  	v31 =	vld.idx.msk [tilespmem:v45+s18+$0x0], $0xffff  }
0x210: {  	v32 =	vld.idx.msk [tilespmem:v46+s18+$0x0], $0xffff;
	_ =	sdelay $0x1  }
0x211: {  	v33 =	vld.idx.msk [tilespmem:v47+s18+$0x0], $0xffff;
	_ =	sdelay $0x1  }
0x212: {  	v34 =	vld.idx.msk [tilespmem:v40+s18+$0x0], $0xffff;
	_ =	sdelay $0x1  }
0x213: {  	v31 =	vsub.f32 v31, v32;
	_ =	sdelay $0x1  }
0x214: {  	v31 =	vsub.f32 v31, v33;
	_ =	sdelay $0x1  }
0x215: {  	v32 =	vor.u32 $0x3, v22;
	v31 =	vadd.f32 v34, v31;
	_ =	sdelay $0x1  }
0x216: {  	v31 =	vmul.f32 v31, v23;
	_ =	sdelay $0x1  }
0x217: {  	v31 =	vnsel vm0, $0x0, v31  }
0x218: {  	[tilespmem:v32+s19+$0x0] =	vst.idx.msk $0xffff, v31  }
0x219: {  	v31 =	vld.idx.msk [tilespmem:v48+s18+$0x0], $0xffff  }
0x21a: {  	v32 =	vld.idx.msk [tilespmem:v49+s18+$0x0], $0xffff;
	_ =	sdelay $0x1  }
0x21b: {  	v33 =	vld.idx.msk [tilespmem:v44+s18+$0x0], $0xffff;
	_ =	sdelay $0x1  }
0x21c: {  	v34 =	vld.idx.msk [tilespmem:v50+s18+$0x0], $0xffff;
	_ =	sdelay $0x1  }
0x21d: {  	v31 =	vsub.f32 v31, v32;
	_ =	sdelay $0x1  }
0x21e: {  	v31 =	vsub.f32 v31, v33;
	_ =	sdelay $0x1  }
0x21f: {  	v32 =	vor.u32 $0x4, v22;
	v31 =	vadd.f32 v34, v31;
	_ =	sdelay $0x1  }
.Ltmp4:
0x220: {  	v31 =	vmul.f32 v31, v23;
	(pc) =	sbr.rel @p1 .LBB2_6-.Ltmp4, $4  }
0x221: {  	_ = 	snop  }
0x222: {  	v31 =	vnsel vm0, $0x0, v31  }
0x223: {  	[tilespmem:v32+s19+$0x0] =	vst.idx.msk $0xffff, v31  }
0x224: {  	v31 =	vld.idx.msk [tilespmem:v51+s18+$0x0], $0xffff  }
0x225: {  	_ =	sdelay $0x3  }
0x226: {  	v29 =	vld.idx.msk [tilespmem:v29+s18+$0x0], $0xffff;
	_ =	sdelay $0x1  }
0x227: {  	v28 =	vld.idx.msk [tilespmem:v28+s18+$0x0], $0xffff;
	_ =	sdelay $0x1  }
0x228: {  	v30 =	vld.idx.msk [tilespmem:v30+s18+$0x0], $0xffff  }
0x229: {  	v29 =	vsub.f32 v31, v29;
	_ =	sdelay $0x1  }
0x22a: {  	v28 =	vsub.f32 v29, v28;
	_ =	sdelay $0x1  }
0x22b: {  	v29 =	vor.u32 $0x5, v22;
	v28 =	vadd.f32 v30, v28;
	_ =	sdelay $0x1  }
0x22c: {  	v28 =	vmul.f32 v28, v23;
	_ =	sdelay $0x1  }
0x22d: {  	v28 =	vnsel vm0, $0x0, v28  }
0x22e: {  	[tilespmem:v29+s19+$0x0] =	vst.idx.msk $0xffff, v28  }
0x22f: {  	v24 =	vld.idx.msk [tilespmem:v24+s18+$0x0], $0xffff  }
0x230: {  	v27 =	vld.idx.msk [tilespmem:v27+s18+$0x0], $0xffff;
	_ =	sdelay $0x1  }
0x231: {  	v25 =	vld.idx.msk [tilespmem:v25+s18+$0x0], $0xffff;
	_ =	sdelay $0x1  }
0x232: {  	v26 =	vld.idx.msk [tilespmem:v26+s18+$0x0], $0xffff  }
0x233: {  	v24 =	vsub.f32 v24, v27;
	_ =	sdelay $0x1  }
0x234: {  	v24 =	vsub.f32 v24, v25;
	_ =	sdelay $0x1  }
0x235: {  	v22 =	vor.u32 $0x6, v22;
	v24 =	vadd.f32 v26, v24;
	_ =	sdelay $0x1  }
0x236: {  	v23 =	vmul.f32 v24, v23;
	_ =	sdelay $0x1  }
0x237: {  	v23 =	vnsel vm0, $0x0, v23  }
0x238: {  	s0 =	simm.s32 $0x0;
	[tilespmem:v22+s19+$0x0] =	vst.idx.msk $0xffff, v23  }
0x239: {  	v22 =	vor.u32 s0, v20;
	[hbm4b:s7+s0] =	stream.linear.scatter [tilespmem:s19], [sflag:$0x1], $0x9C80, $0x38;
	[tilespmem:$0x1FE30] =	vst v63  }
0x23a: {  	v23 =	vmul.u32 $0x5, v22;
	_ =	swait.ge [sflag:s11], $0x9C80  }
0x23b: {  	[sflag:s11] =	ssyncset.done $0x0  }
0x23c: {  	v24 =	vadd.s32 $0x2, v23;
	[sflag:s11] =	ssyncadd.s32 $0xFFFF6380  }
0x23d: {  	v25 =	vadd.s32 $0x3, v23;
	[tilespmem:s18], [sflag:$0x1] =	stream.strided.gather [hbm4b:s8+s16], $0xFFF0, s17, s16, $0x38;
	[tilespmem:$0x1FE30] =	vst v63  }
0x23e: {  	v26 =	vadd.s32 $0x4, v23;
	_ =	swait.ge [sflag:s11], $0xFFF0  }
0x23f: {  	v27 =	vadd.s32 $0x1, v23;
	[sflag:s11] =	ssyncset.done $0x0  }
0x240: {  	[sflag:s11] =	ssyncadd.s32 $0xFFFF0010  }
0x241: {  	v24 =	vld.idx.msk [tilespmem:v24+s1+$0x0], $0xffff  }
0x242: {  	v25 =	vld.idx.msk [tilespmem:v25+s1+$0x0], $0xffff  }
0x243: {  	v26 =	vld.idx.msk [tilespmem:v26+s1+$0x0], $0xffff  }
0x244: {  	v27 =	vld.idx.msk [tilespmem:v27+s1+$0x0], $0xffff;
	_ =	sdelay $0x3  }
0x245: {  	v26 =	vsub.f32 v26, v24  }
0x246: {  	v25 =	vsub.f32 v25, v27  }
0x247: {  	v26 =	vmax.f32 v26, $1.000000010e-01  }
0x248: {  	v23 =	vld.idx.msk [tilespmem:v23+s1+$0x0], $0xffff;
	v25 =	vmax.f32 v25, $1.000000010e-01;
	v26 =	vmul.f32 v26, v18  }
0x249: {  	v25 =	vmul.f32 v25, v18  }
0x24a: {  	v28 =	vmul.f32 v26, v8;
	v26 =	vmul.f32 v26, v10  }
0x24b: {  	v29 =	vmul.f32 v25, v9;
	v25 =	vmul.f32 v25, v11  }
0x24c: {  	v28 =	vadd.f32 v28, v24;
	v24 =	vadd.f32 v26, v24  }
0x24d: {  	v23 =	vtrunc.f32 v23;
	v26 =	vadd.f32 v29, v27;
	v25 =	vadd.f32 v25, v27  }
0x24e: {  	v23 =	vcvt.f32.s32 v23;
	v27 =	vmax.f32 v28, $0.0e+00;
	v24 =	vmax.f32 v24, $0.0e+00  }
0x24f: {  	v25 =	vmax.f32 v25, $0.0e+00;
	v26 =	vmax.f32 v26, $0.0e+00;
	v24 =	vmin.f32 v24, $6.400000000e+01  }
0x250: {  	v27 =	vmin.f32 v27, $6.400000000e+01;
	v25 =	vmin.f32 v25, $6.400000000e+01;
	v28 =	vtrunc.f32 v24  }
0x251: {  	v29 =	vcvt.f32.s32 v28;
	vm0 =	vgt.f32 v24, v28;
	v24 =	vtrunc.f32 v25  }
0x252: {  	v28 =	vsel vm0, $0x1, v21;
	v30 =	vcvt.f32.s32 v24;
	vm0 =	vgt.f32 v25, v24  }
0x253: {  	v24 =	vtrunc.f32 v27;
	v28 =	vadd.s32 v29, v28;
	v25 =	vsel vm0, $0x1, v21  }
0x254: {  	v29 =	vcvt.f32.s32 v24;
	vm0 =	vgt.s32 v23, $0x0;
	v23 =	vmin.f32 v26, $6.400000000e+01  }
0x255: {  	v30 =	vadd.s32 v30, v25;
	v24 =	vmul.u32 $0x48, v28;
	v33 =	vsel vm0, $0x1248, v21  }
0x256: {  	v23 =	vtrunc.f32 v23;
	v25 =	vand.u32 $0xFFFFFFF8, v30;
	v27 =	vmul.u32 $0x48, v29  }
0x257: {  	v28 =	vsub.s32 v28, v29;
	v23 =	vcvt.f32.s32 v23;
	v29 =	vadd.s32 v33, v24  }
0x258: {  	v26 =	vand.u32 $0x7, v30;
	v31 =	vadd.s32 v25, v29;
	v34 =	vadd.s32 v33, v27  }
0x259: {  	v35 =	vor.u32 v26, v31;
	v31 =	vadd.s32 v34, v25  }
0x25a: {  	v30 =	vsub.s32 v30, v23;
	v32 =	vand.u32 $0xFFFFFFF8, v23;
	v36 =	vor.u32 v26, v31  }
0x25b: {  	v28 =	vmul.u32 v30, v28;
	v31 =	vand.u32 $0x7, v23;
	v23 =	vadd.s32 v32, v29  }
0x25c: {  	v23 =	vor.u32 v31, v23  }
0x25d: {  	vm0 =	vgt.s32 v28, $0x1  }
0x25e: {  	v29 =	vadd.s32 v32, v34;
	v30 =	vnsel vm0, $0x1, v28;
	v38 =	vld.idx.msk [tilespmem:v35+s18+$0x0], $0xffff  }
0x25f: {  	v29 =	vor.u32 v31, v29;
	v30 =	vcvt.s32.f32 v30;
	v39 =	vld.idx.msk [tilespmem:v36+s18+$0x0], $0xffff;
	_ =	sdelay $0x1  }
0x260: {  	(erf) = vrcp.f32 v30;
	v23 =	vld.idx.msk [tilespmem:v23+s18+$0x0], $0xffff;
	_ =	sdelay $0x2  }
0x261: {  	v29 =	vld.idx.msk [tilespmem:v29+s18+$0x0], $0xffff;
	v30 =	vsub.f32 v38, v39;
	_ =	sdelay $0x1  }
0x262: {  	v23 =	vsub.f32 v30, v23  }
0x263: {  	v40 =	vor.u32 $0x2490, v33  }
0x264: {  	v22 =	vshll.u32 v22, $0x3;
	v30 =	vadd.s32 v40, v24  }
0x265: {  	v34 =	vadd.s32 v40, v27;
	v41 =	vadd.s32 v25, v30;
	v29 =	vadd.f32 v29, v23  }
0x266: {  	v42 =	vadd.s32 v34, v25;
	v35 =	vor.u32 v26, v41;
	v23 =	vpop (erf)  }
0x267: {  	v36 =	vor.u32 v26, v42;
	v29 =	vmul.f32 v23, v29  }
0x268: {  	vm0 =	vgt.s32 v28, $0x0;
	v30 =	vadd.s32 v32, v30  }
0x269: {  	v28 =	vor.u32 v31, v30;
	v29 =	vnsel vm0, $0x0, v29  }
0x26a: {  	v30 =	vadd.s32 v32, v34;
	[tilespmem:v22+s19+$0x0] =	vst.idx.msk $0xffff, v29  }
0x26b: {  	v29 =	vor.u32 v31, v30;
	v30 =	vld.idx.msk [tilespmem:v35+s18+$0x0], $0xffff  }
0x26c: {  	v43 =	vld.idx.msk [tilespmem:v36+s18+$0x0], $0xffff;
	_ =	sdelay $0x1  }
0x26d: {  	v28 =	vld.idx.msk [tilespmem:v28+s18+$0x0], $0xffff;
	_ =	sdelay $0x1  }
0x26e: {  	v29 =	vld.idx.msk [tilespmem:v29+s18+$0x0], $0xffff  }
0x26f: {  	v30 =	vsub.f32 v30, v43;
	_ =	sdelay $0x1  }
0x270: {  	v44 =	vor.u32 $0x4920, v33;
	v28 =	vsub.f32 v30, v28  }
0x271: {  	v34 =	vadd.s32 v44, v27;
	v30 =	vadd.s32 v44, v24  }
0x272: {  	v45 =	vadd.s32 v25, v30;
	v28 =	vadd.f32 v29, v28;
	v29 =	vor.u32 $0x1, v22  }
0x273: {  	v46 =	vadd.s32 v34, v25;
	v35 =	vor.u32 v26, v45  }
0x274: {  	v36 =	vor.u32 v26, v46;
	v28 =	vmul.f32 v23, v28  }
0x275: {  	v30 =	vadd.s32 v32, v30  }
0x276: {  	v30 =	vor.u32 v31, v30;
	v28 =	vnsel vm0, $0x0, v28  }
0x277: {  	v34 =	vadd.s32 v32, v34;
	[tilespmem:v29+s19+$0x0] =	vst.idx.msk $0xffff, v28  }
0x278: {  	v28 =	vor.u32 v31, v34;
	v29 =	vld.idx.msk [tilespmem:v35+s18+$0x0], $0xffff  }
0x279: {  	v47 =	vld.idx.msk [tilespmem:v36+s18+$0x0], $0xffff;
	_ =	sdelay $0x1  }
0x27a: {  	v30 =	vld.idx.msk [tilespmem:v30+s18+$0x0], $0xffff;
	_ =	sdelay $0x1  }
0x27b: {  	v28 =	vld.idx.msk [tilespmem:v28+s18+$0x0], $0xffff  }
0x27c: {  	v29 =	vsub.f32 v29, v47;
	_ =	sdelay $0x1  }
0x27d: {  	v48 =	vor.u32 $0x6DB0, v33;
	v29 =	vsub.f32 v29, v30  }
0x27e: {  	v49 =	vadd.s32 v48, v24;
	v34 =	vadd.s32 v48, v27  }
0x27f: {  	v30 =	vadd.s32 v25, v49;
	v28 =	vadd.f32 v28, v29;
	v29 =	vor.u32 $0x2, v22  }
0x280: {  	v50 =	vadd.s32 v34, v25;
	v30 =	vor.u32 v26, v30  }
0x281: {  	v36 =	vor.u32 v26, v50;
	v28 =	vmul.f32 v23, v28  }
0x282: {  	v35 =	vadd.s32 v32, v49  }
0x283: {  	v35 =	vor.u32 v31, v35;
	v28 =	vnsel vm0, $0x0, v28  }
0x284: {  	v34 =	vadd.s32 v32, v34;
	[tilespmem:v29+s19+$0x0] =	vst.idx.msk $0xffff, v28  }
0x285: {  	v28 =	vor.u32 v31, v34;
	v29 =	vld.idx.msk [tilespmem:v30+s18+$0x0], $0xffff  }
0x286: {  	v30 =	vld.idx.msk [tilespmem:v36+s18+$0x0], $0xffff;
	_ =	sdelay $0x1  }
0x287: {  	v51 =	vld.idx.msk [tilespmem:v35+s18+$0x0], $0xffff;
	_ =	sdelay $0x1  }
0x288: {  	v28 =	vld.idx.msk [tilespmem:v28+s18+$0x0], $0xffff  }
0x289: {  	v29 =	vsub.f32 v29, v30;
	_ =	sdelay $0x1  }
0x28a: {  	v30 =	vadd.s32 $0x9240, v33;
	v29 =	vsub.f32 v29, v51  }
0x28b: {  	v52 =	vadd.s32 v30, v24;
	v30 =	vadd.s32 v30, v27  }
0x28c: {  	v53 =	vadd.s32 v25, v52;
	v28 =	vadd.f32 v28, v29;
	v29 =	vor.u32 $0x3, v22  }
0x28d: {  	v54 =	vadd.s32 v30, v25;
	v34 =	vor.u32 v26, v53  }
0x28e: {  	v36 =	vor.u32 v26, v54;
	v28 =	vmul.f32 v28, v23  }
0x28f: {  	v35 =	vadd.s32 v32, v52  }
0x290: {  	v35 =	vor.u32 v31, v35;
	v28 =	vnsel vm0, $0x0, v28  }
0x291: {  	v30 =	vadd.s32 v32, v30;
	[tilespmem:v29+s19+$0x0] =	vst.idx.msk $0xffff, v28  }
0x292: {  	v28 =	vor.u32 v31, v30;
	v29 =	vld.idx.msk [tilespmem:v34+s18+$0x0], $0xffff  }
0x293: {  	v30 =	vld.idx.msk [tilespmem:v36+s18+$0x0], $0xffff;
	_ =	sdelay $0x1  }
0x294: {  	v55 =	vld.idx.msk [tilespmem:v35+s18+$0x0], $0xffff;
	_ =	sdelay $0x1  }
0x295: {  	v28 =	vld.idx.msk [tilespmem:v28+s18+$0x0], $0xffff  }
0x296: {  	v29 =	vsub.f32 v29, v30  }
0x297: {  	v38 =	vor.u32 $0x4, v22  }
0x298: {  	v30 =	vadd.s32 $0xB6D0, v33;
	v33 =	vadd.s32 $0xDB60, v33;
	v29 =	vsub.f32 v29, v55  }
0x299: {  	v56 =	vadd.s32 v30, v24;
	v30 =	vadd.s32 v30, v27;
	v24 =	vadd.s32 v33, v24  }
0x29a: {  	v27 =	vadd.s32 v33, v27;
	v57 =	vadd.s32 v25, v56;
	v37 =	vadd.f32 v28, v29  }
0x29b: {  	v35 =	vadd.s32 v32, v56;
	v58 =	vadd.s32 v30, v25;
	v34 =	vor.u32 v26, v57  }
0x29c: {  	v30 =	vadd.s32 v32, v30;
	v29 =	vor.u32 v26, v58;
	v59 =	vmul.f32 v37, v23  }
0x29d: {  	v60 =	vadd.s32 v25, v24;
	v61 =	vadd.s32 v32, v24;
	v28 =	vor.u32 v31, v35  }
0x29e: {  	v63 =	vadd.s32 v27, v25;
	v30 =	vor.u32 v31, v30;
	v62 =	vnsel vm0, $0x0, v59  }
0x29f: {  	v32 =	vadd.s32 v32, v27;
	v24 =	vor.u32 v26, v60;
	[tilespmem:v38+s19+$0x0] =	vst.idx.msk $0xffff, v62  }
0x2a0: {  	s21 =	simm.s32 $0x10;
	v25 =	vor.u32 v31, v61;
	v27 =	vor.u32 v26, v63;
	v26 =	vor.u32 v31, v32;
	v31 =	vld.idx.msk [tilespmem:v34+s18+$0x0], $0xffff  }
.LBB2_8:
0x2a1: {  	p1 =	sne.s32 s21, $0x1380;
	v29 =	vld.idx.msk [tilespmem:v29+s18+$0x0], $0xffff;
	s0 =	smov.u32 s21;
	s21 =	sadd.s32 $0x10, s21  }
0x2a2: {  	v28 =	vld.idx.msk [tilespmem:v28+s18+$0x0], $0xffff  }
0x2a3: {  	v30 =	vld.idx.msk [tilespmem:v30+s18+$0x0], $0xffff;
	_ =	sdelay $0x2  }
0x2a4: {  	v32 =	vor.u32 s0, v20  }
0x2a5: {  	v33 =	vmul.u32 $0x5, v32;
	v29 =	vsub.f32 v31, v29;
	_ =	sdelay $0x1  }
0x2a6: {  	v34 =	vadd.s32 $0x4, v33;
	v31 =	vadd.s32 $0x2, v33;
	v28 =	vsub.f32 v29, v28  }
0x2a7: {  	v35 =	vadd.s32 $0x3, v33;
	v29 =	vadd.s32 $0x1, v33  }
0x2a8: {  	v28 =	vadd.f32 v30, v28;
	v30 =	vor.u32 $0x5, v22;
	_ =	sdelay $0x1  }
0x2a9: {  	v28 =	vmul.f32 v28, v23;
	_ =	sdelay $0x1  }
0x2aa: {  	v28 =	vnsel vm0, $0x0, v28  }
0x2ab: {  	[tilespmem:v30+s19+$0x0] =	vst.idx.msk $0xffff, v28  }
0x2ac: {  	v24 =	vld.idx.msk [tilespmem:v24+s18+$0x0], $0xffff  }
0x2ad: {  	v27 =	vld.idx.msk [tilespmem:v27+s18+$0x0], $0xffff  }
0x2ae: {  	v25 =	vld.idx.msk [tilespmem:v25+s18+$0x0], $0xffff  }
0x2af: {  	v26 =	vld.idx.msk [tilespmem:v26+s18+$0x0], $0xffff;
	_ =	sdelay $0x3  }
0x2b0: {  	v24 =	vsub.f32 v24, v27;
	_ =	sdelay $0x1  }
0x2b1: {  	v24 =	vsub.f32 v24, v25  }
0x2b2: {  	v22 =	vor.u32 $0x6, v22  }
0x2b3: {  	v24 =	vadd.f32 v26, v24;
	_ =	sdelay $0x1  }
0x2b4: {  	v23 =	vmul.f32 v24, v23;
	_ =	sdelay $0x1  }
0x2b5: {  	v23 =	vnsel vm0, $0x0, v23  }
0x2b6: {  	[tilespmem:v22+s19+$0x0] =	vst.idx.msk $0xffff, v23  }
0x2b7: {  	v22 =	vld.idx.msk [tilespmem:v31+s1+$0x0], $0xffff  }
0x2b8: {  	v23 =	vld.idx.msk [tilespmem:v35+s1+$0x0], $0xffff  }
0x2b9: {  	v24 =	vld.idx.msk [tilespmem:v34+s1+$0x0], $0xffff  }
0x2ba: {  	v25 =	vld.idx.msk [tilespmem:v29+s1+$0x0], $0xffff;
	_ =	sdelay $0x4  }
0x2bb: {  	v24 =	vsub.f32 v24, v22  }
0x2bc: {  	v23 =	vsub.f32 v23, v25  }
0x2bd: {  	v24 =	vmax.f32 v24, $1.000000010e-01  }
0x2be: {  	v23 =	vmax.f32 v23, $1.000000010e-01;
	v24 =	vmul.f32 v24, v18  }
0x2bf: {  	v23 =	vmul.f32 v23, v18  }
0x2c0: {  	v27 =	vmul.f32 v24, v8;
	v24 =	vmul.f32 v24, v10;
	v26 =	vld.idx.msk [tilespmem:v33+s1+$0x0], $0xffff  }
0x2c1: {  	v28 =	vmul.f32 v23, v9;
	v23 =	vmul.f32 v23, v11  }
0x2c2: {  	v27 =	vadd.f32 v27, v22;
	v22 =	vadd.f32 v24, v22  }
0x2c3: {  	v24 =	vadd.f32 v28, v25;
	v23 =	vadd.f32 v23, v25  }
0x2c4: {  	v25 =	vmax.f32 v27, $0.0e+00;
	v22 =	vmax.f32 v22, $0.0e+00  }
0x2c5: {  	v25 =	vmin.f32 v25, $6.400000000e+01;
	v22 =	vmin.f32 v22, $6.400000000e+01;
	v23 =	vmax.f32 v23, $0.0e+00  }
0x2c6: {  	v24 =	vmax.f32 v24, $0.0e+00;
	v23 =	vmin.f32 v23, $6.400000000e+01;
	v27 =	vtrunc.f32 v22  }
0x2c7: {  	v28 =	vcvt.f32.s32 v27;
	vm0 =	vgt.f32 v22, v27;
	v22 =	vtrunc.f32 v23  }
0x2c8: {  	v26 =	vtrunc.f32 v26;
	v27 =	vsel vm0, $0x1, v21;
	v29 =	vcvt.f32.s32 v22  }
0x2c9: {  	v25 =	vtrunc.f32 v25;
	vm0 =	vgt.f32 v23, v22;
	v27 =	vadd.s32 v28, v27  }
0x2ca: {  	v25 =	vcvt.f32.s32 v25;
	v23 =	vcvt.f32.s32 v26;
	v22 =	vsel vm0, $0x1, v21  }
0x2cb: {  	v28 =	vadd.s32 v29, v22;
	v22 =	vshll.u32 v32, $0x3  }
0x2cc: {  	vm0 =	vgt.s32 v23, $0x0;
	v23 =	vmin.f32 v24, $6.400000000e+01;
	v24 =	vmul.u32 $0x48, v27  }
0x2cd: {  	v31 =	vmul.u32 $0x48, v25;
	v26 =	vand.u32 $0xFFFFFFF8, v28;
	v29 =	vsel vm0, $0x1248, v21  }
0x2ce: {  	v25 =	vsub.s32 v27, v25;
	v23 =	vtrunc.f32 v23;
	v27 =	vadd.s32 v29, v24  }
0x2cf: {  	v32 =	vand.u32 $0x7, v28;
	v23 =	vcvt.f32.s32 v23;
	v30 =	vadd.s32 v26, v27  }
0x2d0: {  	v33 =	vadd.s32 v29, v31;
	v34 =	vor.u32 $0x2490, v29;
	v30 =	vor.u32 v32, v30  }
0x2d1: {  	v35 =	vadd.s32 v33, v26;
	v28 =	vsub.s32 v28, v23;
	v36 =	vand.u32 $0xFFFFFFF8, v23  }
0x2d2: {  	v35 =	vor.u32 v32, v35;
	v37 =	vand.u32 $0x7, v23;
	v23 =	vadd.s32 v36, v27  }
0x2d3: {  	v25 =	vmul.u32 v28, v25;
	v27 =	vadd.s32 v36, v33;
	v23 =	vor.u32 v37, v23  }
0x2d4: {  	v28 =	vadd.s32 v34, v24;
	v33 =	vadd.s32 v34, v31;
	v27 =	vor.u32 v37, v27  }
0x2d5: {  	v34 =	vadd.s32 v26, v28;
	v28 =	vadd.s32 v36, v28;
	vm0 =	vgt.s32 v25, $0x1;
	v30 =	vld.idx.msk [tilespmem:v30+s18+$0x0], $0xffff  }
0x2d6: {  	v34 =	vor.u32 v32, v34;
	v39 =	vor.u32 v37, v28;
	v38 =	vnsel vm0, $0x1, v25  }
0x2d7: {  	v28 =	vcvt.s32.f32 v38;
	v38 =	vadd.s32 v33, v26;
	v33 =	vadd.s32 v36, v33;
	v35 =	vld.idx.msk [tilespmem:v35+s18+$0x0], $0xffff  }
0x2d8: {  	v40 =	vor.u32 $0x4920, v29;
	v38 =	vor.u32 v32, v38;
	v33 =	vor.u32 v37, v33;
	v23 =	vld.idx.msk [tilespmem:v23+s18+$0x0], $0xffff  }
0x2d9: {  	v41 =	vadd.s32 v40, v24;
	v40 =	vadd.s32 v40, v31;
	(erf) = vrcp.f32 v28  }
0x2da: {  	v42 =	vadd.s32 v40, v26;
	v28 =	vadd.s32 v26, v41;
	v41 =	vadd.s32 v36, v41  }
0x2db: {  	v42 =	vor.u32 v32, v42;
	v43 =	vor.u32 v32, v28;
	v41 =	vor.u32 v37, v41;
	v27 =	vld.idx.msk [tilespmem:v27+s18+$0x0], $0xffff  }
0x2dc: {  	v44 =	vadd.s32 $0x9240, v29;
	v28 =	vadd.s32 v36, v40;
	v40 =	vor.u32 $0x6DB0, v29  }
0x2dd: {  	v30 =	vsub.f32 v30, v35;
	v35 =	vor.u32 v37, v28;
	v28 =	vadd.s32 v40, v24  }
0x2de: {  	v40 =	vadd.s32 v40, v31;
	v45 =	vadd.s32 v26, v28;
	v28 =	vadd.s32 v36, v28  }
0x2df: {  	v49 =	vsub.f32 v30, v23;
	v45 =	vor.u32 v32, v45;
	v30 =	vadd.s32 v40, v26  }
0x2e0: {  	v47 =	vor.u32 v37, v28;
	v28 =	vadd.s32 v36, v40;
	v46 =	vor.u32 v32, v30  }
0x2e1: {  	v48 =	vadd.s32 v44, v24;
	v40 =	vor.u32 v37, v28;
	v27 =	vadd.f32 v27, v49  }
0x2e2: {  	v28 =	vadd.s32 v26, v48;
	v30 =	vadd.s32 v44, v31;
	v44 =	vadd.s32 v36, v48;
	v23 =	vpop (erf)  }
0x2e3: {  	v48 =	vor.u32 v32, v28;
	v28 =	vadd.s32 v30, v26;
	v27 =	vmul.f32 v23, v27  }
0x2e4: {  	vm0 =	vgt.s32 v25, $0x0;
	v44 =	vor.u32 v37, v44;
	v49 =	vor.u32 v32, v28  }
0x2e5: {  	v28 =	vadd.s32 $0xB6D0, v29;
	v25 =	vnsel vm0, $0x0, v27;
	v27 =	vadd.s32 v36, v30  }
0x2e6: {  	[tilespmem:v22+s19+$0x0] =	vst.idx.msk $0xffff, v25;
	v50 =	vor.u32 v37, v27;
	v25 =	vadd.s32 v28, v24;
	v27 =	vadd.s32 $0xDB60, v29  }
0x2e7: {  	v30 =	vadd.s32 v28, v31;
	v34 =	vld.idx.msk [tilespmem:v34+s18+$0x0], $0xffff;
	v29 =	vadd.s32 v26, v25;
	v25 =	vadd.s32 v36, v25  }
0x2e8: {  	v38 =	vld.idx.msk [tilespmem:v38+s18+$0x0], $0xffff;
	v51 =	vor.u32 v32, v29;
	v29 =	vadd.s32 v30, v26;
	v28 =	vor.u32 v37, v25  }
0x2e9: {  	v24 =	vadd.s32 v27, v24;
	v25 =	vadd.s32 v36, v30;
	v29 =	vor.u32 v32, v29  }
0x2ea: {  	v52 =	vadd.s32 v36, v24;
	v30 =	vor.u32 v37, v25;
	v25 =	vadd.s32 v26, v24;
	v39 =	vld.idx.msk [tilespmem:v39+s18+$0x0], $0xffff  }
0x2eb: {  	v27 =	vadd.s32 v27, v31;
	v24 =	vor.u32 v32, v25;
	v25 =	vor.u32 v37, v52  }
0x2ec: {  	v26 =	vadd.s32 v27, v26;
	v31 =	vld.idx.msk [tilespmem:v33+s18+$0x0], $0xffff;
	v33 =	vadd.s32 v36, v27  }
0x2ed: {  	v27 =	vor.u32 v32, v26;
	v26 =	vor.u32 v37, v33  }
0x2ee: {  	v32 =	vsub.f32 v34, v38;
	_ =	sdelay $0x1  }
0x2ef: {  	v32 =	vsub.f32 v32, v39;
	_ =	sdelay $0x1  }
0x2f0: {  	v31 =	vadd.f32 v31, v32;
	v32 =	vor.u32 $0x1, v22;
	_ =	sdelay $0x1  }
0x2f1: {  	v31 =	vmul.f32 v23, v31;
	_ =	sdelay $0x1  }
0x2f2: {  	v31 =	vnsel vm0, $0x0, v31  }
0x2f3: {  	[tilespmem:v32+s19+$0x0] =	vst.idx.msk $0xffff, v31  }
0x2f4: {  	v31 =	vld.idx.msk [tilespmem:v43+s18+$0x0], $0xffff  }
0x2f5: {  	v32 =	vld.idx.msk [tilespmem:v42+s18+$0x0], $0xffff;
	_ =	sdelay $0x1  }
0x2f6: {  	v33 =	vld.idx.msk [tilespmem:v41+s18+$0x0], $0xffff;
	_ =	sdelay $0x1  }
0x2f7: {  	v34 =	vld.idx.msk [tilespmem:v35+s18+$0x0], $0xffff;
	_ =	sdelay $0x1  }
0x2f8: {  	v31 =	vsub.f32 v31, v32;
	_ =	sdelay $0x1  }
0x2f9: {  	v31 =	vsub.f32 v31, v33;
	_ =	sdelay $0x1  }
0x2fa: {  	v32 =	vor.u32 $0x2, v22;
	v31 =	vadd.f32 v34, v31;
	_ =	sdelay $0x1  }
0x2fb: {  	v31 =	vmul.f32 v23, v31;
	_ =	sdelay $0x1  }
0x2fc: {  	v31 =	vnsel vm0, $0x0, v31  }
0x2fd: {  	[tilespmem:v32+s19+$0x0] =	vst.idx.msk $0xffff, v31  }
0x2fe: {  	v31 =	vld.idx.msk [tilespmem:v45+s18+$0x0], $0xffff  }
0x2ff: {  	v32 =	vld.idx.msk [tilespmem:v46+s18+$0x0], $0xffff;
	_ =	sdelay $0x1  }
0x300: {  	v33 =	vld.idx.msk [tilespmem:v47+s18+$0x0], $0xffff;
	_ =	sdelay $0x1  }
0x301: {  	v34 =	vld.idx.msk [tilespmem:v40+s18+$0x0], $0xffff;
	_ =	sdelay $0x1  }
0x302: {  	v31 =	vsub.f32 v31, v32;
	_ =	sdelay $0x1  }
0x303: {  	v31 =	vsub.f32 v31, v33;
	_ =	sdelay $0x1  }
0x304: {  	v32 =	vor.u32 $0x3, v22;
	v31 =	vadd.f32 v34, v31;
	_ =	sdelay $0x1  }
0x305: {  	v31 =	vmul.f32 v31, v23;
	_ =	sdelay $0x1  }
0x306: {  	v31 =	vnsel vm0, $0x0, v31  }
0x307: {  	[tilespmem:v32+s19+$0x0] =	vst.idx.msk $0xffff, v31  }
0x308: {  	v31 =	vld.idx.msk [tilespmem:v48+s18+$0x0], $0xffff  }
0x309: {  	v32 =	vld.idx.msk [tilespmem:v49+s18+$0x0], $0xffff;
	_ =	sdelay $0x1  }
0x30a: {  	v33 =	vld.idx.msk [tilespmem:v44+s18+$0x0], $0xffff;
	_ =	sdelay $0x1  }
0x30b: {  	v34 =	vld.idx.msk [tilespmem:v50+s18+$0x0], $0xffff;
	_ =	sdelay $0x1  }
0x30c: {  	v31 =	vsub.f32 v31, v32;
	_ =	sdelay $0x1  }
0x30d: {  	v31 =	vsub.f32 v31, v33;
	_ =	sdelay $0x1  }
0x30e: {  	v32 =	vor.u32 $0x4, v22;
	v31 =	vadd.f32 v34, v31;
	_ =	sdelay $0x1  }
.Ltmp5:
0x30f: {  	v31 =	vmul.f32 v31, v23;
	(pc) =	sbr.rel @p1 .LBB2_8-.Ltmp5, $4  }
0x310: {  	_ = 	snop  }
0x311: {  	v31 =	vnsel vm0, $0x0, v31  }
0x312: {  	[tilespmem:v32+s19+$0x0] =	vst.idx.msk $0xffff, v31  }
0x313: {  	v31 =	vld.idx.msk [tilespmem:v51+s18+$0x0], $0xffff  }
0x314: {  	_ =	sdelay $0x3  }
0x315: {  	v29 =	vld.idx.msk [tilespmem:v29+s18+$0x0], $0xffff;
	_ =	sdelay $0x1  }
0x316: {  	v28 =	vld.idx.msk [tilespmem:v28+s18+$0x0], $0xffff;
	_ =	sdelay $0x1  }
0x317: {  	v30 =	vld.idx.msk [tilespmem:v30+s18+$0x0], $0xffff  }
0x318: {  	v29 =	vsub.f32 v31, v29;
	_ =	sdelay $0x1  }
0x319: {  	v28 =	vsub.f32 v29, v28;
	_ =	sdelay $0x1  }
0x31a: {  	v29 =	vor.u32 $0x5, v22;
	v28 =	vadd.f32 v30, v28;
	_ =	sdelay $0x1  }
0x31b: {  	v28 =	vmul.f32 v28, v23;
	_ =	sdelay $0x1  }
0x31c: {  	v28 =	vnsel vm0, $0x0, v28  }
0x31d: {  	[tilespmem:v29+s19+$0x0] =	vst.idx.msk $0xffff, v28  }
0x31e: {  	v24 =	vld.idx.msk [tilespmem:v24+s18+$0x0], $0xffff  }
0x31f: {  	v27 =	vld.idx.msk [tilespmem:v27+s18+$0x0], $0xffff;
	_ =	sdelay $0x1  }
0x320: {  	v25 =	vld.idx.msk [tilespmem:v25+s18+$0x0], $0xffff;
	_ =	sdelay $0x1  }
0x321: {  	v26 =	vld.idx.msk [tilespmem:v26+s18+$0x0], $0xffff  }
0x322: {  	v24 =	vsub.f32 v24, v27;
	_ =	sdelay $0x1  }
0x323: {  	v24 =	vsub.f32 v24, v25;
	_ =	sdelay $0x1  }
0x324: {  	v22 =	vor.u32 $0x6, v22;
	v24 =	vadd.f32 v26, v24;
	_ =	sdelay $0x1  }
0x325: {  	v23 =	vmul.f32 v24, v23;
	_ =	sdelay $0x1  }
0x326: {  	v23 =	vnsel vm0, $0x0, v23  }
0x327: {  	s0 =	simm.s32 $0x0;
	[tilespmem:v22+s19+$0x0] =	vst.idx.msk $0xffff, v23  }
0x328: {  	v22 =	vor.u32 s0, v20;
	[hbm4b:s9+s0] =	stream.linear.scatter [tilespmem:s19], [sflag:$0x1], $0x9C80, $0x38;
	[tilespmem:$0x1FE30] =	vst v63  }
0x329: {  	v23 =	vmul.u32 $0x5, v22;
	_ =	swait.ge [sflag:s11], $0x9C80  }
0x32a: {  	[sflag:s11] =	ssyncset.done $0x0  }
0x32b: {  	v24 =	vadd.s32 $0x2, v23;
	[sflag:s11] =	ssyncadd.s32 $0xFFFF6380  }
0x32c: {  	v25 =	vadd.s32 $0x3, v23;
	[tilespmem:s18], [sflag:$0x1] =	stream.strided.gather [hbm4b:s10+s16], $0xFFF0, s17, s16, $0x38;
	[tilespmem:$0x1FE30] =	vst v63  }
0x32d: {  	v26 =	vadd.s32 $0x4, v23;
	_ =	swait.ge [sflag:s11], $0xFFF0  }
0x32e: {  	v27 =	vadd.s32 $0x1, v23;
	[sflag:s11] =	ssyncset.done $0x0  }
0x32f: {  	[sflag:s11] =	ssyncadd.s32 $0xFFFF0010  }
0x330: {  	v24 =	vld.idx.msk [tilespmem:v24+s1+$0x0], $0xffff  }
0x331: {  	v25 =	vld.idx.msk [tilespmem:v25+s1+$0x0], $0xffff  }
0x332: {  	v26 =	vld.idx.msk [tilespmem:v26+s1+$0x0], $0xffff  }
0x333: {  	v27 =	vld.idx.msk [tilespmem:v27+s1+$0x0], $0xffff;
	_ =	sdelay $0x3  }
0x334: {  	v26 =	vsub.f32 v26, v24  }
0x335: {  	v25 =	vsub.f32 v25, v27  }
0x336: {  	v26 =	vmax.f32 v26, $1.000000010e-01  }
0x337: {  	v23 =	vld.idx.msk [tilespmem:v23+s1+$0x0], $0xffff;
	v25 =	vmax.f32 v25, $1.000000010e-01;
	v26 =	vmul.f32 v26, v18  }
0x338: {  	v25 =	vmul.f32 v25, v18  }
0x339: {  	v28 =	vmul.f32 v26, v12;
	v26 =	vmul.f32 v26, v14  }
0x33a: {  	v29 =	vmul.f32 v25, v13;
	v25 =	vmul.f32 v25, v15  }
0x33b: {  	v28 =	vadd.f32 v28, v24;
	v24 =	vadd.f32 v26, v24  }
0x33c: {  	v23 =	vtrunc.f32 v23;
	v26 =	vadd.f32 v29, v27;
	v25 =	vadd.f32 v25, v27  }
0x33d: {  	v23 =	vcvt.f32.s32 v23;
	v27 =	vmax.f32 v28, $0.0e+00;
	v24 =	vmax.f32 v24, $0.0e+00  }
0x33e: {  	v25 =	vmax.f32 v25, $0.0e+00;
	v26 =	vmax.f32 v26, $0.0e+00;
	v24 =	vmin.f32 v24, $6.400000000e+01  }
0x33f: {  	v27 =	vmin.f32 v27, $6.400000000e+01;
	v25 =	vmin.f32 v25, $6.400000000e+01;
	v28 =	vtrunc.f32 v24  }
0x340: {  	v29 =	vcvt.f32.s32 v28;
	vm0 =	vgt.f32 v24, v28;
	v24 =	vtrunc.f32 v25  }
0x341: {  	v28 =	vsel vm0, $0x1, v21;
	v30 =	vcvt.f32.s32 v24;
	vm0 =	vgt.f32 v25, v24  }
0x342: {  	v24 =	vtrunc.f32 v27;
	v28 =	vadd.s32 v29, v28;
	v25 =	vsel vm0, $0x1, v21  }
0x343: {  	v29 =	vcvt.f32.s32 v24;
	vm0 =	vgt.s32 v23, $0x0;
	v23 =	vmin.f32 v26, $6.400000000e+01  }
0x344: {  	v30 =	vadd.s32 v30, v25;
	v24 =	vmul.u32 $0x48, v28;
	v33 =	vsel vm0, $0x1248, v21  }
0x345: {  	v23 =	vtrunc.f32 v23;
	v25 =	vand.u32 $0xFFFFFFF8, v30;
	v27 =	vmul.u32 $0x48, v29  }
0x346: {  	v28 =	vsub.s32 v28, v29;
	v23 =	vcvt.f32.s32 v23;
	v29 =	vadd.s32 v33, v24  }
0x347: {  	v26 =	vand.u32 $0x7, v30;
	v31 =	vadd.s32 v25, v29;
	v34 =	vadd.s32 v33, v27  }
0x348: {  	v35 =	vor.u32 v26, v31;
	v31 =	vadd.s32 v34, v25  }
0x349: {  	v30 =	vsub.s32 v30, v23;
	v32 =	vand.u32 $0xFFFFFFF8, v23;
	v36 =	vor.u32 v26, v31  }
0x34a: {  	v28 =	vmul.u32 v30, v28;
	v31 =	vand.u32 $0x7, v23;
	v23 =	vadd.s32 v32, v29  }
0x34b: {  	v23 =	vor.u32 v31, v23  }
0x34c: {  	vm0 =	vgt.s32 v28, $0x1  }
0x34d: {  	v29 =	vadd.s32 v32, v34;
	v30 =	vnsel vm0, $0x1, v28;
	v38 =	vld.idx.msk [tilespmem:v35+s18+$0x0], $0xffff  }
0x34e: {  	v29 =	vor.u32 v31, v29;
	v30 =	vcvt.s32.f32 v30;
	v39 =	vld.idx.msk [tilespmem:v36+s18+$0x0], $0xffff;
	_ =	sdelay $0x1  }
0x34f: {  	(erf) = vrcp.f32 v30;
	v23 =	vld.idx.msk [tilespmem:v23+s18+$0x0], $0xffff;
	_ =	sdelay $0x2  }
0x350: {  	v29 =	vld.idx.msk [tilespmem:v29+s18+$0x0], $0xffff;
	v30 =	vsub.f32 v38, v39;
	_ =	sdelay $0x1  }
0x351: {  	v23 =	vsub.f32 v30, v23  }
0x352: {  	v40 =	vor.u32 $0x2490, v33  }
0x353: {  	v22 =	vshll.u32 v22, $0x3;
	v30 =	vadd.s32 v40, v24  }
0x354: {  	v34 =	vadd.s32 v40, v27;
	v41 =	vadd.s32 v25, v30;
	v29 =	vadd.f32 v29, v23  }
0x355: {  	v42 =	vadd.s32 v34, v25;
	v35 =	vor.u32 v26, v41;
	v23 =	vpop (erf)  }
0x356: {  	v36 =	vor.u32 v26, v42;
	v29 =	vmul.f32 v23, v29  }
0x357: {  	vm0 =	vgt.s32 v28, $0x0;
	v30 =	vadd.s32 v32, v30  }
0x358: {  	v28 =	vor.u32 v31, v30;
	v29 =	vnsel vm0, $0x0, v29  }
0x359: {  	v30 =	vadd.s32 v32, v34;
	[tilespmem:v22+s19+$0x0] =	vst.idx.msk $0xffff, v29  }
0x35a: {  	v29 =	vor.u32 v31, v30;
	v30 =	vld.idx.msk [tilespmem:v35+s18+$0x0], $0xffff  }
0x35b: {  	v43 =	vld.idx.msk [tilespmem:v36+s18+$0x0], $0xffff;
	_ =	sdelay $0x1  }
0x35c: {  	v28 =	vld.idx.msk [tilespmem:v28+s18+$0x0], $0xffff;
	_ =	sdelay $0x1  }
0x35d: {  	v29 =	vld.idx.msk [tilespmem:v29+s18+$0x0], $0xffff  }
0x35e: {  	v30 =	vsub.f32 v30, v43;
	_ =	sdelay $0x1  }
0x35f: {  	v44 =	vor.u32 $0x4920, v33;
	v28 =	vsub.f32 v30, v28  }
0x360: {  	v34 =	vadd.s32 v44, v27;
	v30 =	vadd.s32 v44, v24  }
0x361: {  	v45 =	vadd.s32 v25, v30;
	v28 =	vadd.f32 v29, v28;
	v29 =	vor.u32 $0x1, v22  }
0x362: {  	v46 =	vadd.s32 v34, v25;
	v35 =	vor.u32 v26, v45  }
0x363: {  	v36 =	vor.u32 v26, v46;
	v28 =	vmul.f32 v23, v28  }
0x364: {  	v30 =	vadd.s32 v32, v30  }
0x365: {  	v30 =	vor.u32 v31, v30;
	v28 =	vnsel vm0, $0x0, v28  }
0x366: {  	v34 =	vadd.s32 v32, v34;
	[tilespmem:v29+s19+$0x0] =	vst.idx.msk $0xffff, v28  }
0x367: {  	v28 =	vor.u32 v31, v34;
	v29 =	vld.idx.msk [tilespmem:v35+s18+$0x0], $0xffff  }
0x368: {  	v47 =	vld.idx.msk [tilespmem:v36+s18+$0x0], $0xffff;
	_ =	sdelay $0x1  }
0x369: {  	v30 =	vld.idx.msk [tilespmem:v30+s18+$0x0], $0xffff;
	_ =	sdelay $0x1  }
0x36a: {  	v28 =	vld.idx.msk [tilespmem:v28+s18+$0x0], $0xffff  }
0x36b: {  	v29 =	vsub.f32 v29, v47;
	_ =	sdelay $0x1  }
0x36c: {  	v48 =	vor.u32 $0x6DB0, v33;
	v29 =	vsub.f32 v29, v30  }
0x36d: {  	v49 =	vadd.s32 v48, v24;
	v34 =	vadd.s32 v48, v27  }
0x36e: {  	v30 =	vadd.s32 v25, v49;
	v28 =	vadd.f32 v28, v29;
	v29 =	vor.u32 $0x2, v22  }
0x36f: {  	v50 =	vadd.s32 v34, v25;
	v30 =	vor.u32 v26, v30  }
0x370: {  	v36 =	vor.u32 v26, v50;
	v28 =	vmul.f32 v23, v28  }
0x371: {  	v35 =	vadd.s32 v32, v49  }
0x372: {  	v35 =	vor.u32 v31, v35;
	v28 =	vnsel vm0, $0x0, v28  }
0x373: {  	v34 =	vadd.s32 v32, v34;
	[tilespmem:v29+s19+$0x0] =	vst.idx.msk $0xffff, v28  }
0x374: {  	v28 =	vor.u32 v31, v34;
	v29 =	vld.idx.msk [tilespmem:v30+s18+$0x0], $0xffff  }
0x375: {  	v30 =	vld.idx.msk [tilespmem:v36+s18+$0x0], $0xffff;
	_ =	sdelay $0x1  }
0x376: {  	v51 =	vld.idx.msk [tilespmem:v35+s18+$0x0], $0xffff;
	_ =	sdelay $0x1  }
0x377: {  	v28 =	vld.idx.msk [tilespmem:v28+s18+$0x0], $0xffff  }
0x378: {  	v29 =	vsub.f32 v29, v30;
	_ =	sdelay $0x1  }
0x379: {  	v30 =	vadd.s32 $0x9240, v33;
	v29 =	vsub.f32 v29, v51  }
0x37a: {  	v52 =	vadd.s32 v30, v24;
	v30 =	vadd.s32 v30, v27  }
0x37b: {  	v53 =	vadd.s32 v25, v52;
	v28 =	vadd.f32 v28, v29;
	v29 =	vor.u32 $0x3, v22  }
0x37c: {  	v54 =	vadd.s32 v30, v25;
	v34 =	vor.u32 v26, v53  }
0x37d: {  	v36 =	vor.u32 v26, v54;
	v28 =	vmul.f32 v28, v23  }
0x37e: {  	v35 =	vadd.s32 v32, v52  }
0x37f: {  	v35 =	vor.u32 v31, v35;
	v28 =	vnsel vm0, $0x0, v28  }
0x380: {  	v30 =	vadd.s32 v32, v30;
	[tilespmem:v29+s19+$0x0] =	vst.idx.msk $0xffff, v28  }
0x381: {  	v28 =	vor.u32 v31, v30;
	v29 =	vld.idx.msk [tilespmem:v34+s18+$0x0], $0xffff  }
0x382: {  	v30 =	vld.idx.msk [tilespmem:v36+s18+$0x0], $0xffff;
	_ =	sdelay $0x1  }
0x383: {  	v55 =	vld.idx.msk [tilespmem:v35+s18+$0x0], $0xffff;
	_ =	sdelay $0x1  }
0x384: {  	v28 =	vld.idx.msk [tilespmem:v28+s18+$0x0], $0xffff  }
0x385: {  	v29 =	vsub.f32 v29, v30  }
0x386: {  	v38 =	vor.u32 $0x4, v22  }
0x387: {  	v30 =	vadd.s32 $0xB6D0, v33;
	v33 =	vadd.s32 $0xDB60, v33;
	v29 =	vsub.f32 v29, v55  }
0x388: {  	v56 =	vadd.s32 v30, v24;
	v30 =	vadd.s32 v30, v27;
	v24 =	vadd.s32 v33, v24  }
0x389: {  	v27 =	vadd.s32 v33, v27;
	v57 =	vadd.s32 v25, v56;
	v37 =	vadd.f32 v28, v29  }
0x38a: {  	v35 =	vadd.s32 v32, v56;
	v58 =	vadd.s32 v30, v25;
	v34 =	vor.u32 v26, v57  }
0x38b: {  	v30 =	vadd.s32 v32, v30;
	v29 =	vor.u32 v26, v58;
	v59 =	vmul.f32 v37, v23  }
0x38c: {  	v60 =	vadd.s32 v25, v24;
	v61 =	vadd.s32 v32, v24;
	v28 =	vor.u32 v31, v35  }
0x38d: {  	v63 =	vadd.s32 v27, v25;
	v30 =	vor.u32 v31, v30;
	v62 =	vnsel vm0, $0x0, v59  }
0x38e: {  	v32 =	vadd.s32 v32, v27;
	v24 =	vor.u32 v26, v60;
	[tilespmem:v38+s19+$0x0] =	vst.idx.msk $0xffff, v62  }
0x38f: {  	s21 =	simm.s32 $0x10;
	v25 =	vor.u32 v31, v61;
	v27 =	vor.u32 v26, v63;
	v26 =	vor.u32 v31, v32;
	v31 =	vld.idx.msk [tilespmem:v34+s18+$0x0], $0xffff  }
.LBB2_10:
0x390: {  	p1 =	sne.s32 s21, $0x1380;
	v29 =	vld.idx.msk [tilespmem:v29+s18+$0x0], $0xffff;
	s0 =	smov.u32 s21;
	s21 =	sadd.s32 $0x10, s21  }
0x391: {  	v28 =	vld.idx.msk [tilespmem:v28+s18+$0x0], $0xffff  }
0x392: {  	v30 =	vld.idx.msk [tilespmem:v30+s18+$0x0], $0xffff;
	_ =	sdelay $0x2  }
0x393: {  	v32 =	vor.u32 s0, v20  }
0x394: {  	v33 =	vmul.u32 $0x5, v32;
	v29 =	vsub.f32 v31, v29;
	_ =	sdelay $0x1  }
0x395: {  	v34 =	vadd.s32 $0x4, v33;
	v31 =	vadd.s32 $0x2, v33;
	v28 =	vsub.f32 v29, v28  }
0x396: {  	v35 =	vadd.s32 $0x3, v33;
	v29 =	vadd.s32 $0x1, v33  }
0x397: {  	v28 =	vadd.f32 v30, v28;
	v30 =	vor.u32 $0x5, v22;
	_ =	sdelay $0x1  }
0x398: {  	v28 =	vmul.f32 v28, v23;
	_ =	sdelay $0x1  }
0x399: {  	v28 =	vnsel vm0, $0x0, v28  }
0x39a: {  	[tilespmem:v30+s19+$0x0] =	vst.idx.msk $0xffff, v28  }
0x39b: {  	v24 =	vld.idx.msk [tilespmem:v24+s18+$0x0], $0xffff  }
0x39c: {  	v27 =	vld.idx.msk [tilespmem:v27+s18+$0x0], $0xffff  }
0x39d: {  	v25 =	vld.idx.msk [tilespmem:v25+s18+$0x0], $0xffff  }
0x39e: {  	v26 =	vld.idx.msk [tilespmem:v26+s18+$0x0], $0xffff;
	_ =	sdelay $0x3  }
0x39f: {  	v24 =	vsub.f32 v24, v27;
	_ =	sdelay $0x1  }
0x3a0: {  	v24 =	vsub.f32 v24, v25  }
0x3a1: {  	v22 =	vor.u32 $0x6, v22  }
0x3a2: {  	v24 =	vadd.f32 v26, v24;
	_ =	sdelay $0x1  }
0x3a3: {  	v23 =	vmul.f32 v24, v23;
	_ =	sdelay $0x1  }
0x3a4: {  	v23 =	vnsel vm0, $0x0, v23  }
0x3a5: {  	[tilespmem:v22+s19+$0x0] =	vst.idx.msk $0xffff, v23  }
0x3a6: {  	v22 =	vld.idx.msk [tilespmem:v31+s1+$0x0], $0xffff  }
0x3a7: {  	v23 =	vld.idx.msk [tilespmem:v35+s1+$0x0], $0xffff  }
0x3a8: {  	v24 =	vld.idx.msk [tilespmem:v34+s1+$0x0], $0xffff  }
0x3a9: {  	v25 =	vld.idx.msk [tilespmem:v29+s1+$0x0], $0xffff;
	_ =	sdelay $0x4  }
0x3aa: {  	v24 =	vsub.f32 v24, v22  }
0x3ab: {  	v23 =	vsub.f32 v23, v25  }
0x3ac: {  	v24 =	vmax.f32 v24, $1.000000010e-01  }
0x3ad: {  	v23 =	vmax.f32 v23, $1.000000010e-01;
	v24 =	vmul.f32 v24, v18  }
0x3ae: {  	v23 =	vmul.f32 v23, v18  }
0x3af: {  	v27 =	vmul.f32 v24, v12;
	v24 =	vmul.f32 v24, v14;
	v26 =	vld.idx.msk [tilespmem:v33+s1+$0x0], $0xffff  }
0x3b0: {  	v28 =	vmul.f32 v23, v13;
	v23 =	vmul.f32 v23, v15  }
0x3b1: {  	v27 =	vadd.f32 v27, v22;
	v22 =	vadd.f32 v24, v22  }
0x3b2: {  	v24 =	vadd.f32 v28, v25;
	v23 =	vadd.f32 v23, v25  }
0x3b3: {  	v25 =	vmax.f32 v27, $0.0e+00;
	v22 =	vmax.f32 v22, $0.0e+00  }
0x3b4: {  	v25 =	vmin.f32 v25, $6.400000000e+01;
	v22 =	vmin.f32 v22, $6.400000000e+01;
	v23 =	vmax.f32 v23, $0.0e+00  }
0x3b5: {  	v24 =	vmax.f32 v24, $0.0e+00;
	v23 =	vmin.f32 v23, $6.400000000e+01;
	v27 =	vtrunc.f32 v22  }
0x3b6: {  	v28 =	vcvt.f32.s32 v27;
	vm0 =	vgt.f32 v22, v27;
	v22 =	vtrunc.f32 v23  }
0x3b7: {  	v26 =	vtrunc.f32 v26;
	v27 =	vsel vm0, $0x1, v21;
	v29 =	vcvt.f32.s32 v22  }
0x3b8: {  	v25 =	vtrunc.f32 v25;
	vm0 =	vgt.f32 v23, v22;
	v27 =	vadd.s32 v28, v27  }
0x3b9: {  	v25 =	vcvt.f32.s32 v25;
	v23 =	vcvt.f32.s32 v26;
	v22 =	vsel vm0, $0x1, v21  }
0x3ba: {  	v28 =	vadd.s32 v29, v22;
	v22 =	vshll.u32 v32, $0x3  }
0x3bb: {  	vm0 =	vgt.s32 v23, $0x0;
	v23 =	vmin.f32 v24, $6.400000000e+01;
	v24 =	vmul.u32 $0x48, v27  }
0x3bc: {  	v31 =	vmul.u32 $0x48, v25;
	v26 =	vand.u32 $0xFFFFFFF8, v28;
	v29 =	vsel vm0, $0x1248, v21  }
0x3bd: {  	v25 =	vsub.s32 v27, v25;
	v23 =	vtrunc.f32 v23;
	v27 =	vadd.s32 v29, v24  }
0x3be: {  	v32 =	vand.u32 $0x7, v28;
	v23 =	vcvt.f32.s32 v23;
	v30 =	vadd.s32 v26, v27  }
0x3bf: {  	v33 =	vadd.s32 v29, v31;
	v34 =	vor.u32 $0x2490, v29;
	v30 =	vor.u32 v32, v30  }
0x3c0: {  	v35 =	vadd.s32 v33, v26;
	v28 =	vsub.s32 v28, v23;
	v36 =	vand.u32 $0xFFFFFFF8, v23  }
0x3c1: {  	v35 =	vor.u32 v32, v35;
	v37 =	vand.u32 $0x7, v23;
	v23 =	vadd.s32 v36, v27  }
0x3c2: {  	v25 =	vmul.u32 v28, v25;
	v27 =	vadd.s32 v36, v33;
	v23 =	vor.u32 v37, v23  }
0x3c3: {  	v28 =	vadd.s32 v34, v24;
	v33 =	vadd.s32 v34, v31;
	v27 =	vor.u32 v37, v27  }
0x3c4: {  	v34 =	vadd.s32 v26, v28;
	v28 =	vadd.s32 v36, v28;
	vm0 =	vgt.s32 v25, $0x1;
	v30 =	vld.idx.msk [tilespmem:v30+s18+$0x0], $0xffff  }
0x3c5: {  	v34 =	vor.u32 v32, v34;
	v39 =	vor.u32 v37, v28;
	v38 =	vnsel vm0, $0x1, v25  }
0x3c6: {  	v28 =	vcvt.s32.f32 v38;
	v38 =	vadd.s32 v33, v26;
	v33 =	vadd.s32 v36, v33;
	v35 =	vld.idx.msk [tilespmem:v35+s18+$0x0], $0xffff  }
0x3c7: {  	v40 =	vor.u32 $0x4920, v29;
	v38 =	vor.u32 v32, v38;
	v33 =	vor.u32 v37, v33;
	v23 =	vld.idx.msk [tilespmem:v23+s18+$0x0], $0xffff  }
0x3c8: {  	v41 =	vadd.s32 v40, v24;
	v40 =	vadd.s32 v40, v31;
	(erf) = vrcp.f32 v28  }
0x3c9: {  	v42 =	vadd.s32 v40, v26;
	v28 =	vadd.s32 v26, v41;
	v41 =	vadd.s32 v36, v41  }
0x3ca: {  	v42 =	vor.u32 v32, v42;
	v43 =	vor.u32 v32, v28;
	v41 =	vor.u32 v37, v41;
	v27 =	vld.idx.msk [tilespmem:v27+s18+$0x0], $0xffff  }
0x3cb: {  	v44 =	vadd.s32 $0x9240, v29;
	v28 =	vadd.s32 v36, v40;
	v40 =	vor.u32 $0x6DB0, v29  }
0x3cc: {  	v30 =	vsub.f32 v30, v35;
	v35 =	vor.u32 v37, v28;
	v28 =	vadd.s32 v40, v24  }
0x3cd: {  	v40 =	vadd.s32 v40, v31;
	v45 =	vadd.s32 v26, v28;
	v28 =	vadd.s32 v36, v28  }
0x3ce: {  	v49 =	vsub.f32 v30, v23;
	v45 =	vor.u32 v32, v45;
	v30 =	vadd.s32 v40, v26  }
0x3cf: {  	v47 =	vor.u32 v37, v28;
	v28 =	vadd.s32 v36, v40;
	v46 =	vor.u32 v32, v30  }
0x3d0: {  	v48 =	vadd.s32 v44, v24;
	v40 =	vor.u32 v37, v28;
	v27 =	vadd.f32 v27, v49  }
0x3d1: {  	v28 =	vadd.s32 v26, v48;
	v30 =	vadd.s32 v44, v31;
	v44 =	vadd.s32 v36, v48;
	v23 =	vpop (erf)  }
0x3d2: {  	v48 =	vor.u32 v32, v28;
	v28 =	vadd.s32 v30, v26;
	v27 =	vmul.f32 v23, v27  }
0x3d3: {  	vm0 =	vgt.s32 v25, $0x0;
	v44 =	vor.u32 v37, v44;
	v49 =	vor.u32 v32, v28  }
0x3d4: {  	v28 =	vadd.s32 $0xB6D0, v29;
	v25 =	vnsel vm0, $0x0, v27;
	v27 =	vadd.s32 v36, v30  }
0x3d5: {  	[tilespmem:v22+s19+$0x0] =	vst.idx.msk $0xffff, v25;
	v50 =	vor.u32 v37, v27;
	v25 =	vadd.s32 v28, v24;
	v27 =	vadd.s32 $0xDB60, v29  }
0x3d6: {  	v30 =	vadd.s32 v28, v31;
	v34 =	vld.idx.msk [tilespmem:v34+s18+$0x0], $0xffff;
	v29 =	vadd.s32 v26, v25;
	v25 =	vadd.s32 v36, v25  }
0x3d7: {  	v38 =	vld.idx.msk [tilespmem:v38+s18+$0x0], $0xffff;
	v51 =	vor.u32 v32, v29;
	v29 =	vadd.s32 v30, v26;
	v28 =	vor.u32 v37, v25  }
0x3d8: {  	v24 =	vadd.s32 v27, v24;
	v25 =	vadd.s32 v36, v30;
	v29 =	vor.u32 v32, v29  }
0x3d9: {  	v52 =	vadd.s32 v36, v24;
	v30 =	vor.u32 v37, v25;
	v25 =	vadd.s32 v26, v24;
	v39 =	vld.idx.msk [tilespmem:v39+s18+$0x0], $0xffff  }
0x3da: {  	v27 =	vadd.s32 v27, v31;
	v24 =	vor.u32 v32, v25;
	v25 =	vor.u32 v37, v52  }
0x3db: {  	v26 =	vadd.s32 v27, v26;
	v31 =	vld.idx.msk [tilespmem:v33+s18+$0x0], $0xffff;
	v33 =	vadd.s32 v36, v27  }
0x3dc: {  	v27 =	vor.u32 v32, v26;
	v26 =	vor.u32 v37, v33  }
0x3dd: {  	v32 =	vsub.f32 v34, v38;
	_ =	sdelay $0x1  }
0x3de: {  	v32 =	vsub.f32 v32, v39;
	_ =	sdelay $0x1  }
0x3df: {  	v31 =	vadd.f32 v31, v32;
	v32 =	vor.u32 $0x1, v22;
	_ =	sdelay $0x1  }
0x3e0: {  	v31 =	vmul.f32 v23, v31;
	_ =	sdelay $0x1  }
0x3e1: {  	v31 =	vnsel vm0, $0x0, v31  }
0x3e2: {  	[tilespmem:v32+s19+$0x0] =	vst.idx.msk $0xffff, v31  }
0x3e3: {  	v31 =	vld.idx.msk [tilespmem:v43+s18+$0x0], $0xffff  }
0x3e4: {  	v32 =	vld.idx.msk [tilespmem:v42+s18+$0x0], $0xffff;
	_ =	sdelay $0x1  }
0x3e5: {  	v33 =	vld.idx.msk [tilespmem:v41+s18+$0x0], $0xffff;
	_ =	sdelay $0x1  }
0x3e6: {  	v34 =	vld.idx.msk [tilespmem:v35+s18+$0x0], $0xffff;
	_ =	sdelay $0x1  }
0x3e7: {  	v31 =	vsub.f32 v31, v32;
	_ =	sdelay $0x1  }
0x3e8: {  	v31 =	vsub.f32 v31, v33;
	_ =	sdelay $0x1  }
0x3e9: {  	v32 =	vor.u32 $0x2, v22;
	v31 =	vadd.f32 v34, v31;
	_ =	sdelay $0x1  }
0x3ea: {  	v31 =	vmul.f32 v23, v31;
	_ =	sdelay $0x1  }
0x3eb: {  	v31 =	vnsel vm0, $0x0, v31  }
0x3ec: {  	[tilespmem:v32+s19+$0x0] =	vst.idx.msk $0xffff, v31  }
0x3ed: {  	v31 =	vld.idx.msk [tilespmem:v45+s18+$0x0], $0xffff  }
0x3ee: {  	v32 =	vld.idx.msk [tilespmem:v46+s18+$0x0], $0xffff;
	_ =	sdelay $0x1  }
0x3ef: {  	v33 =	vld.idx.msk [tilespmem:v47+s18+$0x0], $0xffff;
	_ =	sdelay $0x1  }
0x3f0: {  	v34 =	vld.idx.msk [tilespmem:v40+s18+$0x0], $0xffff;
	_ =	sdelay $0x1  }
0x3f1: {  	v31 =	vsub.f32 v31, v32;
	_ =	sdelay $0x1  }
0x3f2: {  	v31 =	vsub.f32 v31, v33;
	_ =	sdelay $0x1  }
0x3f3: {  	v32 =	vor.u32 $0x3, v22;
	v31 =	vadd.f32 v34, v31;
	_ =	sdelay $0x1  }
0x3f4: {  	v31 =	vmul.f32 v31, v23;
	_ =	sdelay $0x1  }
0x3f5: {  	v31 =	vnsel vm0, $0x0, v31  }
0x3f6: {  	[tilespmem:v32+s19+$0x0] =	vst.idx.msk $0xffff, v31  }
0x3f7: {  	v31 =	vld.idx.msk [tilespmem:v48+s18+$0x0], $0xffff  }
0x3f8: {  	v32 =	vld.idx.msk [tilespmem:v49+s18+$0x0], $0xffff;
	_ =	sdelay $0x1  }
0x3f9: {  	v33 =	vld.idx.msk [tilespmem:v44+s18+$0x0], $0xffff;
	_ =	sdelay $0x1  }
0x3fa: {  	v34 =	vld.idx.msk [tilespmem:v50+s18+$0x0], $0xffff;
	_ =	sdelay $0x1  }
0x3fb: {  	v31 =	vsub.f32 v31, v32;
	_ =	sdelay $0x1  }
0x3fc: {  	v31 =	vsub.f32 v31, v33;
	_ =	sdelay $0x1  }
0x3fd: {  	v32 =	vor.u32 $0x4, v22;
	v31 =	vadd.f32 v34, v31;
	_ =	sdelay $0x1  }
.Ltmp6:
0x3fe: {  	v31 =	vmul.f32 v31, v23;
	(pc) =	sbr.rel @p1 .LBB2_10-.Ltmp6, $4  }
0x3ff: {  	_ = 	snop  }
0x400: {  	v31 =	vnsel vm0, $0x0, v31  }
0x401: {  	[tilespmem:v32+s19+$0x0] =	vst.idx.msk $0xffff, v31  }
0x402: {  	v31 =	vld.idx.msk [tilespmem:v51+s18+$0x0], $0xffff  }
0x403: {  	_ =	sdelay $0x3  }
0x404: {  	v29 =	vld.idx.msk [tilespmem:v29+s18+$0x0], $0xffff;
	_ =	sdelay $0x1  }
0x405: {  	v28 =	vld.idx.msk [tilespmem:v28+s18+$0x0], $0xffff;
	_ =	sdelay $0x1  }
0x406: {  	v30 =	vld.idx.msk [tilespmem:v30+s18+$0x0], $0xffff  }
0x407: {  	v29 =	vsub.f32 v31, v29;
	_ =	sdelay $0x1  }
0x408: {  	v28 =	vsub.f32 v29, v28;
	_ =	sdelay $0x1  }
0x409: {  	v63 =	vor.u32 $0x5, v22;
	v28 =	vadd.f32 v30, v28;
	_ =	sdelay $0x1  }
0x40a: {  	v28 =	vmul.f32 v28, v23;
	_ =	sdelay $0x1  }
0x40b: {  	v28 =	vnsel vm0, $0x0, v28  }
0x40c: {  	[tilespmem:v63+s19+$0x0] =	vst.idx.msk $0xffff, v28  }
0x40d: {  	v24 =	vld.idx.msk [tilespmem:v24+s18+$0x0], $0xffff  }
0x40e: {  	v27 =	vld.idx.msk [tilespmem:v27+s18+$0x0], $0xffff;
	_ =	sdelay $0x1  }
0x40f: {  	v25 =	vld.idx.msk [tilespmem:v25+s18+$0x0], $0xffff;
	_ =	sdelay $0x1  }
0x410: {  	v26 =	vld.idx.msk [tilespmem:v26+s18+$0x0], $0xffff  }
0x411: {  	v24 =	vsub.f32 v24, v27;
	_ =	sdelay $0x1  }
0x412: {  	v24 =	vsub.f32 v24, v25;
	_ =	sdelay $0x1  }
0x413: {  	v22 =	vor.u32 $0x6, v22;
	v24 =	vadd.f32 v26, v24;
	_ =	sdelay $0x1  }
0x414: {  	v23 =	vmul.f32 v24, v23;
	_ =	sdelay $0x1  }
0x415: {  	v23 =	vnsel vm0, $0x0, v23  }
.Ltmp7:
0x416: {  	[tilespmem:v22+s19+$0x0] =	vst.idx.msk $0xffff, v23;
	(pc) =	sbr.rel @p0 .LBB2_15-.Ltmp7, $4  }
0x417: {  	[hbm4b:s13+s1] =	stream.linear.scatter [tilespmem:s19], [sflag:$0x1], $0x9C80, $0x38;
	[tilespmem:$0x1FE30] =	vst v63  }
0x418: {  	_ =	swait.ge [sflag:s11], $0x9C80  }
0x419: {  	[sflag:s11] =	ssyncset.done $0x0  }
0x41a: {  	[sflag:s11] =	ssyncadd.s32 $0xFFFF6380  }
0x41b: {  	s0 =	simm.s32 $0x0  }
0x41c: {  	v22 =	vor.u32 s0, v20  }
0x41d: {  	v23 =	vmul.u32 $0x5, v22;
	_ =	sdelay $0x1  }
0x41e: {  	v24 =	vadd.s32 $0x2, v23  }
0x41f: {  	[tilespmem:s18], [sflag:$0x1] =	stream.strided.gather [hbm4b:s12+s16], $0xFFF0, s17, s16, $0x38;
	v25 =	vadd.s32 $0x3, v23;
	[tilespmem:$0x1FE30] =	vst v63  }
0x420: {  	_ =	swait.ge [sflag:s11], $0xFFF0;
	v26 =	vadd.s32 $0x4, v23  }
0x421: {  	[sflag:s11] =	ssyncset.done $0x0;
	v27 =	vadd.s32 $0x1, v23  }
0x422: {  	[sflag:s11] =	ssyncadd.s32 $0xFFFF0010  }
0x423: {  	v24 =	vld.idx.msk [tilespmem:v24+s1+$0x0], $0xffff  }
0x424: {  	v25 =	vld.idx.msk [tilespmem:v25+s1+$0x0], $0xffff  }
0x425: {  	v26 =	vld.idx.msk [tilespmem:v26+s1+$0x0], $0xffff  }
0x426: {  	v27 =	vld.idx.msk [tilespmem:v27+s1+$0x0], $0xffff;
	_ =	sdelay $0x3  }
0x427: {  	v26 =	vsub.f32 v26, v24  }
0x428: {  	v25 =	vsub.f32 v25, v27  }
0x429: {  	v26 =	vmax.f32 v26, $1.000000010e-01  }
0x42a: {  	v23 =	vld.idx.msk [tilespmem:v23+s1+$0x0], $0xffff;
	v25 =	vmax.f32 v25, $1.000000010e-01;
	v26 =	vmul.f32 v26, v18  }
0x42b: {  	v25 =	vmul.f32 v25, v18  }
0x42c: {  	v28 =	vmul.f32 $6.000000000e+00, v26;
	v26 =	vmul.f32 $7.000000000e+00, v26  }
0x42d: {  	v29 =	vmul.f32 v25, v16;
	v25 =	vmul.f32 v25, v17  }
0x42e: {  	v28 =	vadd.f32 v28, v24;
	v24 =	vadd.f32 v26, v24  }
0x42f: {  	v23 =	vtrunc.f32 v23;
	v26 =	vadd.f32 v29, v27;
	v25 =	vadd.f32 v25, v27  }
0x430: {  	v23 =	vcvt.f32.s32 v23;
	v27 =	vmax.f32 v28, $0.0e+00;
	v24 =	vmax.f32 v24, $0.0e+00  }
0x431: {  	v25 =	vmax.f32 v25, $0.0e+00;
	v26 =	vmax.f32 v26, $0.0e+00;
	v24 =	vmin.f32 v24, $6.400000000e+01  }
0x432: {  	v27 =	vmin.f32 v27, $6.400000000e+01;
	v25 =	vmin.f32 v25, $6.400000000e+01;
	v28 =	vtrunc.f32 v24  }
0x433: {  	v29 =	vcvt.f32.s32 v28;
	vm0 =	vgt.f32 v24, v28;
	v24 =	vtrunc.f32 v25  }
0x434: {  	v28 =	vsel vm0, $0x1, v21;
	v30 =	vcvt.f32.s32 v24;
	vm0 =	vgt.f32 v25, v24  }
0x435: {  	v24 =	vtrunc.f32 v27;
	v28 =	vadd.s32 v29, v28;
	v25 =	vsel vm0, $0x1, v21  }
0x436: {  	v29 =	vcvt.f32.s32 v24;
	vm0 =	vgt.s32 v23, $0x0;
	v23 =	vmin.f32 v26, $6.400000000e+01  }
0x437: {  	v30 =	vadd.s32 v30, v25;
	v24 =	vmul.u32 $0x48, v28;
	v33 =	vsel vm0, $0x1248, v21  }
0x438: {  	v23 =	vtrunc.f32 v23;
	v25 =	vand.u32 $0xFFFFFFF8, v30;
	v27 =	vmul.u32 $0x48, v29  }
0x439: {  	v28 =	vsub.s32 v28, v29;
	v23 =	vcvt.f32.s32 v23;
	v29 =	vadd.s32 v33, v24  }
0x43a: {  	v26 =	vand.u32 $0x7, v30;
	v31 =	vadd.s32 v25, v29;
	v34 =	vadd.s32 v33, v27  }
0x43b: {  	v35 =	vor.u32 v26, v31;
	v31 =	vadd.s32 v34, v25  }
0x43c: {  	v30 =	vsub.s32 v30, v23;
	v32 =	vand.u32 $0xFFFFFFF8, v23;
	v36 =	vor.u32 v26, v31  }
0x43d: {  	v28 =	vmul.u32 v30, v28;
	v31 =	vand.u32 $0x7, v23;
	v23 =	vadd.s32 v32, v29  }
0x43e: {  	v23 =	vor.u32 v31, v23  }
0x43f: {  	vm0 =	vgt.s32 v28, $0x1  }
0x440: {  	v29 =	vadd.s32 v32, v34;
	v30 =	vnsel vm0, $0x1, v28;
	v38 =	vld.idx.msk [tilespmem:v35+s18+$0x0], $0xffff  }
0x441: {  	v29 =	vor.u32 v31, v29;
	v30 =	vcvt.s32.f32 v30;
	v39 =	vld.idx.msk [tilespmem:v36+s18+$0x0], $0xffff;
	_ =	sdelay $0x1  }
0x442: {  	(erf) = vrcp.f32 v30;
	v23 =	vld.idx.msk [tilespmem:v23+s18+$0x0], $0xffff;
	_ =	sdelay $0x2  }
0x443: {  	v29 =	vld.idx.msk [tilespmem:v29+s18+$0x0], $0xffff;
	v30 =	vsub.f32 v38, v39;
	_ =	sdelay $0x1  }
0x444: {  	v23 =	vsub.f32 v30, v23  }
0x445: {  	v40 =	vor.u32 $0x2490, v33  }
0x446: {  	v22 =	vshll.u32 v22, $0x3;
	v30 =	vadd.s32 v40, v24  }
0x447: {  	v34 =	vadd.s32 v40, v27;
	v41 =	vadd.s32 v25, v30;
	v29 =	vadd.f32 v29, v23  }
0x448: {  	v42 =	vadd.s32 v34, v25;
	v35 =	vor.u32 v26, v41;
	v23 =	vpop (erf)  }
0x449: {  	v36 =	vor.u32 v26, v42;
	v29 =	vmul.f32 v23, v29  }
0x44a: {  	vm0 =	vgt.s32 v28, $0x0;
	v30 =	vadd.s32 v32, v30  }
0x44b: {  	v28 =	vor.u32 v31, v30;
	v29 =	vnsel vm0, $0x0, v29  }
0x44c: {  	v30 =	vadd.s32 v32, v34;
	[tilespmem:v22+s19+$0x0] =	vst.idx.msk $0xffff, v29  }
0x44d: {  	v29 =	vor.u32 v31, v30;
	v30 =	vld.idx.msk [tilespmem:v35+s18+$0x0], $0xffff  }
0x44e: {  	v43 =	vld.idx.msk [tilespmem:v36+s18+$0x0], $0xffff;
	_ =	sdelay $0x1  }
0x44f: {  	v28 =	vld.idx.msk [tilespmem:v28+s18+$0x0], $0xffff;
	_ =	sdelay $0x1  }
0x450: {  	v29 =	vld.idx.msk [tilespmem:v29+s18+$0x0], $0xffff  }
0x451: {  	v30 =	vsub.f32 v30, v43;
	_ =	sdelay $0x1  }
0x452: {  	v44 =	vor.u32 $0x4920, v33;
	v28 =	vsub.f32 v30, v28  }
0x453: {  	v34 =	vadd.s32 v44, v27;
	v30 =	vadd.s32 v44, v24  }
0x454: {  	v45 =	vadd.s32 v25, v30;
	v28 =	vadd.f32 v29, v28;
	v29 =	vor.u32 $0x1, v22  }
0x455: {  	v46 =	vadd.s32 v34, v25;
	v35 =	vor.u32 v26, v45  }
0x456: {  	v36 =	vor.u32 v26, v46;
	v28 =	vmul.f32 v23, v28  }
0x457: {  	v30 =	vadd.s32 v32, v30  }
0x458: {  	v30 =	vor.u32 v31, v30;
	v28 =	vnsel vm0, $0x0, v28  }
0x459: {  	v34 =	vadd.s32 v32, v34;
	[tilespmem:v29+s19+$0x0] =	vst.idx.msk $0xffff, v28  }
0x45a: {  	v28 =	vor.u32 v31, v34;
	v29 =	vld.idx.msk [tilespmem:v35+s18+$0x0], $0xffff  }
0x45b: {  	v47 =	vld.idx.msk [tilespmem:v36+s18+$0x0], $0xffff;
	_ =	sdelay $0x1  }
0x45c: {  	v30 =	vld.idx.msk [tilespmem:v30+s18+$0x0], $0xffff;
	_ =	sdelay $0x1  }
0x45d: {  	v28 =	vld.idx.msk [tilespmem:v28+s18+$0x0], $0xffff  }
0x45e: {  	v29 =	vsub.f32 v29, v47;
	_ =	sdelay $0x1  }
0x45f: {  	v48 =	vor.u32 $0x6DB0, v33;
	v29 =	vsub.f32 v29, v30  }
0x460: {  	v49 =	vadd.s32 v48, v24;
	v34 =	vadd.s32 v48, v27  }
0x461: {  	v30 =	vadd.s32 v25, v49;
	v28 =	vadd.f32 v28, v29;
	v29 =	vor.u32 $0x2, v22  }
0x462: {  	v50 =	vadd.s32 v34, v25;
	v30 =	vor.u32 v26, v30  }
0x463: {  	v36 =	vor.u32 v26, v50;
	v28 =	vmul.f32 v23, v28  }
0x464: {  	v35 =	vadd.s32 v32, v49  }
0x465: {  	v35 =	vor.u32 v31, v35;
	v28 =	vnsel vm0, $0x0, v28  }
0x466: {  	v34 =	vadd.s32 v32, v34;
	[tilespmem:v29+s19+$0x0] =	vst.idx.msk $0xffff, v28  }
0x467: {  	v28 =	vor.u32 v31, v34;
	v29 =	vld.idx.msk [tilespmem:v30+s18+$0x0], $0xffff  }
0x468: {  	v30 =	vld.idx.msk [tilespmem:v36+s18+$0x0], $0xffff;
	_ =	sdelay $0x1  }
0x469: {  	v51 =	vld.idx.msk [tilespmem:v35+s18+$0x0], $0xffff;
	_ =	sdelay $0x1  }
0x46a: {  	v28 =	vld.idx.msk [tilespmem:v28+s18+$0x0], $0xffff  }
0x46b: {  	v29 =	vsub.f32 v29, v30;
	_ =	sdelay $0x1  }
0x46c: {  	v30 =	vadd.s32 $0x9240, v33;
	v29 =	vsub.f32 v29, v51  }
0x46d: {  	v52 =	vadd.s32 v30, v24;
	v30 =	vadd.s32 v30, v27  }
0x46e: {  	v53 =	vadd.s32 v25, v52;
	v28 =	vadd.f32 v28, v29;
	v29 =	vor.u32 $0x3, v22  }
0x46f: {  	v54 =	vadd.s32 v30, v25;
	v34 =	vor.u32 v26, v53  }
0x470: {  	v36 =	vor.u32 v26, v54;
	v28 =	vmul.f32 v28, v23  }
0x471: {  	v35 =	vadd.s32 v32, v52  }
0x472: {  	v35 =	vor.u32 v31, v35;
	v28 =	vnsel vm0, $0x0, v28  }
0x473: {  	v30 =	vadd.s32 v32, v30;
	[tilespmem:v29+s19+$0x0] =	vst.idx.msk $0xffff, v28  }
0x474: {  	v28 =	vor.u32 v31, v30;
	v29 =	vld.idx.msk [tilespmem:v34+s18+$0x0], $0xffff  }
0x475: {  	v30 =	vld.idx.msk [tilespmem:v36+s18+$0x0], $0xffff;
	_ =	sdelay $0x1  }
0x476: {  	v55 =	vld.idx.msk [tilespmem:v35+s18+$0x0], $0xffff;
	_ =	sdelay $0x1  }
0x477: {  	v28 =	vld.idx.msk [tilespmem:v28+s18+$0x0], $0xffff  }
0x478: {  	v29 =	vsub.f32 v29, v30  }
0x479: {  	v38 =	vor.u32 $0x4, v22  }
0x47a: {  	v30 =	vadd.s32 $0xB6D0, v33;
	v33 =	vadd.s32 $0xDB60, v33;
	v29 =	vsub.f32 v29, v55  }
0x47b: {  	v56 =	vadd.s32 v30, v24;
	v30 =	vadd.s32 v30, v27;
	v24 =	vadd.s32 v33, v24  }
0x47c: {  	v27 =	vadd.s32 v33, v27;
	v57 =	vadd.s32 v25, v56;
	v37 =	vadd.f32 v28, v29  }
0x47d: {  	v35 =	vadd.s32 v32, v56;
	v58 =	vadd.s32 v30, v25;
	v34 =	vor.u32 v26, v57  }
0x47e: {  	v30 =	vadd.s32 v32, v30;
	v29 =	vor.u32 v26, v58;
	v59 =	vmul.f32 v37, v23  }
0x47f: {  	v60 =	vadd.s32 v25, v24;
	v61 =	vadd.s32 v32, v24;
	v28 =	vor.u32 v31, v35  }
0x480: {  	v63 =	vadd.s32 v27, v25;
	v30 =	vor.u32 v31, v30;
	v62 =	vnsel vm0, $0x0, v59  }
0x481: {  	v32 =	vadd.s32 v32, v27;
	v24 =	vor.u32 v26, v60;
	[tilespmem:v38+s19+$0x0] =	vst.idx.msk $0xffff, v62  }
0x482: {  	s21 =	simm.s32 $0x10;
	v25 =	vor.u32 v31, v61;
	v27 =	vor.u32 v26, v63;
	v26 =	vor.u32 v31, v32;
	v31 =	vld.idx.msk [tilespmem:v34+s18+$0x0], $0xffff  }
.LBB2_13:
0x483: {  	p1 =	sne.s32 s21, $0x1380;
	v29 =	vld.idx.msk [tilespmem:v29+s18+$0x0], $0xffff;
	s0 =	smov.u32 s21;
	s21 =	sadd.s32 $0x10, s21  }
0x484: {  	v28 =	vld.idx.msk [tilespmem:v28+s18+$0x0], $0xffff  }
0x485: {  	v30 =	vld.idx.msk [tilespmem:v30+s18+$0x0], $0xffff;
	_ =	sdelay $0x2  }
0x486: {  	v32 =	vor.u32 s0, v20  }
0x487: {  	v33 =	vmul.u32 $0x5, v32;
	v29 =	vsub.f32 v31, v29;
	_ =	sdelay $0x1  }
0x488: {  	v34 =	vadd.s32 $0x4, v33;
	v31 =	vadd.s32 $0x2, v33;
	v28 =	vsub.f32 v29, v28  }
0x489: {  	v35 =	vadd.s32 $0x3, v33;
	v29 =	vadd.s32 $0x1, v33  }
0x48a: {  	v28 =	vadd.f32 v30, v28;
	v30 =	vor.u32 $0x5, v22;
	_ =	sdelay $0x1  }
0x48b: {  	v28 =	vmul.f32 v28, v23;
	_ =	sdelay $0x1  }
0x48c: {  	v28 =	vnsel vm0, $0x0, v28  }
0x48d: {  	[tilespmem:v30+s19+$0x0] =	vst.idx.msk $0xffff, v28  }
0x48e: {  	v24 =	vld.idx.msk [tilespmem:v24+s18+$0x0], $0xffff  }
0x48f: {  	v27 =	vld.idx.msk [tilespmem:v27+s18+$0x0], $0xffff  }
0x490: {  	v25 =	vld.idx.msk [tilespmem:v25+s18+$0x0], $0xffff  }
0x491: {  	v26 =	vld.idx.msk [tilespmem:v26+s18+$0x0], $0xffff;
	_ =	sdelay $0x3  }
0x492: {  	v24 =	vsub.f32 v24, v27;
	_ =	sdelay $0x1  }
0x493: {  	v24 =	vsub.f32 v24, v25  }
0x494: {  	v22 =	vor.u32 $0x6, v22  }
0x495: {  	v24 =	vadd.f32 v26, v24;
	_ =	sdelay $0x1  }
0x496: {  	v23 =	vmul.f32 v24, v23;
	_ =	sdelay $0x1  }
0x497: {  	v23 =	vnsel vm0, $0x0, v23  }
0x498: {  	[tilespmem:v22+s19+$0x0] =	vst.idx.msk $0xffff, v23  }
0x499: {  	v22 =	vld.idx.msk [tilespmem:v31+s1+$0x0], $0xffff  }
0x49a: {  	v23 =	vld.idx.msk [tilespmem:v35+s1+$0x0], $0xffff  }
0x49b: {  	v24 =	vld.idx.msk [tilespmem:v34+s1+$0x0], $0xffff  }
0x49c: {  	v25 =	vld.idx.msk [tilespmem:v29+s1+$0x0], $0xffff;
	_ =	sdelay $0x4  }
0x49d: {  	v24 =	vsub.f32 v24, v22  }
0x49e: {  	v23 =	vsub.f32 v23, v25  }
0x49f: {  	v24 =	vmax.f32 v24, $1.000000010e-01  }
0x4a0: {  	v23 =	vmax.f32 v23, $1.000000010e-01;
	v24 =	vmul.f32 v24, v18  }
0x4a1: {  	v23 =	vmul.f32 v23, v18  }
0x4a2: {  	v27 =	vmul.f32 $6.000000000e+00, v24;
	v24 =	vmul.f32 $7.000000000e+00, v24;
	v26 =	vld.idx.msk [tilespmem:v33+s1+$0x0], $0xffff  }
0x4a3: {  	v28 =	vmul.f32 v23, v16;
	v23 =	vmul.f32 v23, v17  }
0x4a4: {  	v27 =	vadd.f32 v27, v22;
	v22 =	vadd.f32 v24, v22  }
0x4a5: {  	v24 =	vadd.f32 v28, v25;
	v23 =	vadd.f32 v23, v25  }
0x4a6: {  	v25 =	vmax.f32 v27, $0.0e+00;
	v22 =	vmax.f32 v22, $0.0e+00  }
0x4a7: {  	v25 =	vmin.f32 v25, $6.400000000e+01;
	v22 =	vmin.f32 v22, $6.400000000e+01;
	v23 =	vmax.f32 v23, $0.0e+00  }
0x4a8: {  	v24 =	vmax.f32 v24, $0.0e+00;
	v23 =	vmin.f32 v23, $6.400000000e+01;
	v27 =	vtrunc.f32 v22  }
0x4a9: {  	v28 =	vcvt.f32.s32 v27;
	vm0 =	vgt.f32 v22, v27;
	v22 =	vtrunc.f32 v23  }
0x4aa: {  	v26 =	vtrunc.f32 v26;
	v27 =	vsel vm0, $0x1, v21;
	v29 =	vcvt.f32.s32 v22  }
0x4ab: {  	v25 =	vtrunc.f32 v25;
	vm0 =	vgt.f32 v23, v22;
	v27 =	vadd.s32 v28, v27  }
0x4ac: {  	v25 =	vcvt.f32.s32 v25;
	v23 =	vcvt.f32.s32 v26;
	v22 =	vsel vm0, $0x1, v21  }
0x4ad: {  	v28 =	vadd.s32 v29, v22;
	v22 =	vshll.u32 v32, $0x3  }
0x4ae: {  	vm0 =	vgt.s32 v23, $0x0;
	v23 =	vmin.f32 v24, $6.400000000e+01;
	v24 =	vmul.u32 $0x48, v27  }
0x4af: {  	v31 =	vmul.u32 $0x48, v25;
	v26 =	vand.u32 $0xFFFFFFF8, v28;
	v29 =	vsel vm0, $0x1248, v21  }
0x4b0: {  	v25 =	vsub.s32 v27, v25;
	v23 =	vtrunc.f32 v23;
	v27 =	vadd.s32 v29, v24  }
0x4b1: {  	v32 =	vand.u32 $0x7, v28;
	v23 =	vcvt.f32.s32 v23;
	v30 =	vadd.s32 v26, v27  }
0x4b2: {  	v33 =	vadd.s32 v29, v31;
	v34 =	vor.u32 $0x2490, v29;
	v30 =	vor.u32 v32, v30  }
0x4b3: {  	v35 =	vadd.s32 v33, v26;
	v28 =	vsub.s32 v28, v23;
	v36 =	vand.u32 $0xFFFFFFF8, v23  }
0x4b4: {  	v35 =	vor.u32 v32, v35;
	v37 =	vand.u32 $0x7, v23;
	v23 =	vadd.s32 v36, v27  }
0x4b5: {  	v25 =	vmul.u32 v28, v25;
	v27 =	vadd.s32 v36, v33;
	v23 =	vor.u32 v37, v23  }
0x4b6: {  	v28 =	vadd.s32 v34, v24;
	v33 =	vadd.s32 v34, v31;
	v27 =	vor.u32 v37, v27  }
0x4b7: {  	v34 =	vadd.s32 v26, v28;
	v28 =	vadd.s32 v36, v28;
	vm0 =	vgt.s32 v25, $0x1;
	v30 =	vld.idx.msk [tilespmem:v30+s18+$0x0], $0xffff  }
0x4b8: {  	v34 =	vor.u32 v32, v34;
	v39 =	vor.u32 v37, v28;
	v38 =	vnsel vm0, $0x1, v25  }
0x4b9: {  	v28 =	vcvt.s32.f32 v38;
	v38 =	vadd.s32 v33, v26;
	v33 =	vadd.s32 v36, v33;
	v35 =	vld.idx.msk [tilespmem:v35+s18+$0x0], $0xffff  }
0x4ba: {  	v40 =	vor.u32 $0x4920, v29;
	v38 =	vor.u32 v32, v38;
	v33 =	vor.u32 v37, v33;
	v23 =	vld.idx.msk [tilespmem:v23+s18+$0x0], $0xffff  }
0x4bb: {  	v41 =	vadd.s32 v40, v24;
	v40 =	vadd.s32 v40, v31;
	(erf) = vrcp.f32 v28  }
0x4bc: {  	v42 =	vadd.s32 v40, v26;
	v28 =	vadd.s32 v26, v41;
	v41 =	vadd.s32 v36, v41  }
0x4bd: {  	v42 =	vor.u32 v32, v42;
	v43 =	vor.u32 v32, v28;
	v41 =	vor.u32 v37, v41;
	v27 =	vld.idx.msk [tilespmem:v27+s18+$0x0], $0xffff  }
0x4be: {  	v44 =	vadd.s32 $0x9240, v29;
	v28 =	vadd.s32 v36, v40;
	v40 =	vor.u32 $0x6DB0, v29  }
0x4bf: {  	v30 =	vsub.f32 v30, v35;
	v35 =	vor.u32 v37, v28;
	v28 =	vadd.s32 v40, v24  }
0x4c0: {  	v40 =	vadd.s32 v40, v31;
	v45 =	vadd.s32 v26, v28;
	v28 =	vadd.s32 v36, v28  }
0x4c1: {  	v49 =	vsub.f32 v30, v23;
	v45 =	vor.u32 v32, v45;
	v30 =	vadd.s32 v40, v26  }
0x4c2: {  	v47 =	vor.u32 v37, v28;
	v28 =	vadd.s32 v36, v40;
	v46 =	vor.u32 v32, v30  }
0x4c3: {  	v48 =	vadd.s32 v44, v24;
	v40 =	vor.u32 v37, v28;
	v27 =	vadd.f32 v27, v49  }
0x4c4: {  	v28 =	vadd.s32 v26, v48;
	v30 =	vadd.s32 v44, v31;
	v44 =	vadd.s32 v36, v48;
	v23 =	vpop (erf)  }
0x4c5: {  	v48 =	vor.u32 v32, v28;
	v28 =	vadd.s32 v30, v26;
	v27 =	vmul.f32 v23, v27  }
0x4c6: {  	vm0 =	vgt.s32 v25, $0x0;
	v44 =	vor.u32 v37, v44;
	v49 =	vor.u32 v32, v28  }
0x4c7: {  	v28 =	vadd.s32 $0xB6D0, v29;
	v25 =	vnsel vm0, $0x0, v27;
	v27 =	vadd.s32 v36, v30  }
0x4c8: {  	[tilespmem:v22+s19+$0x0] =	vst.idx.msk $0xffff, v25;
	v50 =	vor.u32 v37, v27;
	v25 =	vadd.s32 v28, v24;
	v27 =	vadd.s32 $0xDB60, v29  }
0x4c9: {  	v30 =	vadd.s32 v28, v31;
	v34 =	vld.idx.msk [tilespmem:v34+s18+$0x0], $0xffff;
	v29 =	vadd.s32 v26, v25;
	v25 =	vadd.s32 v36, v25  }
0x4ca: {  	v38 =	vld.idx.msk [tilespmem:v38+s18+$0x0], $0xffff;
	v51 =	vor.u32 v32, v29;
	v29 =	vadd.s32 v30, v26;
	v28 =	vor.u32 v37, v25  }
0x4cb: {  	v24 =	vadd.s32 v27, v24;
	v25 =	vadd.s32 v36, v30;
	v29 =	vor.u32 v32, v29  }
0x4cc: {  	v52 =	vadd.s32 v36, v24;
	v30 =	vor.u32 v37, v25;
	v25 =	vadd.s32 v26, v24;
	v39 =	vld.idx.msk [tilespmem:v39+s18+$0x0], $0xffff  }
0x4cd: {  	v27 =	vadd.s32 v27, v31;
	v24 =	vor.u32 v32, v25;
	v25 =	vor.u32 v37, v52  }
0x4ce: {  	v26 =	vadd.s32 v27, v26;
	v31 =	vld.idx.msk [tilespmem:v33+s18+$0x0], $0xffff;
	v33 =	vadd.s32 v36, v27  }
0x4cf: {  	v27 =	vor.u32 v32, v26;
	v26 =	vor.u32 v37, v33  }
0x4d0: {  	v32 =	vsub.f32 v34, v38;
	_ =	sdelay $0x1  }
0x4d1: {  	v32 =	vsub.f32 v32, v39;
	_ =	sdelay $0x1  }
0x4d2: {  	v31 =	vadd.f32 v31, v32;
	v32 =	vor.u32 $0x1, v22;
	_ =	sdelay $0x1  }
0x4d3: {  	v31 =	vmul.f32 v23, v31;
	_ =	sdelay $0x1  }
0x4d4: {  	v31 =	vnsel vm0, $0x0, v31  }
0x4d5: {  	[tilespmem:v32+s19+$0x0] =	vst.idx.msk $0xffff, v31  }
0x4d6: {  	v31 =	vld.idx.msk [tilespmem:v43+s18+$0x0], $0xffff  }
0x4d7: {  	v32 =	vld.idx.msk [tilespmem:v42+s18+$0x0], $0xffff;
	_ =	sdelay $0x1  }
0x4d8: {  	v33 =	vld.idx.msk [tilespmem:v41+s18+$0x0], $0xffff;
	_ =	sdelay $0x1  }
0x4d9: {  	v34 =	vld.idx.msk [tilespmem:v35+s18+$0x0], $0xffff;
	_ =	sdelay $0x1  }
0x4da: {  	v31 =	vsub.f32 v31, v32;
	_ =	sdelay $0x1  }
0x4db: {  	v31 =	vsub.f32 v31, v33;
	_ =	sdelay $0x1  }
0x4dc: {  	v32 =	vor.u32 $0x2, v22;
	v31 =	vadd.f32 v34, v31;
	_ =	sdelay $0x1  }
0x4dd: {  	v31 =	vmul.f32 v23, v31;
	_ =	sdelay $0x1  }
0x4de: {  	v31 =	vnsel vm0, $0x0, v31  }
0x4df: {  	[tilespmem:v32+s19+$0x0] =	vst.idx.msk $0xffff, v31  }
0x4e0: {  	v31 =	vld.idx.msk [tilespmem:v45+s18+$0x0], $0xffff  }
0x4e1: {  	v32 =	vld.idx.msk [tilespmem:v46+s18+$0x0], $0xffff;
	_ =	sdelay $0x1  }
0x4e2: {  	v33 =	vld.idx.msk [tilespmem:v47+s18+$0x0], $0xffff;
	_ =	sdelay $0x1  }
0x4e3: {  	v34 =	vld.idx.msk [tilespmem:v40+s18+$0x0], $0xffff;
	_ =	sdelay $0x1  }
0x4e4: {  	v31 =	vsub.f32 v31, v32;
	_ =	sdelay $0x1  }
0x4e5: {  	v31 =	vsub.f32 v31, v33;
	_ =	sdelay $0x1  }
0x4e6: {  	v32 =	vor.u32 $0x3, v22;
	v31 =	vadd.f32 v34, v31;
	_ =	sdelay $0x1  }
0x4e7: {  	v31 =	vmul.f32 v31, v23;
	_ =	sdelay $0x1  }
0x4e8: {  	v31 =	vnsel vm0, $0x0, v31  }
0x4e9: {  	[tilespmem:v32+s19+$0x0] =	vst.idx.msk $0xffff, v31  }
0x4ea: {  	v31 =	vld.idx.msk [tilespmem:v48+s18+$0x0], $0xffff  }
0x4eb: {  	v32 =	vld.idx.msk [tilespmem:v49+s18+$0x0], $0xffff;
	_ =	sdelay $0x1  }
0x4ec: {  	v33 =	vld.idx.msk [tilespmem:v44+s18+$0x0], $0xffff;
	_ =	sdelay $0x1  }
0x4ed: {  	v34 =	vld.idx.msk [tilespmem:v50+s18+$0x0], $0xffff;
	_ =	sdelay $0x1  }
0x4ee: {  	v31 =	vsub.f32 v31, v32;
	_ =	sdelay $0x1  }
0x4ef: {  	v31 =	vsub.f32 v31, v33;
	_ =	sdelay $0x1  }
0x4f0: {  	v32 =	vor.u32 $0x4, v22;
	v31 =	vadd.f32 v34, v31;
	_ =	sdelay $0x1  }
.Ltmp8:
0x4f1: {  	v31 =	vmul.f32 v31, v23;
	(pc) =	sbr.rel @p1 .LBB2_13-.Ltmp8, $4  }
0x4f2: {  	_ = 	snop  }
0x4f3: {  	v31 =	vnsel vm0, $0x0, v31  }
0x4f4: {  	[tilespmem:v32+s19+$0x0] =	vst.idx.msk $0xffff, v31  }
0x4f5: {  	v31 =	vld.idx.msk [tilespmem:v51+s18+$0x0], $0xffff  }
.Ltmp9:
0x4f6: {  	_ = 	snop;
	(pc) =	sbr.rel .LBB2_14-.Ltmp9, $1  }
0x4f7: {  	_ =	sdelay $0x3  }
.LBB2_16:
0x4f8: {  	_ =	sfence.sel $0x180000  }
0x4f9: {  	[bflag:$0x0] =	sbarrier.arrive $0xFFFF  }
0x4fa: {  	_ =	strace $0x90000047  }
0x4fb: {  	s0 =	stileid.u32;
	[bflag:$0x2] =	sbarrier.arrive $0xFFFF  }
0x4fc: {  	p0 =	sne.s32 s0, $0x0;
	s0 =	rddreg [dreg:$0x2]  }
0x4fd: {  	s0 =	sadd.s32 @!p0 $0x100000, s0  }
0x4fe: {  	[sflag:s0] =	ssyncadd.tile.s32 @!p0 $0x1;
	_ =	shalt  }
.Lfunc_end2:
_tile_overlayer_lowered:
.L_overlay_start_2:
0x4ff: {  	(tag) =	ssettag $0x2  }
0x500: {  	s0 =	rddreg [dreg:$0x0];
	s2 =	stileid.u32  }
0x501: {  	s1 =	rddreg [dreg:$0x1];
	p0 =	sne.s32 s2, $0x0  }
0x502: {  	s3 =	rddreg [dreg:$0x2];
	[bflag:$0x3] =	sbarrier.arrive $0xFFFF;
	s2 =	simm.s32 @!p0 $0x1C01  }
0x503: {  	[timem:s3], [sflag:s2] =	dma.local @!p0 [hbm:s0], s1  }
0x504: {  	s0 =	simm.s32 @!p0 $0x1  }
0x505: {  	_ =	swait.ge @!p0 [sflag:s0], s1  }
0x506: {  	s1 =	ssub.s32 @!p0 $0x0, s1;
	[sflag:s0] =	ssyncset.done @!p0 $0x0  }
0x507: {  	[sflag:s0] =	ssyncadd.s32 @!p0 s1  }
0x508: {  	[bflag:$0x3] =	sbarrier.arrive $0xFFFF  }
0x509: {  	_ =	shalt  }

</sc_bundles>
